<compile_context>
chip_gen: v7x
topology: tpu7x:2x2x1
jax: 0.10.2.dev20260603
libtpu: 0.0.44.dev20260713+nightly
codegen_flags: <defaults>
</compile_context>

<pallas_src>
import functools

import jax
import jax.numpy as jnp
from jax import lax
from jax.experimental import pallas as pl
from jax.experimental.pallas import tpu as pltpu
from jax.experimental.pallas import tpu_sc as plsc

_B, _N, _C = 8, 4096, 128
_NG = 1024
_NA = _N - _NG
_K = 1024
_HS = 64
_WS = 64
_HW = _HS * _WS
_CH = 512


def _select_body(srow_ref, scol_ref, loct_ref, out_ref, cidx_ref, w4_ref):
    nt_ = _NA // _CH
    racc_r = [jnp.zeros((1, _CH), jnp.float32) for _ in range(nt_)]
    racc_c = [jnp.zeros((_CH, 1), jnp.float32) for _ in range(nt_)]
    for it in range(nt_):
        srow = srow_ref[0, 0:1, it * _CH:(it + 1) * _CH]
        iio = jax.lax.broadcasted_iota(jnp.int32, (1, _CH), 1) + it * _CH
        for jt in range(it, nt_):
            scol = scol_ref[0, jt * _CH:(jt + 1) * _CH, :]
            jio = (jax.lax.broadcasted_iota(jnp.int32, (_CH, 1), 0)
                   + jt * _CH)
            gt = ((scol > srow) | ((scol == srow) & (jio < iio))
                  ).astype(jnp.float32)
            racc_r[it] = racc_r[it] + jnp.sum(gt, axis=0, keepdims=True)
            if jt > it:
                racc_c[jt] = racc_c[jt] + (
                    jnp.float32(_CH) - jnp.sum(gt, axis=1, keepdims=True))
    rank_rows = [racc_r[t] + jnp.reshape(racc_c[t], (1, _CH))
                 for t in range(nt_)]
    rcol = jax.lax.broadcasted_iota(jnp.int32, (_K, 1), 0).astype(jnp.float32)
    accx = jnp.zeros((_K, 1), jnp.float32)
    accy = jnp.zeros((_K, 1), jnp.float32)
    for t, it in enumerate(range(0, _NA, _CH)):
        oh = (rank_rows[t] == rcol).astype(jnp.float32)
        lx = loct_ref[0, 0:1, it:it + _CH]
        ly = loct_ref[0, 1:2, it:it + _CH]
        accx = accx + jnp.sum(oh * lx, axis=1, keepdims=True)
        accy = accy + jnp.sum(oh * ly, axis=1, keepdims=True)
    out_ref[0, :, 0:1] = accx
    out_ref[0, :, 1:2] = accy
    px = (accx + 1.0) * 0.5 * 64.0 - 0.5
    py = (accy + 1.0) * 0.5 * 64.0 - 0.5
    x0 = jnp.floor(px)
    y0 = jnp.floor(py)
    wx1 = px - x0
    wx0 = 1.0 - wx1
    wy1 = py - y0
    wy0 = 1.0 - wy1
    corners = ((x0, y0, wx0 * wy0), (x0 + 1.0, y0, wx1 * wy0),
               (x0, y0 + 1.0, wx0 * wy1), (x0 + 1.0, y0 + 1.0, wx1 * wy1))
    for ci, (xf, yf, w) in enumerate(corners):
        valid = ((xf >= 0) & (xf < _WS) & (yf >= 0) & (yf < _HS))
        w4_ref[0, :, ci:ci + 1] = w * valid.astype(jnp.float32)
        xc = jnp.clip(xf, 0, _WS - 1).astype(jnp.int32)
        yc = jnp.clip(yf, 0, _HS - 1).astype(jnp.int32)
        cidx_ref[0, ci, :] = jnp.reshape(yc * _WS + xc, (_K,))


_TPB = _N // 16
_CPB = _HW // 16


def _cells_body(loct_ref, cells_ref):
    lx = jnp.clip(loct_ref[0, 0:1, :], -1.0, 1.0)
    ly = jnp.clip(loct_ref[0, 1:2, :], -1.0, 1.0)
    pxf = 0.5 * (lx + 1.0) * 64.0 - 0.5
    pyf = 0.5 * (ly + 1.0) * 64.0 - 0.5
    xi = jnp.clip(jnp.round(pxf).astype(jnp.int32), 0, _WS - 1)
    yi = jnp.clip(jnp.round(pyf).astype(jnp.int32), 0, _HS - 1)
    cells_ref[0] = xi + yi * _WS


def _hist_body(cells_ref, cellst_ref, cnt_ref):
    cell_row = cells_ref[0]
    cell_col = cellst_ref[0]
    y_col = jax.lax.broadcasted_iota(jnp.int32, (_HS, 1), 0)
    x_row = jax.lax.broadcasted_iota(jnp.int32, (1, _WS), 1)
    a = ((cell_row >> 6) == y_col).astype(jnp.bfloat16)
    bm = ((cell_col & 63) == x_row).astype(jnp.bfloat16)
    cnt_ref[0] = jnp.dot(a, bm, preferred_element_type=jnp.float32)


def _sc_scatter_body(src_hbm, cells_hbm, zeros_hbm, out_hbm,
                     idx_v, rows_v, acc_sh):
    c = lax.axis_index("c")
    s = lax.axis_index("s")
    base = s * _TPB
    for bb in range(_B // 2):
        b = c * (_B // 2) + bb
        pltpu.sync_copy(zeros_hbm.at[pl.ds(base, _CPB)],
                        acc_sh.at[pl.ds(base, _CPB)])
        pltpu.sync_copy(src_hbm.at[b, pl.ds(base, _TPB)], rows_v)
        pltpu.sync_copy(cells_hbm.at[b, s], idx_v)
        plsc.subcore_barrier()
        for j in range(_TPB // 128):
            pltpu.sync_copy(rows_v.at[pl.ds(j * 128, 128)],
                            acc_sh.at[idx_v.at[j]], add=True)
        plsc.subcore_barrier()
        pltpu.sync_copy(acc_sh.at[pl.ds(base, _CPB)],
                        out_hbm.at[b, pl.ds(base, _CPB)])
        plsc.subcore_barrier()


_GK = None


def _gauss_weights():
    import math as _math
    import numpy as _np
    coords = _np.arange(3, dtype=_np.float32)
    x_grid = _np.tile(coords, 3).reshape(3, 3)
    y_grid = x_grid.T
    mean, variance = 1.0, 4.0
    gk = (1.0 / (2.0 * _math.pi * variance)
          * _np.exp(-((x_grid - mean) ** 2 + (y_grid - mean) ** 2)
                    / (2.0 * variance)))
    gk = gk / gk.sum()
    return gk.astype(_np.float32)


def _blur_body(feat_ref, cnt_ref, out_ref):
    gk = _gauss_weights()
    cnt = cnt_ref[0]
    mask = (cnt > 0).astype(jnp.float32)
    feature = feat_ref[0] / (cnt + 1e-6) * mask
    zf = jnp.zeros((65, _C), jnp.bfloat16)
    zm = jnp.zeros((65, 1), jnp.float32)
    fp = jnp.concatenate([zf, feature.astype(jnp.bfloat16), zf], axis=0)
    mp = jnp.concatenate([zm, mask, zm], axis=0)
    xpos = jax.lax.broadcasted_iota(jnp.int32, (_HW, 1), 0) & (_WS - 1)
    accf = jnp.zeros((_HW, _C), jnp.bfloat16)
    accm = jnp.zeros((_HW, 1), jnp.float32)
    for dy in (-1, 0, 1):
        for dx in (-1, 0, 1):
            w = float(gk[dy + 1, dx + 1])
            o = 65 + dy * _WS + dx
            if dx == -1:
                xm = (xpos >= 1)
            elif dx == 1:
                xm = (xpos <= _WS - 2)
            else:
                xm = None
            fs = fp[o:o + _HW, :]
            ms = mp[o:o + _HW, :]
            if xm is not None:
                fs = fs * xm.astype(jnp.bfloat16)
                ms = ms * xm.astype(jnp.float32)
            accf = accf + jnp.bfloat16(w) * fs
            accm = accm + w * ms
    fi = accf.astype(jnp.float32) / (accm + 1e-6)
    mi = (accm > 0).astype(jnp.float32)
    fi = fi * mi
    out_ref[0] = feature + (1.0 - mask) * fi


def _sc_gather_body(xmap_hbm, cidx_hbm, out_hbm, idx_v, rows_v, sem):
    c = lax.axis_index("c")
    s = lax.axis_index("s")
    base = s * _TPB
    for bb in range(_B // 2):
        b = c * (_B // 2) + bb
        pltpu.sync_copy(cidx_hbm.at[b, s], idx_v)
        for j in range(_TPB // 128):
            pltpu.async_copy(xmap_hbm.at[b].at[idx_v.at[j]],
                             rows_v.at[pl.ds(j * 128, 128)], sem).wait()
        pltpu.sync_copy(rows_v, out_hbm.at[b, pl.ds(base, _TPB)])


def _combine_body(rows_ref, w4_ref, ld_ref, xg_ref, lg_ref, pw_ref, pb_ref,
                  out_ref):
    pw0 = pw_ref[0:1, :]
    pw1 = pw_ref[1:2, :]
    pb = pb_ref[...]
    lgx = lg_ref[0, :, 0:1]
    lgy = lg_ref[0, :, 1:2]
    out_ref[0, 0:_NG, :] = xg_ref[0] + (lgx * pw0 + lgy * pw1 + pb)
    acc = jnp.zeros((_K, _C), jnp.float32)
    for ci in range(4):
        acc = acc + w4_ref[0, :, ci:ci + 1] * rows_ref[0, ci]
    lx = ld_ref[0, :, 0:1]
    ly = ld_ref[0, :, 1:2]
    out_ref[0, _NG:, :] = acc + (lx * pw0 + ly * pw1 + pb)


def kernel(x, loc, ln_w, ln_b, W_conf, b_conf, W_pos, b_pos, H, W, N_grid):
    del H, W, N_grid
    f32 = jnp.float32
    x = x.astype(f32)
    loc = loc.astype(f32)

    u = jax.random.uniform(jax.random.key(42), (_B, _NA), dtype=f32)
    nz = -1.0 * jnp.log(u + 1e-6)
    nz = -1.0 * jnp.log(nz + 1e-6)

    loct = jnp.transpose(loc, (0, 2, 1))
    loct_ada = loct[:, :, _NG:]

    mu = jnp.mean(x, axis=-1, keepdims=True)
    var = jnp.mean((x - mu) ** 2, axis=-1, keepdims=True)
    y = (x - mu) / jnp.sqrt(var + 1e-5) * ln_w + ln_b
    conf = y @ W_conf.T + b_conf
    scores = conf[:, _NG:, 0] + nz

    loc_down, cidx, w4 = pl.pallas_call(
        _select_body,
        grid=(_B,),
        in_specs=[
            pl.BlockSpec((1, 1, _NA), lambda b: (b, 0, 0)),
            pl.BlockSpec((1, _NA, 1), lambda b: (b, 0, 0)),
            pl.BlockSpec((1, 2, _NA), lambda b: (b, 0, 0)),
        ],
        out_specs=[
            pl.BlockSpec((1, _K, 2), lambda b: (b, 0, 0)),
            pl.BlockSpec((1, 4, _K), lambda b: (b, 0, 0)),
            pl.BlockSpec((1, _K, 4), lambda b: (b, 0, 0)),
        ],
        out_shape=[
            jax.ShapeDtypeStruct((_B, _K, 2), f32),
            jax.ShapeDtypeStruct((_B, 4, _K), jnp.int32),
            jax.ShapeDtypeStruct((_B, _K, 4), f32),
        ],
    )(scores.reshape(_B, 1, _NA), scores.reshape(_B, _NA, 1), loct_ada)

    cells = pl.pallas_call(
        _cells_body,
        grid=(_B,),
        in_specs=[pl.BlockSpec((1, 2, _N), lambda b: (b, 0, 0))],
        out_specs=pl.BlockSpec((1, 1, _N), lambda b: (b, 0, 0)),
        out_shape=jax.ShapeDtypeStruct((_B, 1, _N), jnp.int32),
    )(loct)

    cnt = pl.pallas_call(
        _hist_body,
        grid=(_B,),
        in_specs=[
            pl.BlockSpec((1, 1, _N), lambda b: (b, 0, 0)),
            pl.BlockSpec((1, _N, 1), lambda b: (b, 0, 0)),
        ],
        out_specs=pl.BlockSpec((1, _HS, _WS), lambda b: (b, 0, 0)),
        out_shape=jax.ShapeDtypeStruct((_B, _HS, _WS), f32),
    )(cells, cells.reshape(_B, _N, 1)).reshape(_B, _HW, 1)

    sc_scatter = functools.partial(
        pl.kernel,
        out_type=jax.ShapeDtypeStruct((_B, _HW, _C), f32),
        mesh=plsc.VectorSubcoreMesh(core_axis_name="c", subcore_axis_name="s"),
        scratch_types=[
            pltpu.VMEM((_TPB // 128, 128), jnp.int32),
            pltpu.VMEM((_TPB, _C), f32),
            pltpu.VMEM_SHARED((_HW, _C), f32),
        ],
    )(_sc_scatter_body)
    feat = sc_scatter(x, cells.reshape(_B, 16, _TPB // 128, 128),
                      jnp.zeros((_HW, _C), f32))

    xmap = pl.pallas_call(
        _blur_body,
        grid=(_B,),
        in_specs=[
            pl.BlockSpec((1, _HW, _C), lambda b: (b, 0, 0)),
            pl.BlockSpec((1, _HW, 1), lambda b: (b, 0, 0)),
        ],
        out_specs=pl.BlockSpec((1, _HW, _C), lambda b: (b, 0, 0)),
        out_shape=jax.ShapeDtypeStruct((_B, _HW, _C), f32),
    )(feat, cnt)

    sc_gather = functools.partial(
        pl.kernel,
        out_type=jax.ShapeDtypeStruct((_B, 4 * _K, _C), f32),
        mesh=plsc.VectorSubcoreMesh(core_axis_name="c", subcore_axis_name="s"),
        scratch_types=[
            pltpu.VMEM((_TPB // 128, 128), jnp.int32),
            pltpu.VMEM((_TPB, _C), f32),
            pltpu.SemaphoreType.DMA,
        ],
    )(_sc_gather_body)
    rows4 = sc_gather(xmap, cidx.reshape(_B, 16, _TPB // 128, 128))

    out = pl.pallas_call(
        _combine_body,
        grid=(_B,),
        in_specs=[
            pl.BlockSpec((1, 4, _K, _C), lambda b: (b, 0, 0, 0)),
            pl.BlockSpec((1, _K, 4), lambda b: (b, 0, 0)),
            pl.BlockSpec((1, _K, 2), lambda b: (b, 0, 0)),
            pl.BlockSpec((1, _NG, _C), lambda b: (b, 0, 0)),
            pl.BlockSpec((1, _NG, 2), lambda b: (b, 0, 0)),
            pl.BlockSpec((2, _C), lambda b: (0, 0)),
            pl.BlockSpec((1, _C), lambda b: (0, 0)),
        ],
        out_specs=pl.BlockSpec((1, 2 * _K, _C), lambda b: (b, 0, 0)),
        out_shape=jax.ShapeDtypeStruct((_B, 2 * _K, _C), f32),
    )(rows4.reshape(_B, 4, _K, _C), w4, loc_down, x[:, :_NG], loc[:, :_NG],
      jnp.transpose(W_pos.astype(f32)), b_pos.reshape(1, _C).astype(f32))

    return out

# --- scband reference (transcript-rebuilt; emitter-appended) ---
"""Pipeline reference for scband-resample-block-39281770889911 (READ-ONLY COPY).

The authoritative reference and input builder live on the scoring server;
editing this copy changes nothing except your own understanding.
"""

import math
import jax
import jax.numpy as jnp
import numpy as np

DIM = 128
SAMPLE_NUM = 1024
KERNEL_SIZE = 3
SIGMA = 2.0


def gaussian_filt(x, kernel_size=3, sigma=2.0):
    channels = x.shape[1]
    coords = jnp.arange(kernel_size)
    x_grid = jnp.tile(coords, kernel_size).reshape(kernel_size, kernel_size)
    y_grid = x_grid.T
    xy_grid = jnp.stack([x_grid, y_grid], axis=-1).astype(jnp.float32)
    mean = (kernel_size - 1) / 2.0
    variance = sigma ** 2.0
    gk = 1.0 / (2.0 * math.pi * variance) * jnp.exp(-jnp.sum((xy_grid - mean) ** 2.0, axis=-1) / (2 * variance))
    gk = gk / jnp.sum(gk)
    kernel = jnp.broadcast_to(gk[None, None], (channels, 1, kernel_size, kernel_size))
    pad = int((kernel_size - 1) // 2)
    return jax.lax.conv_general_dilated(x, kernel, window_strides=(1, 1), padding=[(pad, pad), (pad, pad)], dimension_numbers=('NCHW', 'OIHW', 'NCHW'), feature_group_count=channels)


def reconstruct_feature(feature, mask, kernel_size, sigma):
    if kernel_size < 3:
        return feature
    feature = feature * mask
    out = gaussian_filt(jnp.concatenate([feature, mask], axis=1), kernel_size, sigma)
    C = out.shape[1] - 1
    feature_inter = out[:, :C] / (out[:, C:] + 1e-06)
    mask_inter = (out[:, C:] > 0).astype(feature.dtype)
    feature_inter = feature_inter * mask_inter
    return feature + (1 - mask) * feature_inter


def token2map(x, loc, map_size, kernel_size, sigma):
    H, W = map_size
    B, N, C = x.shape
    loc_c = jnp.clip(loc, -1.0, 1.0)
    loc_px = 0.5 * (loc_c + 1.0) * jnp.array([W, H], dtype=jnp.float32)[None, None, :] - 0.5
    loc_px = jnp.round(loc_px).astype(jnp.int32)
    xi = jnp.clip(loc_px[..., 0], 0, W - 1)
    yi = jnp.clip(loc_px[..., 1], 0, H - 1)
    idx = xi + yi * W + jnp.arange(B, dtype=jnp.int32)[:, None] * (H * W)
    src = jnp.concatenate([x, jnp.ones((B, N, 1), dtype=x.dtype)], axis=-1).reshape(B * N, C + 1)
    out = jnp.zeros((B * H * W, C + 1), dtype=x.dtype).at[idx.reshape(B * N)].add(src)
    out = out.reshape(B, H, W, C + 1).transpose(0, 3, 1, 2)
    feature = out[:, :C]
    mask = out[:, C:]
    feature = feature / (mask + 1e-06)
    mask = (mask > 0).astype(x.dtype)
    feature = feature * mask
    feature = reconstruct_feature(feature, mask, kernel_size, sigma)
    return feature


def map2token(feature_map, loc_xy):
    B, C, H, W = feature_map.shape
    px = (loc_xy[..., 0] + 1.0) * 0.5 * W - 0.5
    py = (loc_xy[..., 1] + 1.0) * 0.5 * H - 0.5
    x0 = jnp.floor(px)
    y0 = jnp.floor(py)
    x1 = x0 + 1.0
    y1 = y0 + 1.0
    wx1 = px - x0
    wx0 = 1.0 - wx1
    wy1 = py - y0
    wy0 = 1.0 - wy1
    flat = feature_map.reshape(B, C, H * W)
    def samp(xf, yf):
        valid = (xf >= 0) & (xf < W) & (yf >= 0) & (yf < H)
        xc = jnp.clip(xf, 0, W - 1).astype(jnp.int32)
        yc = jnp.clip(yf, 0, H - 1).astype(jnp.int32)
        idx = (yc * W + xc)[:, None, :]
        g = jnp.take_along_axis(flat, idx, axis=2)
        return g * valid[:, None, :].astype(flat.dtype)
    out = (samp(x0, y0) * (wx0 * wy0)[:, None, :] + samp(x1, y0) * (wx1 * wy0)[:, None, :] + samp(x0, y1) * (wx0 * wy1)[:, None, :] + samp(x1, y1) * (wx1 * wy1)[:, None, :])
    return out.transpose(0, 2, 1)


def layer_norm(x, w, b, eps=1e-5):
    mu = jnp.mean(x, axis=-1, keepdims=True)
    var = jnp.mean((x - mu) ** 2, axis=-1, keepdims=True)
    return (x - mu) / jnp.sqrt(var + eps) * w + b


def gumble_top_k(x, k, key, T=1.0, p_value=1e-06):
    noise = jax.random.uniform(key, x.shape, dtype=x.dtype)
    noise = -1.0 * jnp.log(noise + p_value)
    noise = -1.0 * jnp.log(noise + p_value)
    scores = x / T + noise
    _, index_k = jax.lax.top_k(scores, k)
    return index_k


def _forward(x, loc, ln_w, ln_b, W_conf, b_conf, W_pos, b_pos, H, W, N_grid):
    B, N, C = x.shape
    H_s, W_s, N_grid_s = 64, 64, 1024
    zero_i = (jnp.asarray(H) * 0 + jnp.asarray(W) * 0 + jnp.asarray(N_grid) * 0).astype(jnp.int32)
    conf = layer_norm(x, ln_w, ln_b) @ W_conf.T + b_conf
    x_grid = x[:, :N_grid_s]
    loc_grid = loc[:, :N_grid_s]
    loc_ada = loc[:, N_grid_s:]
    conf_ada = conf[:, N_grid_s:, 0]
    index_down = gumble_top_k(conf_ada, SAMPLE_NUM, jax.random.key(42))
    index_down = index_down + zero_i
    loc_down = jnp.take_along_axis(loc_ada, index_down[..., None], axis=1)
    x_map = token2map(x, loc, (H_s, W_s), KERNEL_SIZE, SIGMA)
    x_ada_down = map2token(x_map, loc_down)
    x_down = jnp.concatenate([x_grid, x_ada_down], axis=1)
    loc_new = jnp.concatenate([loc_grid, loc_down], axis=1)
    x_down = x_down + loc_new @ W_pos.T + b_pos
    return x_down


def setup_inputs(seed: int = 0) -> dict:
    key = jax.random.key(seed)
    ks = jax.random.split(key, 4)
    B, N, C = 8, 4096, DIM
    x = jax.random.normal(ks[0], (B, N, C), dtype=jnp.float32)
    loc = jax.random.uniform(ks[1], (B, N, 2), dtype=jnp.float32)
    ln_w = jnp.ones((C,), dtype=jnp.float32)
    ln_b = jnp.zeros((C,), dtype=jnp.float32)
    W_conf = jax.random.normal(ks[2], (1, C), dtype=jnp.float32) * 0.02
    b_conf = jnp.zeros((1,), dtype=jnp.float32)
    W_pos = jax.random.normal(ks[3], (C, 2), dtype=jnp.float32) * 0.02
    b_pos = jnp.zeros((C,), dtype=jnp.float32)
    return {"x": x, "loc": loc, "ln_w": ln_w, "ln_b": ln_b, "W_conf": W_conf, "b_conf": b_conf, "W_pos": W_pos, "b_pos": b_pos, "H": 64, "W": 64, "N_grid": 1024}


def reference(x, loc, ln_w, ln_b, W_conf, b_conf, W_pos, b_pos, H, W, N_grid):
    return _forward(x, loc, ln_w, ln_b, W_conf, b_conf, W_pos, b_pos, H, W, N_grid)

if __name__ == "__main__":
    import jax
    _d = setup_inputs()
    print(jax.jit(kernel)(*tuple(_d.values())))

</pallas_src>

<mosaic_0001>
#map = affine_map<(d0, d1) -> (0, 0, 0)>
#map1 = affine_map<(d0, d1) -> (0, 0, 0, 0)>
module attributes {stable_mosaic.version = 14 : i64} {
  func.func @_sc_gather_body(%arg0: i32, %arg1: i32, %arg2: memref<8x4096x128xf32, #tpu.memory_space<hbm>>, %arg3: memref<8x16x2x128xi32, #tpu.memory_space<hbm>>, %arg4: memref<8x4096x128xf32, #tpu.memory_space<hbm>>, %arg5: memref<2x128xi32, #tpu.memory_space<vmem>>, %arg6: memref<256x128xf32, #tpu.memory_space<vmem>>, %arg7: memref<!tpu.dma_semaphore, #tpu.memory_space<semaphore_mem>>) attributes {dimension_semantics = [#tpu.dimension_semantics<core_parallel>, #tpu.dimension_semantics<subcore_parallel>], iteration_bounds = array<i64: 2, 16>, scalar_prefetch = 0 : i64, scratch_operands = 3 : i64, tpu.core_type = #tpu.core_type<sc_vector_subcore>, window_params = [{transform_indices = #map}, {transform_indices = #map1}, {transform_indices = #map}]} {
    %mul3A = arith.constant 256 : i32
    %mul3A_0 = arith.muli %arg1, %mul3A : i32
    %mul3A_1 = arith.constant 4 : i32
    %mul3A_2 = arith.muli %arg0, %mul3A_1 : i32
    %add3A = arith.constant 0 : i32
    %add3A_3 = arith.addi %mul3A_2, %add3A : i32
    "tpu.region"() ({
      %run_scoped3A = tpu.sem_alloc : memref<!tpu.dma_semaphore, #tpu.memory_space<semaphore_mem>>
      %dma_start3A_238 = arith.constant 0 : i32
      %dma_start3A_239 = arith.constant 0 : i32
      %dma_start3A_240 = tpu.memref_slice %arg3[%add3A_3, %arg1, %dma_start3A_238, %dma_start3A_239] : memref<8x16x2x128xi32, #tpu.memory_space<hbm>> -> memref<1x1x2x128xi32, #tpu.memory_space<hbm>>
      %dma_start3A_241 = tpu.memref_squeeze %dma_start3A_240 : memref<1x1x2x128xi32, #tpu.memory_space<hbm>> -> memref<2x128xi32, #tpu.memory_space<hbm>>
      %dma_start3A_242 = arith.constant 0 : i32
      %dma_start3A_243 = arith.constant 0 : i32
      %dma_start3A_244 = tpu.memref_slice %arg3[%add3A_3, %arg1, %dma_start3A_242, %dma_start3A_243] : memref<8x16x2x128xi32, #tpu.memory_space<hbm>> -> memref<1x1x2x128xi32, #tpu.memory_space<hbm>>
      %dma_start3A_245 = tpu.memref_squeeze %dma_start3A_244 : memref<1x1x2x128xi32, #tpu.memory_space<hbm>> -> memref<2x128xi32, #tpu.memory_space<hbm>>
      tpu.enqueue_dma source(%dma_start3A_245 : memref<2x128xi32, #tpu.memory_space<hbm>>) target(%arg5 : memref<2x128xi32, #tpu.memory_space<vmem>>) target_semaphore(%run_scoped3A : memref<!tpu.dma_semaphore, #tpu.memory_space<semaphore_mem>>)
      %dma_wait3A_246 = arith.constant 0 : i32
      %dma_wait3A_247 = arith.constant 0 : i32
      %dma_wait3A_248 = tpu.memref_slice %arg3[%add3A_3, %arg1, %dma_wait3A_246, %dma_wait3A_247] : memref<8x16x2x128xi32, #tpu.memory_space<hbm>> -> memref<1x1x2x128xi32, #tpu.memory_space<hbm>>
      %dma_wait3A_249 = tpu.memref_squeeze %dma_wait3A_248 : memref<1x1x2x128xi32, #tpu.memory_space<hbm>> -> memref<2x128xi32, #tpu.memory_space<hbm>>
      %dma_wait3A_250 = arith.constant 0 : i32
      %dma_wait3A_251 = arith.constant 0 : i32
      %dma_wait3A_252 = tpu.memref_slice %arg3[%add3A_3, %arg1, %dma_wait3A_250, %dma_wait3A_251] : memref<8x16x2x128xi32, #tpu.memory_space<hbm>> -> memref<1x1x2x128xi32, #tpu.memory_space<hbm>>
      %dma_wait3A_253 = tpu.memref_squeeze %dma_wait3A_252 : memref<1x1x2x128xi32, #tpu.memory_space<hbm>> -> memref<2x128xi32, #tpu.memory_space<hbm>>
      tpu.wait_dma2 semaphore(%run_scoped3A : memref<!tpu.dma_semaphore, #tpu.memory_space<semaphore_mem>>) src(%dma_wait3A_253 : memref<2x128xi32, #tpu.memory_space<hbm>>) dst(%arg5 : memref<2x128xi32, #tpu.memory_space<vmem>>)
      tpu.yield
    }) : () -> ()
    %dma_start3A = arith.constant 0 : i32
    %dma_start3A_4 = arith.constant 0 : i32
    %dma_start3A_5 = arith.constant 0 : i32
    %dma_start3A_6 = tpu.memref_slice %arg6[%dma_start3A_4, %dma_start3A_5] : memref<256x128xf32, #tpu.memory_space<vmem>> -> memref<128x128xf32, #tpu.memory_space<vmem>>
    %dma_start3A_7 = arith.constant 0 : i32
    %dma_start3A_8 = tpu.memref_slice %arg5[%dma_start3A, %dma_start3A_7] : memref<2x128xi32, #tpu.memory_space<vmem>> -> memref<1x128xi32, #tpu.memory_space<vmem>>
    %dma_start3A_9 = tpu.memref_squeeze %dma_start3A_8 : memref<1x128xi32, #tpu.memory_space<vmem>> -> memref<128xi32, #tpu.memory_space<vmem>>
    %dma_start3A_10 = arith.constant 0 : i32
    %dma_start3A_11 = arith.constant 0 : i32
    %dma_start3A_12 = tpu.memref_slice %arg2[%add3A_3, %dma_start3A_10, %dma_start3A_11] : memref<8x4096x128xf32, #tpu.memory_space<hbm>> -> memref<1x4096x128xf32, #tpu.memory_space<hbm>>
    %dma_start3A_13 = tpu.memref_squeeze %dma_start3A_12 : memref<1x4096x128xf32, #tpu.memory_space<hbm>> -> memref<4096x128xf32, #tpu.memory_space<hbm>>
    %dma_start3A_14 = arith.constant 0 : i32
    %dma_start3A_15 = arith.constant 0 : i32
    %dma_start3A_16 = tpu.memref_slice %dma_start3A_13[%dma_start3A_14, %dma_start3A_15] : memref<4096x128xf32, #tpu.memory_space<hbm>> -> memref<4096x128xf32, #tpu.memory_space<hbm>>
    tpu.enqueue_indirect_dma source(%dma_start3A_16 : memref<4096x128xf32, #tpu.memory_space<hbm>>) target(%dma_start3A_6 : memref<128x128xf32, #tpu.memory_space<vmem>>) offsets(%dma_start3A_9 : memref<128xi32, #tpu.memory_space<vmem>>) semaphore(%arg7 : memref<!tpu.dma_semaphore, #tpu.memory_space<semaphore_mem>>)
    %dma_wait3A = arith.constant 0 : i32
    %dma_wait3A_17 = arith.constant 0 : i32
    %dma_wait3A_18 = arith.constant 0 : i32
    %dma_wait3A_19 = tpu.memref_slice %arg6[%dma_wait3A_17, %dma_wait3A_18] : memref<256x128xf32, #tpu.memory_space<vmem>> -> memref<128x128xf32, #tpu.memory_space<vmem>>
    %dma_wait3A_20 = arith.constant 0 : i32
    %dma_wait3A_21 = tpu.memref_slice %arg5[%dma_wait3A, %dma_wait3A_20] : memref<2x128xi32, #tpu.memory_space<vmem>> -> memref<1x128xi32, #tpu.memory_space<vmem>>
    %dma_wait3A_22 = tpu.memref_squeeze %dma_wait3A_21 : memref<1x128xi32, #tpu.memory_space<vmem>> -> memref<128xi32, #tpu.memory_space<vmem>>
    %dma_wait3A_23 = arith.constant 0 : i32
    %dma_wait3A_24 = arith.constant 0 : i32
    %dma_wait3A_25 = tpu.memref_slice %arg2[%add3A_3, %dma_wait3A_23, %dma_wait3A_24] : memref<8x4096x128xf32, #tpu.memory_space<hbm>> -> memref<1x4096x128xf32, #tpu.memory_space<hbm>>
    %dma_wait3A_26 = tpu.memref_squeeze %dma_wait3A_25 : memref<1x4096x128xf32, #tpu.memory_space<hbm>> -> memref<4096x128xf32, #tpu.memory_space<hbm>>
    %dma_wait3A_27 = arith.constant 0 : i32
    %dma_wait3A_28 = arith.constant 0 : i32
    %dma_wait3A_29 = tpu.memref_slice %dma_wait3A_26[%dma_wait3A_27, %dma_wait3A_28] : memref<4096x128xf32, #tpu.memory_space<hbm>> -> memref<4096x128xf32, #tpu.memory_space<hbm>>
    tpu.wait_indirect_dma semaphore(%arg7 : memref<!tpu.dma_semaphore, #tpu.memory_space<semaphore_mem>>) src(%dma_wait3A_29 : memref<4096x128xf32, #tpu.memory_space<hbm>>) dst(%dma_wait3A_19 : memref<128x128xf32, #tpu.memory_space<vmem>>)
    %dma_start3A_30 = arith.constant 1 : i32
    %dma_start3A_31 = arith.constant 128 : i32
    %dma_start3A_32 = arith.constant 0 : i32
    %dma_start3A_33 = tpu.memref_slice %arg6[%dma_start3A_31, %dma_start3A_32] : memref<256x128xf32, #tpu.memory_space<vmem>> -> memref<128x128xf32, #tpu.memory_space<vmem>>
    %dma_start3A_34 = arith.constant 0 : i32
    %dma_start3A_35 = tpu.memref_slice %arg5[%dma_start3A_30, %dma_start3A_34] : memref<2x128xi32, #tpu.memory_space<vmem>> -> memref<1x128xi32, #tpu.memory_space<vmem>>
    %dma_start3A_36 = tpu.memref_squeeze %dma_start3A_35 : memref<1x128xi32, #tpu.memory_space<vmem>> -> memref<128xi32, #tpu.memory_space<vmem>>
    %dma_start3A_37 = arith.constant 0 : i32
    %dma_start3A_38 = arith.constant 0 : i32
    %dma_start3A_39 = tpu.memref_slice %arg2[%add3A_3, %dma_start3A_37, %dma_start3A_38] : memref<8x4096x128xf32, #tpu.memory_space<hbm>> -> memref<1x4096x128xf32, #tpu.memory_space<hbm>>
    %dma_start3A_40 = tpu.memref_squeeze %dma_start3A_39 : memref<1x4096x128xf32, #tpu.memory_space<hbm>> -> memref<4096x128xf32, #tpu.memory_space<hbm>>
    %dma_start3A_41 = arith.constant 0 : i32
    %dma_start3A_42 = arith.constant 0 : i32
    %dma_start3A_43 = tpu.memref_slice %dma_start3A_40[%dma_start3A_41, %dma_start3A_42] : memref<4096x128xf32, #tpu.memory_space<hbm>> -> memref<4096x128xf32, #tpu.memory_space<hbm>>
    tpu.enqueue_indirect_dma source(%dma_start3A_43 : memref<4096x128xf32, #tpu.memory_space<hbm>>) target(%dma_start3A_33 : memref<128x128xf32, #tpu.memory_space<vmem>>) offsets(%dma_start3A_36 : memref<128xi32, #tpu.memory_space<vmem>>) semaphore(%arg7 : memref<!tpu.dma_semaphore, #tpu.memory_space<semaphore_mem>>)
    %dma_wait3A_44 = arith.constant 1 : i32
    %dma_wait3A_45 = arith.constant 128 : i32
    %dma_wait3A_46 = arith.constant 0 : i32
    %dma_wait3A_47 = tpu.memref_slice %arg6[%dma_wait3A_45, %dma_wait3A_46] : memref<256x128xf32, #tpu.memory_space<vmem>> -> memref<128x128xf32, #tpu.memory_space<vmem>>
    %dma_wait3A_48 = arith.constant 0 : i32
    %dma_wait3A_49 = tpu.memref_slice %arg5[%dma_wait3A_44, %dma_wait3A_48] : memref<2x128xi32, #tpu.memory_space<vmem>> -> memref<1x128xi32, #tpu.memory_space<vmem>>
    %dma_wait3A_50 = tpu.memref_squeeze %dma_wait3A_49 : memref<1x128xi32, #tpu.memory_space<vmem>> -> memref<128xi32, #tpu.memory_space<vmem>>
    %dma_wait3A_51 = arith.constant 0 : i32
    %dma_wait3A_52 = arith.constant 0 : i32
    %dma_wait3A_53 = tpu.memref_slice %arg2[%add3A_3, %dma_wait3A_51, %dma_wait3A_52] : memref<8x4096x128xf32, #tpu.memory_space<hbm>> -> memref<1x4096x128xf32, #tpu.memory_space<hbm>>
    %dma_wait3A_54 = tpu.memref_squeeze %dma_wait3A_53 : memref<1x4096x128xf32, #tpu.memory_space<hbm>> -> memref<4096x128xf32, #tpu.memory_space<hbm>>
    %dma_wait3A_55 = arith.constant 0 : i32
    %dma_wait3A_56 = arith.constant 0 : i32
    %dma_wait3A_57 = tpu.memref_slice %dma_wait3A_54[%dma_wait3A_55, %dma_wait3A_56] : memref<4096x128xf32, #tpu.memory_space<hbm>> -> memref<4096x128xf32, #tpu.memory_space<hbm>>
    tpu.wait_indirect_dma semaphore(%arg7 : memref<!tpu.dma_semaphore, #tpu.memory_space<semaphore_mem>>) src(%dma_wait3A_57 : memref<4096x128xf32, #tpu.memory_space<hbm>>) dst(%dma_wait3A_47 : memref<128x128xf32, #tpu.memory_space<vmem>>)
    "tpu.region"() ({
      %run_scoped3A = tpu.sem_alloc : memref<!tpu.dma_semaphore, #tpu.memory_space<semaphore_mem>>
      %dma_start3A_238 = arith.constant 0 : i32
      %dma_start3A_239 = tpu.memref_slice %arg4[%add3A_3, %mul3A_0, %dma_start3A_238] : memref<8x4096x128xf32, #tpu.memory_space<hbm>> -> memref<1x256x128xf32, #tpu.memory_space<hbm>>
      %dma_start3A_240 = tpu.memref_squeeze %dma_start3A_239 : memref<1x256x128xf32, #tpu.memory_space<hbm>> -> memref<256x128xf32, #tpu.memory_space<hbm>>
      %dma_start3A_241 = arith.constant 0 : i32
      %dma_start3A_242 = tpu.memref_slice %arg4[%add3A_3, %mul3A_0, %dma_start3A_241] : memref<8x4096x128xf32, #tpu.memory_space<hbm>> -> memref<1x256x128xf32, #tpu.memory_space<hbm>>
      %dma_start3A_243 = tpu.memref_squeeze %dma_start3A_242 : memref<1x256x128xf32, #tpu.memory_space<hbm>> -> memref<256x128xf32, #tpu.memory_space<hbm>>
      tpu.enqueue_dma source(%arg6 : memref<256x128xf32, #tpu.memory_space<vmem>>) target(%dma_start3A_243 : memref<256x128xf32, #tpu.memory_space<hbm>>) target_semaphore(%run_scoped3A : memref<!tpu.dma_semaphore, #tpu.memory_space<semaphore_mem>>)
      %dma_wait3A_244 = arith.constant 0 : i32
      %dma_wait3A_245 = tpu.memref_slice %arg4[%add3A_3, %mul3A_0, %dma_wait3A_244] : memref<8x4096x128xf32, #tpu.memory_space<hbm>> -> memref<1x256x128xf32, #tpu.memory_space<hbm>>
      %dma_wait3A_246 = tpu.memref_squeeze %dma_wait3A_245 : memref<1x256x128xf32, #tpu.memory_space<hbm>> -> memref<256x128xf32, #tpu.memory_space<hbm>>
      %dma_wait3A_247 = arith.constant 0 : i32
      %dma_wait3A_248 = tpu.memref_slice %arg4[%add3A_3, %mul3A_0, %dma_wait3A_247] : memref<8x4096x128xf32, #tpu.memory_space<hbm>> -> memref<1x256x128xf32, #tpu.memory_space<hbm>>
      %dma_wait3A_249 = tpu.memref_squeeze %dma_wait3A_248 : memref<1x256x128xf32, #tpu.memory_space<hbm>> -> memref<256x128xf32, #tpu.memory_space<hbm>>
      tpu.wait_dma2 semaphore(%run_scoped3A : memref<!tpu.dma_semaphore, #tpu.memory_space<semaphore_mem>>) src(%arg6 : memref<256x128xf32, #tpu.memory_space<vmem>>) dst(%dma_wait3A_249 : memref<256x128xf32, #tpu.memory_space<hbm>>)
      tpu.yield
    }) : () -> ()
    %mul3A_58 = arith.constant 4 : i32
    %mul3A_59 = arith.muli %arg0, %mul3A_58 : i32
    %add3A_60 = arith.constant 1 : i32
    %add3A_61 = arith.addi %mul3A_59, %add3A_60 : i32
    "tpu.region"() ({
      %run_scoped3A = tpu.sem_alloc : memref<!tpu.dma_semaphore, #tpu.memory_space<semaphore_mem>>
      %dma_start3A_238 = arith.constant 0 : i32
      %dma_start3A_239 = arith.constant 0 : i32
      %dma_start3A_240 = tpu.memref_slice %arg3[%add3A_61, %arg1, %dma_start3A_238, %dma_start3A_239] : memref<8x16x2x128xi32, #tpu.memory_space<hbm>> -> memref<1x1x2x128xi32, #tpu.memory_space<hbm>>
      %dma_start3A_241 = tpu.memref_squeeze %dma_start3A_240 : memref<1x1x2x128xi32, #tpu.memory_space<hbm>> -> memref<2x128xi32, #tpu.memory_space<hbm>>
      %dma_start3A_242 = arith.constant 0 : i32
      %dma_start3A_243 = arith.constant 0 : i32
      %dma_start3A_244 = tpu.memref_slice %arg3[%add3A_61, %arg1, %dma_start3A_242, %dma_start3A_243] : memref<8x16x2x128xi32, #tpu.memory_space<hbm>> -> memref<1x1x2x128xi32, #tpu.memory_space<hbm>>
      %dma_start3A_245 = tpu.memref_squeeze %dma_start3A_244 : memref<1x1x2x128xi32, #tpu.memory_space<hbm>> -> memref<2x128xi32, #tpu.memory_space<hbm>>
      tpu.enqueue_dma source(%dma_start3A_245 : memref<2x128xi32, #tpu.memory_space<hbm>>) target(%arg5 : memref<2x128xi32, #tpu.memory_space<vmem>>) target_semaphore(%run_scoped3A : memref<!tpu.dma_semaphore, #tpu.memory_space<semaphore_mem>>)
      %dma_wait3A_246 = arith.constant 0 : i32
      %dma_wait3A_247 = arith.constant 0 : i32
      %dma_wait3A_248 = tpu.memref_slice %arg3[%add3A_61, %arg1, %dma_wait3A_246, %dma_wait3A_247] : memref<8x16x2x128xi32, #tpu.memory_space<hbm>> -> memref<1x1x2x128xi32, #tpu.memory_space<hbm>>
      %dma_wait3A_249 = tpu.memref_squeeze %dma_wait3A_248 : memref<1x1x2x128xi32, #tpu.memory_space<hbm>> -> memref<2x128xi32, #tpu.memory_space<hbm>>
      %dma_wait3A_250 = arith.constant 0 : i32
      %dma_wait3A_251 = arith.constant 0 : i32
      %dma_wait3A_252 = tpu.memref_slice %arg3[%add3A_61, %arg1, %dma_wait3A_250, %dma_wait3A_251] : memref<8x16x2x128xi32, #tpu.memory_space<hbm>> -> memref<1x1x2x128xi32, #tpu.memory_space<hbm>>
      %dma_wait3A_253 = tpu.memref_squeeze %dma_wait3A_252 : memref<1x1x2x128xi32, #tpu.memory_space<hbm>> -> memref<2x128xi32, #tpu.memory_space<hbm>>
      tpu.wait_dma2 semaphore(%run_scoped3A : memref<!tpu.dma_semaphore, #tpu.memory_space<semaphore_mem>>) src(%dma_wait3A_253 : memref<2x128xi32, #tpu.memory_space<hbm>>) dst(%arg5 : memref<2x128xi32, #tpu.memory_space<vmem>>)
      tpu.yield
    }) : () -> ()
    %dma_start3A_62 = arith.constant 0 : i32
    %dma_start3A_63 = arith.constant 0 : i32
    %dma_start3A_64 = arith.constant 0 : i32
    %dma_start3A_65 = tpu.memref_slice %arg6[%dma_start3A_63, %dma_start3A_64] : memref<256x128xf32, #tpu.memory_space<vmem>> -> memref<128x128xf32, #tpu.memory_space<vmem>>
    %dma_start3A_66 = arith.constant 0 : i32
    %dma_start3A_67 = tpu.memref_slice %arg5[%dma_start3A_62, %dma_start3A_66] : memref<2x128xi32, #tpu.memory_space<vmem>> -> memref<1x128xi32, #tpu.memory_space<vmem>>
    %dma_start3A_68 = tpu.memref_squeeze %dma_start3A_67 : memref<1x128xi32, #tpu.memory_space<vmem>> -> memref<128xi32, #tpu.memory_space<vmem>>
    %dma_start3A_69 = arith.constant 0 : i32
    %dma_start3A_70 = arith.constant 0 : i32
    %dma_start3A_71 = tpu.memref_slice %arg2[%add3A_61, %dma_start3A_69, %dma_start3A_70] : memref<8x4096x128xf32, #tpu.memory_space<hbm>> -> memref<1x4096x128xf32, #tpu.memory_space<hbm>>
    %dma_start3A_72 = tpu.memref_squeeze %dma_start3A_71 : memref<1x4096x128xf32, #tpu.memory_space<hbm>> -> memref<4096x128xf32, #tpu.memory_space<hbm>>
    %dma_start3A_73 = arith.constant 0 : i32
    %dma_start3A_74 = arith.constant 0 : i32
    %dma_start3A_75 = tpu.memref_slice %dma_start3A_72[%dma_start3A_73, %dma_start3A_74] : memref<4096x128xf32, #tpu.memory_space<hbm>> -> memref<4096x128xf32, #tpu.memory_space<hbm>>
    tpu.enqueue_indirect_dma source(%dma_start3A_75 : memref<4096x128xf32, #tpu.memory_space<hbm>>) target(%dma_start3A_65 : memref<128x128xf32, #tpu.memory_space<vmem>>) offsets(%dma_start3A_68 : memref<128xi32, #tpu.memory_space<vmem>>) semaphore(%arg7 : memref<!tpu.dma_semaphore, #tpu.memory_space<semaphore_mem>>)
    %dma_wait3A_76 = arith.constant 0 : i32
    %dma_wait3A_77 = arith.constant 0 : i32
    %dma_wait3A_78 = arith.constant 0 : i32
    %dma_wait3A_79 = tpu.memref_slice %arg6[%dma_wait3A_77, %dma_wait3A_78] : memref<256x128xf32, #tpu.memory_space<vmem>> -> memref<128x128xf32, #tpu.memory_space<vmem>>
    %dma_wait3A_80 = arith.constant 0 : i32
    %dma_wait3A_81 = tpu.memref_slice %arg5[%dma_wait3A_76, %dma_wait3A_80] : memref<2x128xi32, #tpu.memory_space<vmem>> -> memref<1x128xi32, #tpu.memory_space<vmem>>
    %dma_wait3A_82 = tpu.memref_squeeze %dma_wait3A_81 : memref<1x128xi32, #tpu.memory_space<vmem>> -> memref<128xi32, #tpu.memory_space<vmem>>
    %dma_wait3A_83 = arith.constant 0 : i32
    %dma_wait3A_84 = arith.constant 0 : i32
    %dma_wait3A_85 = tpu.memref_slice %arg2[%add3A_61, %dma_wait3A_83, %dma_wait3A_84] : memref<8x4096x128xf32, #tpu.memory_space<hbm>> -> memref<1x4096x128xf32, #tpu.memory_space<hbm>>
    %dma_wait3A_86 = tpu.memref_squeeze %dma_wait3A_85 : memref<1x4096x128xf32, #tpu.memory_space<hbm>> -> memref<4096x128xf32, #tpu.memory_space<hbm>>
    %dma_wait3A_87 = arith.constant 0 : i32
    %dma_wait3A_88 = arith.constant 0 : i32
    %dma_wait3A_89 = tpu.memref_slice %dma_wait3A_86[%dma_wait3A_87, %dma_wait3A_88] : memref<4096x128xf32, #tpu.memory_space<hbm>> -> memref<4096x128xf32, #tpu.memory_space<hbm>>
    tpu.wait_indirect_dma semaphore(%arg7 : memref<!tpu.dma_semaphore, #tpu.memory_space<semaphore_mem>>) src(%dma_wait3A_89 : memref<4096x128xf32, #tpu.memory_space<hbm>>) dst(%dma_wait3A_79 : memref<128x128xf32, #tpu.memory_space<vmem>>)
    %dma_start3A_90 = arith.constant 1 : i32
    %dma_start3A_91 = arith.constant 128 : i32
    %dma_start3A_92 = arith.constant 0 : i32
    %dma_start3A_93 = tpu.memref_slice %arg6[%dma_start3A_91, %dma_start3A_92] : memref<256x128xf32, #tpu.memory_space<vmem>> -> memref<128x128xf32, #tpu.memory_space<vmem>>
    %dma_start3A_94 = arith.constant 0 : i32
    %dma_start3A_95 = tpu.memref_slice %arg5[%dma_start3A_90, %dma_start3A_94] : memref<2x128xi32, #tpu.memory_space<vmem>> -> memref<1x128xi32, #tpu.memory_space<vmem>>
    %dma_start3A_96 = tpu.memref_squeeze %dma_start3A_95 : memref<1x128xi32, #tpu.memory_space<vmem>> -> memref<128xi32, #tpu.memory_space<vmem>>
    %dma_start3A_97 = arith.constant 0 : i32
    %dma_start3A_98 = arith.constant 0 : i32
    %dma_start3A_99 = tpu.memref_slice %arg2[%add3A_61, %dma_start3A_97, %dma_start3A_98] : memref<8x4096x128xf32, #tpu.memory_space<hbm>> -> memref<1x4096x128xf32, #tpu.memory_space<hbm>>
    %dma_start3A_100 = tpu.memref_squeeze %dma_start3A_99 : memref<1x4096x128xf32, #tpu.memory_space<hbm>> -> memref<4096x128xf32, #tpu.memory_space<hbm>>
    %dma_start3A_101 = arith.constant 0 : i32
    %dma_start3A_102 = arith.constant 0 : i32
    %dma_start3A_103 = tpu.memref_slice %dma_start3A_100[%dma_start3A_101, %dma_start3A_102] : memref<4096x128xf32, #tpu.memory_space<hbm>> -> memref<4096x128xf32, #tpu.memory_space<hbm>>
    tpu.enqueue_indirect_dma source(%dma_start3A_103 : memref<4096x128xf32, #tpu.memory_space<hbm>>) target(%dma_start3A_93 : memref<128x128xf32, #tpu.memory_space<vmem>>) offsets(%dma_start3A_96 : memref<128xi32, #tpu.memory_space<vmem>>) semaphore(%arg7 : memref<!tpu.dma_semaphore, #tpu.memory_space<semaphore_mem>>)
    %dma_wait3A_104 = arith.constant 1 : i32
    %dma_wait3A_105 = arith.constant 128 : i32
    %dma_wait3A_106 = arith.constant 0 : i32
    %dma_wait3A_107 = tpu.memref_slice %arg6[%dma_wait3A_105, %dma_wait3A_106] : memref<256x128xf32, #tpu.memory_space<vmem>> -> memref<128x128xf32, #tpu.memory_space<vmem>>
    %dma_wait3A_108 = arith.constant 0 : i32
    %dma_wait3A_109 = tpu.memref_slice %arg5[%dma_wait3A_104, %dma_wait3A_108] : memref<2x128xi32, #tpu.memory_space<vmem>> -> memref<1x128xi32, #tpu.memory_space<vmem>>
    %dma_wait3A_110 = tpu.memref_squeeze %dma_wait3A_109 : memref<1x128xi32, #tpu.memory_space<vmem>> -> memref<128xi32, #tpu.memory_space<vmem>>
    %dma_wait3A_111 = arith.constant 0 : i32
    %dma_wait3A_112 = arith.constant 0 : i32
    %dma_wait3A_113 = tpu.memref_slice %arg2[%add3A_61, %dma_wait3A_111, %dma_wait3A_112] : memref<8x4096x128xf32, #tpu.memory_space<hbm>> -> memref<1x4096x128xf32, #tpu.memory_space<hbm>>
    %dma_wait3A_114 = tpu.memref_squeeze %dma_wait3A_113 : memref<1x4096x128xf32, #tpu.memory_space<hbm>> -> memref<4096x128xf32, #tpu.memory_space<hbm>>
    %dma_wait3A_115 = arith.constant 0 : i32
    %dma_wait3A_116 = arith.constant 0 : i32
    %dma_wait3A_117 = tpu.memref_slice %dma_wait3A_114[%dma_wait3A_115, %dma_wait3A_116] : memref<4096x128xf32, #tpu.memory_space<hbm>> -> memref<4096x128xf32, #tpu.memory_space<hbm>>
    tpu.wait_indirect_dma semaphore(%arg7 : memref<!tpu.dma_semaphore, #tpu.memory_space<semaphore_mem>>) src(%dma_wait3A_117 : memref<4096x128xf32, #tpu.memory_space<hbm>>) dst(%dma_wait3A_107 : memref<128x128xf32, #tpu.memory_space<vmem>>)
    "tpu.region"() ({
      %run_scoped3A = tpu.sem_alloc : memref<!tpu.dma_semaphore, #tpu.memory_space<semaphore_mem>>
      %dma_start3A_238 = arith.constant 0 : i32
      %dma_start3A_239 = tpu.memref_slice %arg4[%add3A_61, %mul3A_0, %dma_start3A_238] : memref<8x4096x128xf32, #tpu.memory_space<hbm>> -> memref<1x256x128xf32, #tpu.memory_space<hbm>>
      %dma_start3A_240 = tpu.memref_squeeze %dma_start3A_239 : memref<1x256x128xf32, #tpu.memory_space<hbm>> -> memref<256x128xf32, #tpu.memory_space<hbm>>
      %dma_start3A_241 = arith.constant 0 : i32
      %dma_start3A_242 = tpu.memref_slice %arg4[%add3A_61, %mul3A_0, %dma_start3A_241] : memref<8x4096x128xf32, #tpu.memory_space<hbm>> -> memref<1x256x128xf32, #tpu.memory_space<hbm>>
      %dma_start3A_243 = tpu.memref_squeeze %dma_start3A_242 : memref<1x256x128xf32, #tpu.memory_space<hbm>> -> memref<256x128xf32, #tpu.memory_space<hbm>>
      tpu.enqueue_dma source(%arg6 : memref<256x128xf32, #tpu.memory_space<vmem>>) target(%dma_start3A_243 : memref<256x128xf32, #tpu.memory_space<hbm>>) target_semaphore(%run_scoped3A : memref<!tpu.dma_semaphore, #tpu.memory_space<semaphore_mem>>)
      %dma_wait3A_244 = arith.constant 0 : i32
      %dma_wait3A_245 = tpu.memref_slice %arg4[%add3A_61, %mul3A_0, %dma_wait3A_244] : memref<8x4096x128xf32, #tpu.memory_space<hbm>> -> memref<1x256x128xf32, #tpu.memory_space<hbm>>
      %dma_wait3A_246 = tpu.memref_squeeze %dma_wait3A_245 : memref<1x256x128xf32, #tpu.memory_space<hbm>> -> memref<256x128xf32, #tpu.memory_space<hbm>>
      %dma_wait3A_247 = arith.constant 0 : i32
      %dma_wait3A_248 = tpu.memref_slice %arg4[%add3A_61, %mul3A_0, %dma_wait3A_247] : memref<8x4096x128xf32, #tpu.memory_space<hbm>> -> memref<1x256x128xf32, #tpu.memory_space<hbm>>
      %dma_wait3A_249 = tpu.memref_squeeze %dma_wait3A_248 : memref<1x256x128xf32, #tpu.memory_space<hbm>> -> memref<256x128xf32, #tpu.memory_space<hbm>>
      tpu.wait_dma2 semaphore(%run_scoped3A : memref<!tpu.dma_semaphore, #tpu.memory_space<semaphore_mem>>) src(%arg6 : memref<256x128xf32, #tpu.memory_space<vmem>>) dst(%dma_wait3A_249 : memref<256x128xf32, #tpu.memory_space<hbm>>)
      tpu.yield
    }) : () -> ()
    %mul3A_118 = arith.constant 4 : i32
    %mul3A_119 = arith.muli %arg0, %mul3A_118 : i32
    %add3A_120 = arith.constant 2 : i32
    %add3A_121 = arith.addi %mul3A_119, %add3A_120 : i32
    "tpu.region"() ({
      %run_scoped3A = tpu.sem_alloc : memref<!tpu.dma_semaphore, #tpu.memory_space<semaphore_mem>>
      %dma_start3A_238 = arith.constant 0 : i32
      %dma_start3A_239 = arith.constant 0 : i32
      %dma_start3A_240 = tpu.memref_slice %arg3[%add3A_121, %arg1, %dma_start3A_238, %dma_start3A_239] : memref<8x16x2x128xi32, #tpu.memory_space<hbm>> -> memref<1x1x2x128xi32, #tpu.memory_space<hbm>>
      %dma_start3A_241 = tpu.memref_squeeze %dma_start3A_240 : memref<1x1x2x128xi32, #tpu.memory_space<hbm>> -> memref<2x128xi32, #tpu.memory_space<hbm>>
      %dma_start3A_242 = arith.constant 0 : i32
      %dma_start3A_243 = arith.constant 0 : i32
      %dma_start3A_244 = tpu.memref_slice %arg3[%add3A_121, %arg1, %dma_start3A_242, %dma_start3A_243] : memref<8x16x2x128xi32, #tpu.memory_space<hbm>> -> memref<1x1x2x128xi32, #tpu.memory_space<hbm>>
      %dma_start3A_245 = tpu.memref_squeeze %dma_start3A_244 : memref<1x1x2x128xi32, #tpu.memory_space<hbm>> -> memref<2x128xi32, #tpu.memory_space<hbm>>
      tpu.enqueue_dma source(%dma_start3A_245 : memref<2x128xi32, #tpu.memory_space<hbm>>) target(%arg5 : memref<2x128xi32, #tpu.memory_space<vmem>>) target_semaphore(%run_scoped3A : memref<!tpu.dma_semaphore, #tpu.memory_space<semaphore_mem>>)
      %dma_wait3A_246 = arith.constant 0 : i32
      %dma_wait3A_247 = arith.constant 0 : i32
      %dma_wait3A_248 = tpu.memref_slice %arg3[%add3A_121, %arg1, %dma_wait3A_246, %dma_wait3A_247] : memref<8x16x2x128xi32, #tpu.memory_space<hbm>> -> memref<1x1x2x128xi32, #tpu.memory_space<hbm>>
      %dma_wait3A_249 = tpu.memref_squeeze %dma_wait3A_248 : memref<1x1x2x128xi32, #tpu.memory_space<hbm>> -> memref<2x128xi32, #tpu.memory_space<hbm>>
      %dma_wait3A_250 = arith.constant 0 : i32
      %dma_wait3A_251 = arith.constant 0 : i32
      %dma_wait3A_252 = tpu.memref_slice %arg3[%add3A_121, %arg1, %dma_wait3A_250, %dma_wait3A_251] : memref<8x16x2x128xi32, #tpu.memory_space<hbm>> -> memref<1x1x2x128xi32, #tpu.memory_space<hbm>>
      %dma_wait3A_253 = tpu.memref_squeeze %dma_wait3A_252 : memref<1x1x2x128xi32, #tpu.memory_space<hbm>> -> memref<2x128xi32, #tpu.memory_space<hbm>>
      tpu.wait_dma2 semaphore(%run_scoped3A : memref<!tpu.dma_semaphore, #tpu.memory_space<semaphore_mem>>) src(%dma_wait3A_253 : memref<2x128xi32, #tpu.memory_space<hbm>>) dst(%arg5 : memref<2x128xi32, #tpu.memory_space<vmem>>)
      tpu.yield
    }) : () -> ()
    %dma_start3A_122 = arith.constant 0 : i32
    %dma_start3A_123 = arith.constant 0 : i32
    %dma_start3A_124 = arith.constant 0 : i32
    %dma_start3A_125 = tpu.memref_slice %arg6[%dma_start3A_123, %dma_start3A_124] : memref<256x128xf32, #tpu.memory_space<vmem>> -> memref<128x128xf32, #tpu.memory_space<vmem>>
    %dma_start3A_126 = arith.constant 0 : i32
    %dma_start3A_127 = tpu.memref_slice %arg5[%dma_start3A_122, %dma_start3A_126] : memref<2x128xi32, #tpu.memory_space<vmem>> -> memref<1x128xi32, #tpu.memory_space<vmem>>
    %dma_start3A_128 = tpu.memref_squeeze %dma_start3A_127 : memref<1x128xi32, #tpu.memory_space<vmem>> -> memref<128xi32, #tpu.memory_space<vmem>>
    %dma_start3A_129 = arith.constant 0 : i32
    %dma_start3A_130 = arith.constant 0 : i32
    %dma_start3A_131 = tpu.memref_slice %arg2[%add3A_121, %dma_start3A_129, %dma_start3A_130] : memref<8x4096x128xf32, #tpu.memory_space<hbm>> -> memref<1x4096x128xf32, #tpu.memory_space<hbm>>
    %dma_start3A_132 = tpu.memref_squeeze %dma_start3A_131 : memref<1x4096x128xf32, #tpu.memory_space<hbm>> -> memref<4096x128xf32, #tpu.memory_space<hbm>>
    %dma_start3A_133 = arith.constant 0 : i32
    %dma_start3A_134 = arith.constant 0 : i32
    %dma_start3A_135 = tpu.memref_slice %dma_start3A_132[%dma_start3A_133, %dma_start3A_134] : memref<4096x128xf32, #tpu.memory_space<hbm>> -> memref<4096x128xf32, #tpu.memory_space<hbm>>
    tpu.enqueue_indirect_dma source(%dma_start3A_135 : memref<4096x128xf32, #tpu.memory_space<hbm>>) target(%dma_start3A_125 : memref<128x128xf32, #tpu.memory_space<vmem>>) offsets(%dma_start3A_128 : memref<128xi32, #tpu.memory_space<vmem>>) semaphore(%arg7 : memref<!tpu.dma_semaphore, #tpu.memory_space<semaphore_mem>>)
    %dma_wait3A_136 = arith.constant 0 : i32
    %dma_wait3A_137 = arith.constant 0 : i32
    %dma_wait3A_138 = arith.constant 0 : i32
    %dma_wait3A_139 = tpu.memref_slice %arg6[%dma_wait3A_137, %dma_wait3A_138] : memref<256x128xf32, #tpu.memory_space<vmem>> -> memref<128x128xf32, #tpu.memory_space<vmem>>
    %dma_wait3A_140 = arith.constant 0 : i32
    %dma_wait3A_141 = tpu.memref_slice %arg5[%dma_wait3A_136, %dma_wait3A_140] : memref<2x128xi32, #tpu.memory_space<vmem>> -> memref<1x128xi32, #tpu.memory_space<vmem>>
    %dma_wait3A_142 = tpu.memref_squeeze %dma_wait3A_141 : memref<1x128xi32, #tpu.memory_space<vmem>> -> memref<128xi32, #tpu.memory_space<vmem>>
    %dma_wait3A_143 = arith.constant 0 : i32
    %dma_wait3A_144 = arith.constant 0 : i32
    %dma_wait3A_145 = tpu.memref_slice %arg2[%add3A_121, %dma_wait3A_143, %dma_wait3A_144] : memref<8x4096x128xf32, #tpu.memory_space<hbm>> -> memref<1x4096x128xf32, #tpu.memory_space<hbm>>
    %dma_wait3A_146 = tpu.memref_squeeze %dma_wait3A_145 : memref<1x4096x128xf32, #tpu.memory_space<hbm>> -> memref<4096x128xf32, #tpu.memory_space<hbm>>
    %dma_wait3A_147 = arith.constant 0 : i32
    %dma_wait3A_148 = arith.constant 0 : i32
    %dma_wait3A_149 = tpu.memref_slice %dma_wait3A_146[%dma_wait3A_147, %dma_wait3A_148] : memref<4096x128xf32, #tpu.memory_space<hbm>> -> memref<4096x128xf32, #tpu.memory_space<hbm>>
    tpu.wait_indirect_dma semaphore(%arg7 : memref<!tpu.dma_semaphore, #tpu.memory_space<semaphore_mem>>) src(%dma_wait3A_149 : memref<4096x128xf32, #tpu.memory_space<hbm>>) dst(%dma_wait3A_139 : memref<128x128xf32, #tpu.memory_space<vmem>>)
    %dma_start3A_150 = arith.constant 1 : i32
    %dma_start3A_151 = arith.constant 128 : i32
    %dma_start3A_152 = arith.constant 0 : i32
    %dma_start3A_153 = tpu.memref_slice %arg6[%dma_start3A_151, %dma_start3A_152] : memref<256x128xf32, #tpu.memory_space<vmem>> -> memref<128x128xf32, #tpu.memory_space<vmem>>
    %dma_start3A_154 = arith.constant 0 : i32
    %dma_start3A_155 = tpu.memref_slice %arg5[%dma_start3A_150, %dma_start3A_154] : memref<2x128xi32, #tpu.memory_space<vmem>> -> memref<1x128xi32, #tpu.memory_space<vmem>>
    %dma_start3A_156 = tpu.memref_squeeze %dma_start3A_155 : memref<1x128xi32, #tpu.memory_space<vmem>> -> memref<128xi32, #tpu.memory_space<vmem>>
    %dma_start3A_157 = arith.constant 0 : i32
    %dma_start3A_158 = arith.constant 0 : i32
    %dma_start3A_159 = tpu.memref_slice %arg2[%add3A_121, %dma_start3A_157, %dma_start3A_158] : memref<8x4096x128xf32, #tpu.memory_space<hbm>> -> memref<1x4096x128xf32, #tpu.memory_space<hbm>>
    %dma_start3A_160 = tpu.memref_squeeze %dma_start3A_159 : memref<1x4096x128xf32, #tpu.memory_space<hbm>> -> memref<4096x128xf32, #tpu.memory_space<hbm>>
    %dma_start3A_161 = arith.constant 0 : i32
    %dma_start3A_162 = arith.constant 0 : i32
    %dma_start3A_163 = tpu.memref_slice %dma_start3A_160[%dma_start3A_161, %dma_start3A_162] : memref<4096x128xf32, #tpu.memory_space<hbm>> -> memref<4096x128xf32, #tpu.memory_space<hbm>>
    tpu.enqueue_indirect_dma source(%dma_start3A_163 : memref<4096x128xf32, #tpu.memory_space<hbm>>) target(%dma_start3A_153 : memref<128x128xf32, #tpu.memory_space<vmem>>) offsets(%dma_start3A_156 : memref<128xi32, #tpu.memory_space<vmem>>) semaphore(%arg7 : memref<!tpu.dma_semaphore, #tpu.memory_space<semaphore_mem>>)
    %dma_wait3A_164 = arith.constant 1 : i32
    %dma_wait3A_165 = arith.constant 128 : i32
    %dma_wait3A_166 = arith.constant 0 : i32
    %dma_wait3A_167 = tpu.memref_slice %arg6[%dma_wait3A_165, %dma_wait3A_166] : memref<256x128xf32, #tpu.memory_space<vmem>> -> memref<128x128xf32, #tpu.memory_space<vmem>>
    %dma_wait3A_168 = arith.constant 0 : i32
    %dma_wait3A_169 = tpu.memref_slice %arg5[%dma_wait3A_164, %dma_wait3A_168] : memref<2x128xi32, #tpu.memory_space<vmem>> -> memref<1x128xi32, #tpu.memory_space<vmem>>
    %dma_wait3A_170 = tpu.memref_squeeze %dma_wait3A_169 : memref<1x128xi32, #tpu.memory_space<vmem>> -> memref<128xi32, #tpu.memory_space<vmem>>
    %dma_wait3A_171 = arith.constant 0 : i32
    %dma_wait3A_172 = arith.constant 0 : i32
    %dma_wait3A_173 = tpu.memref_slice %arg2[%add3A_121, %dma_wait3A_171, %dma_wait3A_172] : memref<8x4096x128xf32, #tpu.memory_space<hbm>> -> memref<1x4096x128xf32, #tpu.memory_space<hbm>>
    %dma_wait3A_174 = tpu.memref_squeeze %dma_wait3A_173 : memref<1x4096x128xf32, #tpu.memory_space<hbm>> -> memref<4096x128xf32, #tpu.memory_space<hbm>>
    %dma_wait3A_175 = arith.constant 0 : i32
    %dma_wait3A_176 = arith.constant 0 : i32
    %dma_wait3A_177 = tpu.memref_slice %dma_wait3A_174[%dma_wait3A_175, %dma_wait3A_176] : memref<4096x128xf32, #tpu.memory_space<hbm>> -> memref<4096x128xf32, #tpu.memory_space<hbm>>
    tpu.wait_indirect_dma semaphore(%arg7 : memref<!tpu.dma_semaphore, #tpu.memory_space<semaphore_mem>>) src(%dma_wait3A_177 : memref<4096x128xf32, #tpu.memory_space<hbm>>) dst(%dma_wait3A_167 : memref<128x128xf32, #tpu.memory_space<vmem>>)
    "tpu.region"() ({
      %run_scoped3A = tpu.sem_alloc : memref<!tpu.dma_semaphore, #tpu.memory_space<semaphore_mem>>
      %dma_start3A_238 = arith.constant 0 : i32
      %dma_start3A_239 = tpu.memref_slice %arg4[%add3A_121, %mul3A_0, %dma_start3A_238] : memref<8x4096x128xf32, #tpu.memory_space<hbm>> -> memref<1x256x128xf32, #tpu.memory_space<hbm>>
      %dma_start3A_240 = tpu.memref_squeeze %dma_start3A_239 : memref<1x256x128xf32, #tpu.memory_space<hbm>> -> memref<256x128xf32, #tpu.memory_space<hbm>>
      %dma_start3A_241 = arith.constant 0 : i32
      %dma_start3A_242 = tpu.memref_slice %arg4[%add3A_121, %mul3A_0, %dma_start3A_241] : memref<8x4096x128xf32, #tpu.memory_space<hbm>> -> memref<1x256x128xf32, #tpu.memory_space<hbm>>
      %dma_start3A_243 = tpu.memref_squeeze %dma_start3A_242 : memref<1x256x128xf32, #tpu.memory_space<hbm>> -> memref<256x128xf32, #tpu.memory_space<hbm>>
      tpu.enqueue_dma source(%arg6 : memref<256x128xf32, #tpu.memory_space<vmem>>) target(%dma_start3A_243 : memref<256x128xf32, #tpu.memory_space<hbm>>) target_semaphore(%run_scoped3A : memref<!tpu.dma_semaphore, #tpu.memory_space<semaphore_mem>>)
      %dma_wait3A_244 = arith.constant 0 : i32
      %dma_wait3A_245 = tpu.memref_slice %arg4[%add3A_121, %mul3A_0, %dma_wait3A_244] : memref<8x4096x128xf32, #tpu.memory_space<hbm>> -> memref<1x256x128xf32, #tpu.memory_space<hbm>>
      %dma_wait3A_246 = tpu.memref_squeeze %dma_wait3A_245 : memref<1x256x128xf32, #tpu.memory_space<hbm>> -> memref<256x128xf32, #tpu.memory_space<hbm>>
      %dma_wait3A_247 = arith.constant 0 : i32
      %dma_wait3A_248 = tpu.memref_slice %arg4[%add3A_121, %mul3A_0, %dma_wait3A_247] : memref<8x4096x128xf32, #tpu.memory_space<hbm>> -> memref<1x256x128xf32, #tpu.memory_space<hbm>>
      %dma_wait3A_249 = tpu.memref_squeeze %dma_wait3A_248 : memref<1x256x128xf32, #tpu.memory_space<hbm>> -> memref<256x128xf32, #tpu.memory_space<hbm>>
      tpu.wait_dma2 semaphore(%run_scoped3A : memref<!tpu.dma_semaphore, #tpu.memory_space<semaphore_mem>>) src(%arg6 : memref<256x128xf32, #tpu.memory_space<vmem>>) dst(%dma_wait3A_249 : memref<256x128xf32, #tpu.memory_space<hbm>>)
      tpu.yield
    }) : () -> ()
    %mul3A_178 = arith.constant 4 : i32
    %mul3A_179 = arith.muli %arg0, %mul3A_178 : i32
    %add3A_180 = arith.constant 3 : i32
    %add3A_181 = arith.addi %mul3A_179, %add3A_180 : i32
    "tpu.region"() ({
      %run_scoped3A = tpu.sem_alloc : memref<!tpu.dma_semaphore, #tpu.memory_space<semaphore_mem>>
      %dma_start3A_238 = arith.constant 0 : i32
      %dma_start3A_239 = arith.constant 0 : i32
      %dma_start3A_240 = tpu.memref_slice %arg3[%add3A_181, %arg1, %dma_start3A_238, %dma_start3A_239] : memref<8x16x2x128xi32, #tpu.memory_space<hbm>> -> memref<1x1x2x128xi32, #tpu.memory_space<hbm>>
      %dma_start3A_241 = tpu.memref_squeeze %dma_start3A_240 : memref<1x1x2x128xi32, #tpu.memory_space<hbm>> -> memref<2x128xi32, #tpu.memory_space<hbm>>
      %dma_start3A_242 = arith.constant 0 : i32
      %dma_start3A_243 = arith.constant 0 : i32
      %dma_start3A_244 = tpu.memref_slice %arg3[%add3A_181, %arg1, %dma_start3A_242, %dma_start3A_243] : memref<8x16x2x128xi32, #tpu.memory_space<hbm>> -> memref<1x1x2x128xi32, #tpu.memory_space<hbm>>
      %dma_start3A_245 = tpu.memref_squeeze %dma_start3A_244 : memref<1x1x2x128xi32, #tpu.memory_space<hbm>> -> memref<2x128xi32, #tpu.memory_space<hbm>>
      tpu.enqueue_dma source(%dma_start3A_245 : memref<2x128xi32, #tpu.memory_space<hbm>>) target(%arg5 : memref<2x128xi32, #tpu.memory_space<vmem>>) target_semaphore(%run_scoped3A : memref<!tpu.dma_semaphore, #tpu.memory_space<semaphore_mem>>)
      %dma_wait3A_246 = arith.constant 0 : i32
      %dma_wait3A_247 = arith.constant 0 : i32
      %dma_wait3A_248 = tpu.memref_slice %arg3[%add3A_181, %arg1, %dma_wait3A_246, %dma_wait3A_247] : memref<8x16x2x128xi32, #tpu.memory_space<hbm>> -> memref<1x1x2x128xi32, #tpu.memory_space<hbm>>
      %dma_wait3A_249 = tpu.memref_squeeze %dma_wait3A_248 : memref<1x1x2x128xi32, #tpu.memory_space<hbm>> -> memref<2x128xi32, #tpu.memory_space<hbm>>
      %dma_wait3A_250 = arith.constant 0 : i32
      %dma_wait3A_251 = arith.constant 0 : i32
      %dma_wait3A_252 = tpu.memref_slice %arg3[%add3A_181, %arg1, %dma_wait3A_250, %dma_wait3A_251] : memref<8x16x2x128xi32, #tpu.memory_space<hbm>> -> memref<1x1x2x128xi32, #tpu.memory_space<hbm>>
      %dma_wait3A_253 = tpu.memref_squeeze %dma_wait3A_252 : memref<1x1x2x128xi32, #tpu.memory_space<hbm>> -> memref<2x128xi32, #tpu.memory_space<hbm>>
      tpu.wait_dma2 semaphore(%run_scoped3A : memref<!tpu.dma_semaphore, #tpu.memory_space<semaphore_mem>>) src(%dma_wait3A_253 : memref<2x128xi32, #tpu.memory_space<hbm>>) dst(%arg5 : memref<2x128xi32, #tpu.memory_space<vmem>>)
      tpu.yield
    }) : () -> ()
    %dma_start3A_182 = arith.constant 0 : i32
    %dma_start3A_183 = arith.constant 0 : i32
    %dma_start3A_184 = arith.constant 0 : i32
    %dma_start3A_185 = tpu.memref_slice %arg6[%dma_start3A_183, %dma_start3A_184] : memref<256x128xf32, #tpu.memory_space<vmem>> -> memref<128x128xf32, #tpu.memory_space<vmem>>
    %dma_start3A_186 = arith.constant 0 : i32
    %dma_start3A_187 = tpu.memref_slice %arg5[%dma_start3A_182, %dma_start3A_186] : memref<2x128xi32, #tpu.memory_space<vmem>> -> memref<1x128xi32, #tpu.memory_space<vmem>>
    %dma_start3A_188 = tpu.memref_squeeze %dma_start3A_187 : memref<1x128xi32, #tpu.memory_space<vmem>> -> memref<128xi32, #tpu.memory_space<vmem>>
    %dma_start3A_189 = arith.constant 0 : i32
    %dma_start3A_190 = arith.constant 0 : i32
    %dma_start3A_191 = tpu.memref_slice %arg2[%add3A_181, %dma_start3A_189, %dma_start3A_190] : memref<8x4096x128xf32, #tpu.memory_space<hbm>> -> memref<1x4096x128xf32, #tpu.memory_space<hbm>>
    %dma_start3A_192 = tpu.memref_squeeze %dma_start3A_191 : memref<1x4096x128xf32, #tpu.memory_space<hbm>> -> memref<4096x128xf32, #tpu.memory_space<hbm>>
    %dma_start3A_193 = arith.constant 0 : i32
    %dma_start3A_194 = arith.constant 0 : i32
    %dma_start3A_195 = tpu.memref_slice %dma_start3A_192[%dma_start3A_193, %dma_start3A_194] : memref<4096x128xf32, #tpu.memory_space<hbm>> -> memref<4096x128xf32, #tpu.memory_space<hbm>>
    tpu.enqueue_indirect_dma source(%dma_start3A_195 : memref<4096x128xf32, #tpu.memory_space<hbm>>) target(%dma_start3A_185 : memref<128x128xf32, #tpu.memory_space<vmem>>) offsets(%dma_start3A_188 : memref<128xi32, #tpu.memory_space<vmem>>) semaphore(%arg7 : memref<!tpu.dma_semaphore, #tpu.memory_space<semaphore_mem>>)
    %dma_wait3A_196 = arith.constant 0 : i32
    %dma_wait3A_197 = arith.constant 0 : i32
    %dma_wait3A_198 = arith.constant 0 : i32
    %dma_wait3A_199 = tpu.memref_slice %arg6[%dma_wait3A_197, %dma_wait3A_198] : memref<256x128xf32, #tpu.memory_space<vmem>> -> memref<128x128xf32, #tpu.memory_space<vmem>>
    %dma_wait3A_200 = arith.constant 0 : i32
    %dma_wait3A_201 = tpu.memref_slice %arg5[%dma_wait3A_196, %dma_wait3A_200] : memref<2x128xi32, #tpu.memory_space<vmem>> -> memref<1x128xi32, #tpu.memory_space<vmem>>
    %dma_wait3A_202 = tpu.memref_squeeze %dma_wait3A_201 : memref<1x128xi32, #tpu.memory_space<vmem>> -> memref<128xi32, #tpu.memory_space<vmem>>
    %dma_wait3A_203 = arith.constant 0 : i32
    %dma_wait3A_204 = arith.constant 0 : i32
    %dma_wait3A_205 = tpu.memref_slice %arg2[%add3A_181, %dma_wait3A_203, %dma_wait3A_204] : memref<8x4096x128xf32, #tpu.memory_space<hbm>> -> memref<1x4096x128xf32, #tpu.memory_space<hbm>>
    %dma_wait3A_206 = tpu.memref_squeeze %dma_wait3A_205 : memref<1x4096x128xf32, #tpu.memory_space<hbm>> -> memref<4096x128xf32, #tpu.memory_space<hbm>>
    %dma_wait3A_207 = arith.constant 0 : i32
    %dma_wait3A_208 = arith.constant 0 : i32
    %dma_wait3A_209 = tpu.memref_slice %dma_wait3A_206[%dma_wait3A_207, %dma_wait3A_208] : memref<4096x128xf32, #tpu.memory_space<hbm>> -> memref<4096x128xf32, #tpu.memory_space<hbm>>
    tpu.wait_indirect_dma semaphore(%arg7 : memref<!tpu.dma_semaphore, #tpu.memory_space<semaphore_mem>>) src(%dma_wait3A_209 : memref<4096x128xf32, #tpu.memory_space<hbm>>) dst(%dma_wait3A_199 : memref<128x128xf32, #tpu.memory_space<vmem>>)
    %dma_start3A_210 = arith.constant 1 : i32
    %dma_start3A_211 = arith.constant 128 : i32
    %dma_start3A_212 = arith.constant 0 : i32
    %dma_start3A_213 = tpu.memref_slice %arg6[%dma_start3A_211, %dma_start3A_212] : memref<256x128xf32, #tpu.memory_space<vmem>> -> memref<128x128xf32, #tpu.memory_space<vmem>>
    %dma_start3A_214 = arith.constant 0 : i32
    %dma_start3A_215 = tpu.memref_slice %arg5[%dma_start3A_210, %dma_start3A_214] : memref<2x128xi32, #tpu.memory_space<vmem>> -> memref<1x128xi32, #tpu.memory_space<vmem>>
    %dma_start3A_216 = tpu.memref_squeeze %dma_start3A_215 : memref<1x128xi32, #tpu.memory_space<vmem>> -> memref<128xi32, #tpu.memory_space<vmem>>
    %dma_start3A_217 = arith.constant 0 : i32
    %dma_start3A_218 = arith.constant 0 : i32
    %dma_start3A_219 = tpu.memref_slice %arg2[%add3A_181, %dma_start3A_217, %dma_start3A_218] : memref<8x4096x128xf32, #tpu.memory_space<hbm>> -> memref<1x4096x128xf32, #tpu.memory_space<hbm>>
    %dma_start3A_220 = tpu.memref_squeeze %dma_start3A_219 : memref<1x4096x128xf32, #tpu.memory_space<hbm>> -> memref<4096x128xf32, #tpu.memory_space<hbm>>
    %dma_start3A_221 = arith.constant 0 : i32
    %dma_start3A_222 = arith.constant 0 : i32
    %dma_start3A_223 = tpu.memref_slice %dma_start3A_220[%dma_start3A_221, %dma_start3A_222] : memref<4096x128xf32, #tpu.memory_space<hbm>> -> memref<4096x128xf32, #tpu.memory_space<hbm>>
    tpu.enqueue_indirect_dma source(%dma_start3A_223 : memref<4096x128xf32, #tpu.memory_space<hbm>>) target(%dma_start3A_213 : memref<128x128xf32, #tpu.memory_space<vmem>>) offsets(%dma_start3A_216 : memref<128xi32, #tpu.memory_space<vmem>>) semaphore(%arg7 : memref<!tpu.dma_semaphore, #tpu.memory_space<semaphore_mem>>)
    %dma_wait3A_224 = arith.constant 1 : i32
    %dma_wait3A_225 = arith.constant 128 : i32
    %dma_wait3A_226 = arith.constant 0 : i32
    %dma_wait3A_227 = tpu.memref_slice %arg6[%dma_wait3A_225, %dma_wait3A_226] : memref<256x128xf32, #tpu.memory_space<vmem>> -> memref<128x128xf32, #tpu.memory_space<vmem>>
    %dma_wait3A_228 = arith.constant 0 : i32
    %dma_wait3A_229 = tpu.memref_slice %arg5[%dma_wait3A_224, %dma_wait3A_228] : memref<2x128xi32, #tpu.memory_space<vmem>> -> memref<1x128xi32, #tpu.memory_space<vmem>>
    %dma_wait3A_230 = tpu.memref_squeeze %dma_wait3A_229 : memref<1x128xi32, #tpu.memory_space<vmem>> -> memref<128xi32, #tpu.memory_space<vmem>>
    %dma_wait3A_231 = arith.constant 0 : i32
    %dma_wait3A_232 = arith.constant 0 : i32
    %dma_wait3A_233 = tpu.memref_slice %arg2[%add3A_181, %dma_wait3A_231, %dma_wait3A_232] : memref<8x4096x128xf32, #tpu.memory_space<hbm>> -> memref<1x4096x128xf32, #tpu.memory_space<hbm>>
    %dma_wait3A_234 = tpu.memref_squeeze %dma_wait3A_233 : memref<1x4096x128xf32, #tpu.memory_space<hbm>> -> memref<4096x128xf32, #tpu.memory_space<hbm>>
    %dma_wait3A_235 = arith.constant 0 : i32
    %dma_wait3A_236 = arith.constant 0 : i32
    %dma_wait3A_237 = tpu.memref_slice %dma_wait3A_234[%dma_wait3A_235, %dma_wait3A_236] : memref<4096x128xf32, #tpu.memory_space<hbm>> -> memref<4096x128xf32, #tpu.memory_space<hbm>>
    tpu.wait_indirect_dma semaphore(%arg7 : memref<!tpu.dma_semaphore, #tpu.memory_space<semaphore_mem>>) src(%dma_wait3A_237 : memref<4096x128xf32, #tpu.memory_space<hbm>>) dst(%dma_wait3A_227 : memref<128x128xf32, #tpu.memory_space<vmem>>)
    "tpu.region"() ({
      %run_scoped3A = tpu.sem_alloc : memref<!tpu.dma_semaphore, #tpu.memory_space<semaphore_mem>>
      %dma_start3A_238 = arith.constant 0 : i32
      %dma_start3A_239 = tpu.memref_slice %arg4[%add3A_181, %mul3A_0, %dma_start3A_238] : memref<8x4096x128xf32, #tpu.memory_space<hbm>> -> memref<1x256x128xf32, #tpu.memory_space<hbm>>
      %dma_start3A_240 = tpu.memref_squeeze %dma_start3A_239 : memref<1x256x128xf32, #tpu.memory_space<hbm>> -> memref<256x128xf32, #tpu.memory_space<hbm>>
      %dma_start3A_241 = arith.constant 0 : i32
      %dma_start3A_242 = tpu.memref_slice %arg4[%add3A_181, %mul3A_0, %dma_start3A_241] : memref<8x4096x128xf32, #tpu.memory_space<hbm>> -> memref<1x256x128xf32, #tpu.memory_space<hbm>>
      %dma_start3A_243 = tpu.memref_squeeze %dma_start3A_242 : memref<1x256x128xf32, #tpu.memory_space<hbm>> -> memref<256x128xf32, #tpu.memory_space<hbm>>
      tpu.enqueue_dma source(%arg6 : memref<256x128xf32, #tpu.memory_space<vmem>>) target(%dma_start3A_243 : memref<256x128xf32, #tpu.memory_space<hbm>>) target_semaphore(%run_scoped3A : memref<!tpu.dma_semaphore, #tpu.memory_space<semaphore_mem>>)
      %dma_wait3A_244 = arith.constant 0 : i32
      %dma_wait3A_245 = tpu.memref_slice %arg4[%add3A_181, %mul3A_0, %dma_wait3A_244] : memref<8x4096x128xf32, #tpu.memory_space<hbm>> -> memref<1x256x128xf32, #tpu.memory_space<hbm>>
      %dma_wait3A_246 = tpu.memref_squeeze %dma_wait3A_245 : memref<1x256x128xf32, #tpu.memory_space<hbm>> -> memref<256x128xf32, #tpu.memory_space<hbm>>
      %dma_wait3A_247 = arith.constant 0 : i32
      %dma_wait3A_248 = tpu.memref_slice %arg4[%add3A_181, %mul3A_0, %dma_wait3A_247] : memref<8x4096x128xf32, #tpu.memory_space<hbm>> -> memref<1x256x128xf32, #tpu.memory_space<hbm>>
      %dma_wait3A_249 = tpu.memref_squeeze %dma_wait3A_248 : memref<1x256x128xf32, #tpu.memory_space<hbm>> -> memref<256x128xf32, #tpu.memory_space<hbm>>
      tpu.wait_dma2 semaphore(%run_scoped3A : memref<!tpu.dma_semaphore, #tpu.memory_space<semaphore_mem>>) src(%arg6 : memref<256x128xf32, #tpu.memory_space<vmem>>) dst(%dma_wait3A_249 : memref<256x128xf32, #tpu.memory_space<hbm>>)
      tpu.yield
    }) : () -> ()
    return
  }
}

#map = affine_map<(d0, d1) -> (0, 0, 0)>
#map1 = affine_map<(d0, d1) -> (0, 0, 0, 0)>
#map2 = affine_map<(d0, d1) -> (0, 0)>
module attributes {stable_mosaic.version = 14 : i64} {
  func.func @_sc_scatter_body(%arg0: i32, %arg1: i32, %arg2: memref<8x4096x128xf32, #tpu.memory_space<hbm>>, %arg3: memref<8x16x2x128xi32, #tpu.memory_space<hbm>>, %arg4: memref<4096x128xf32, #tpu.memory_space<hbm>>, %arg5: memref<8x4096x128xf32, #tpu.memory_space<hbm>>, %arg6: memref<2x128xi32, #tpu.memory_space<vmem>>, %arg7: memref<256x128xf32, #tpu.memory_space<vmem>>, %arg8: memref<4096x128xf32, #tpu.memory_space<vmem_shared>>) attributes {dimension_semantics = [#tpu.dimension_semantics<core_parallel>, #tpu.dimension_semantics<subcore_parallel>], iteration_bounds = array<i64: 2, 16>, scalar_prefetch = 0 : i64, scratch_operands = 3 : i64, tpu.core_type = #tpu.core_type<sc_vector_subcore>, window_params = [{transform_indices = #map}, {transform_indices = #map1}, {transform_indices = #map2}, {transform_indices = #map}]} {
    %mul3A = arith.constant 256 : i32
    %mul3A_0 = arith.muli %arg1, %mul3A : i32
    %mul3A_1 = arith.constant 4 : i32
    %mul3A_2 = arith.muli %arg0, %mul3A_1 : i32
    %add3A = arith.constant 0 : i32
    %add3A_3 = arith.addi %mul3A_2, %add3A : i32
    "tpu.region"() ({
      %run_scoped3A_34 = tpu.sem_alloc : memref<!tpu.dma_semaphore, #tpu.memory_space<semaphore_mem>>
      %dma_start3A = arith.constant 0 : i32
      %dma_start3A_35 = tpu.memref_slice %arg8[%mul3A_0, %dma_start3A] : memref<4096x128xf32, #tpu.memory_space<vmem_shared>> -> memref<256x128xf32, #tpu.memory_space<vmem_shared>>
      %dma_start3A_36 = arith.constant 0 : i32
      %dma_start3A_37 = tpu.memref_slice %arg4[%mul3A_0, %dma_start3A_36] : memref<4096x128xf32, #tpu.memory_space<hbm>> -> memref<256x128xf32, #tpu.memory_space<hbm>>
      tpu.enqueue_dma source(%dma_start3A_37 : memref<256x128xf32, #tpu.memory_space<hbm>>) target(%dma_start3A_35 : memref<256x128xf32, #tpu.memory_space<vmem_shared>>) target_semaphore(%run_scoped3A_34 : memref<!tpu.dma_semaphore, #tpu.memory_space<semaphore_mem>>)
      %dma_wait3A = arith.constant 0 : i32
      %dma_wait3A_38 = tpu.memref_slice %arg8[%mul3A_0, %dma_wait3A] : memref<4096x128xf32, #tpu.memory_space<vmem_shared>> -> memref<256x128xf32, #tpu.memory_space<vmem_shared>>
      %dma_wait3A_39 = arith.constant 0 : i32
      %dma_wait3A_40 = tpu.memref_slice %arg4[%mul3A_0, %dma_wait3A_39] : memref<4096x128xf32, #tpu.memory_space<hbm>> -> memref<256x128xf32, #tpu.memory_space<hbm>>
      tpu.wait_dma2 semaphore(%run_scoped3A_34 : memref<!tpu.dma_semaphore, #tpu.memory_space<semaphore_mem>>) src(%dma_wait3A_40 : memref<256x128xf32, #tpu.memory_space<hbm>>) dst(%dma_wait3A_38 : memref<256x128xf32, #tpu.memory_space<vmem_shared>>)
      tpu.yield
    }) : () -> ()
    "tpu.region"() ({
      %run_scoped3A_34 = tpu.sem_alloc : memref<!tpu.dma_semaphore, #tpu.memory_space<semaphore_mem>>
      %dma_start3A = arith.constant 0 : i32
      %dma_start3A_35 = tpu.memref_slice %arg2[%add3A_3, %mul3A_0, %dma_start3A] : memref<8x4096x128xf32, #tpu.memory_space<hbm>> -> memref<1x256x128xf32, #tpu.memory_space<hbm>>
      %dma_start3A_36 = tpu.memref_squeeze %dma_start3A_35 : memref<1x256x128xf32, #tpu.memory_space<hbm>> -> memref<256x128xf32, #tpu.memory_space<hbm>>
      %dma_start3A_37 = arith.constant 0 : i32
      %dma_start3A_38 = tpu.memref_slice %arg2[%add3A_3, %mul3A_0, %dma_start3A_37] : memref<8x4096x128xf32, #tpu.memory_space<hbm>> -> memref<1x256x128xf32, #tpu.memory_space<hbm>>
      %dma_start3A_39 = tpu.memref_squeeze %dma_start3A_38 : memref<1x256x128xf32, #tpu.memory_space<hbm>> -> memref<256x128xf32, #tpu.memory_space<hbm>>
      tpu.enqueue_dma source(%dma_start3A_39 : memref<256x128xf32, #tpu.memory_space<hbm>>) target(%arg7 : memref<256x128xf32, #tpu.memory_space<vmem>>) target_semaphore(%run_scoped3A_34 : memref<!tpu.dma_semaphore, #tpu.memory_space<semaphore_mem>>)
      %dma_wait3A = arith.constant 0 : i32
      %dma_wait3A_40 = tpu.memref_slice %arg2[%add3A_3, %mul3A_0, %dma_wait3A] : memref<8x4096x128xf32, #tpu.memory_space<hbm>> -> memref<1x256x128xf32, #tpu.memory_space<hbm>>
      %dma_wait3A_41 = tpu.memref_squeeze %dma_wait3A_40 : memref<1x256x128xf32, #tpu.memory_space<hbm>> -> memref<256x128xf32, #tpu.memory_space<hbm>>
      %dma_wait3A_42 = arith.constant 0 : i32
      %dma_wait3A_43 = tpu.memref_slice %arg2[%add3A_3, %mul3A_0, %dma_wait3A_42] : memref<8x4096x128xf32, #tpu.memory_space<hbm>> -> memref<1x256x128xf32, #tpu.memory_space<hbm>>
      %dma_wait3A_44 = tpu.memref_squeeze %dma_wait3A_43 : memref<1x256x128xf32, #tpu.memory_space<hbm>> -> memref<256x128xf32, #tpu.memory_space<hbm>>
      tpu.wait_dma2 semaphore(%run_scoped3A_34 : memref<!tpu.dma_semaphore, #tpu.memory_space<semaphore_mem>>) src(%dma_wait3A_44 : memref<256x128xf32, #tpu.memory_space<hbm>>) dst(%arg7 : memref<256x128xf32, #tpu.memory_space<vmem>>)
      tpu.yield
    }) : () -> ()
    "tpu.region"() ({
      %run_scoped3A_34 = tpu.sem_alloc : memref<!tpu.dma_semaphore, #tpu.memory_space<semaphore_mem>>
      %dma_start3A = arith.constant 0 : i32
      %dma_start3A_35 = arith.constant 0 : i32
      %dma_start3A_36 = tpu.memref_slice %arg3[%add3A_3, %arg1, %dma_start3A, %dma_start3A_35] : memref<8x16x2x128xi32, #tpu.memory_space<hbm>> -> memref<1x1x2x128xi32, #tpu.memory_space<hbm>>
      %dma_start3A_37 = tpu.memref_squeeze %dma_start3A_36 : memref<1x1x2x128xi32, #tpu.memory_space<hbm>> -> memref<2x128xi32, #tpu.memory_space<hbm>>
      %dma_start3A_38 = arith.constant 0 : i32
      %dma_start3A_39 = arith.constant 0 : i32
      %dma_start3A_40 = tpu.memref_slice %arg3[%add3A_3, %arg1, %dma_start3A_38, %dma_start3A_39] : memref<8x16x2x128xi32, #tpu.memory_space<hbm>> -> memref<1x1x2x128xi32, #tpu.memory_space<hbm>>
      %dma_start3A_41 = tpu.memref_squeeze %dma_start3A_40 : memref<1x1x2x128xi32, #tpu.memory_space<hbm>> -> memref<2x128xi32, #tpu.memory_space<hbm>>
      tpu.enqueue_dma source(%dma_start3A_41 : memref<2x128xi32, #tpu.memory_space<hbm>>) target(%arg6 : memref<2x128xi32, #tpu.memory_space<vmem>>) target_semaphore(%run_scoped3A_34 : memref<!tpu.dma_semaphore, #tpu.memory_space<semaphore_mem>>)
      %dma_wait3A = arith.constant 0 : i32
      %dma_wait3A_42 = arith.constant 0 : i32
      %dma_wait3A_43 = tpu.memref_slice %arg3[%add3A_3, %arg1, %dma_wait3A, %dma_wait3A_42] : memref<8x16x2x128xi32, #tpu.memory_space<hbm>> -> memref<1x1x2x128xi32, #tpu.memory_space<hbm>>
      %dma_wait3A_44 = tpu.memref_squeeze %dma_wait3A_43 : memref<1x1x2x128xi32, #tpu.memory_space<hbm>> -> memref<2x128xi32, #tpu.memory_space<hbm>>
      %dma_wait3A_45 = arith.constant 0 : i32
      %dma_wait3A_46 = arith.constant 0 : i32
      %dma_wait3A_47 = tpu.memref_slice %arg3[%add3A_3, %arg1, %dma_wait3A_45, %dma_wait3A_46] : memref<8x16x2x128xi32, #tpu.memory_space<hbm>> -> memref<1x1x2x128xi32, #tpu.memory_space<hbm>>
      %dma_wait3A_48 = tpu.memref_squeeze %dma_wait3A_47 : memref<1x1x2x128xi32, #tpu.memory_space<hbm>> -> memref<2x128xi32, #tpu.memory_space<hbm>>
      tpu.wait_dma2 semaphore(%run_scoped3A_34 : memref<!tpu.dma_semaphore, #tpu.memory_space<semaphore_mem>>) src(%dma_wait3A_48 : memref<2x128xi32, #tpu.memory_space<hbm>>) dst(%arg6 : memref<2x128xi32, #tpu.memory_space<vmem>>)
      tpu.yield
    }) : () -> ()
    %barrier3A = arith.constant 0 : index
    tpu.barrier barrier_id(%barrier3A)
    %run_scoped3A = arith.constant 0 : i32
    "tpu.region"() ({
      %run_scoped3A_34 = tpu.sem_alloc : memref<!tpu.dma_semaphore, #tpu.memory_space<semaphore_mem>>
      %dma_start3A = arith.constant 0 : i32
      %dma_start3A_35 = arith.constant 0 : i32
      %dma_start3A_36 = tpu.memref_slice %arg7[%dma_start3A, %dma_start3A_35] : memref<256x128xf32, #tpu.memory_space<vmem>> -> memref<128x128xf32, #tpu.memory_space<vmem>>
      %dma_start3A_37 = arith.constant 0 : i32
      %dma_start3A_38 = tpu.memref_slice %arg6[%run_scoped3A, %dma_start3A_37] : memref<2x128xi32, #tpu.memory_space<vmem>> -> memref<1x128xi32, #tpu.memory_space<vmem>>
      %dma_start3A_39 = tpu.memref_squeeze %dma_start3A_38 : memref<1x128xi32, #tpu.memory_space<vmem>> -> memref<128xi32, #tpu.memory_space<vmem>>
      %dma_start3A_40 = arith.constant 0 : i32
      %dma_start3A_41 = arith.constant 0 : i32
      %dma_start3A_42 = tpu.memref_slice %arg8[%dma_start3A_40, %dma_start3A_41] : memref<4096x128xf32, #tpu.memory_space<vmem_shared>> -> memref<4096x128xf32, #tpu.memory_space<vmem_shared>>
      tpu.enqueue_indirect_dma source(%dma_start3A_36 : memref<128x128xf32, #tpu.memory_space<vmem>>) target(%dma_start3A_42 : memref<4096x128xf32, #tpu.memory_space<vmem_shared>>) offsets(%dma_start3A_39 : memref<128xi32, #tpu.memory_space<vmem>>) semaphore(%run_scoped3A_34 : memref<!tpu.dma_semaphore, #tpu.memory_space<semaphore_mem>>) {add = true}
      %dma_wait3A = arith.constant 0 : i32
      %dma_wait3A_43 = arith.constant 0 : i32
      %dma_wait3A_44 = tpu.memref_slice %arg7[%dma_wait3A, %dma_wait3A_43] : memref<256x128xf32, #tpu.memory_space<vmem>> -> memref<128x128xf32, #tpu.memory_space<vmem>>
      %dma_wait3A_45 = arith.constant 0 : i32
      %dma_wait3A_46 = tpu.memref_slice %arg6[%run_scoped3A, %dma_wait3A_45] : memref<2x128xi32, #tpu.memory_space<vmem>> -> memref<1x128xi32, #tpu.memory_space<vmem>>
      %dma_wait3A_47 = tpu.memref_squeeze %dma_wait3A_46 : memref<1x128xi32, #tpu.memory_space<vmem>> -> memref<128xi32, #tpu.memory_space<vmem>>
      %dma_wait3A_48 = arith.constant 0 : i32
      %dma_wait3A_49 = arith.constant 0 : i32
      %dma_wait3A_50 = tpu.memref_slice %arg8[%dma_wait3A_48, %dma_wait3A_49] : memref<4096x128xf32, #tpu.memory_space<vmem_shared>> -> memref<4096x128xf32, #tpu.memory_space<vmem_shared>>
      tpu.wait_indirect_dma semaphore(%run_scoped3A_34 : memref<!tpu.dma_semaphore, #tpu.memory_space<semaphore_mem>>) src(%dma_wait3A_44 : memref<128x128xf32, #tpu.memory_space<vmem>>) dst(%dma_wait3A_50 : memref<4096x128xf32, #tpu.memory_space<vmem_shared>>)
      tpu.yield
    }) : () -> ()
    %run_scoped3A_4 = arith.constant 1 : i32
    "tpu.region"() ({
      %run_scoped3A_34 = tpu.sem_alloc : memref<!tpu.dma_semaphore, #tpu.memory_space<semaphore_mem>>
      %dma_start3A = arith.constant 128 : i32
      %dma_start3A_35 = arith.constant 0 : i32
      %dma_start3A_36 = tpu.memref_slice %arg7[%dma_start3A, %dma_start3A_35] : memref<256x128xf32, #tpu.memory_space<vmem>> -> memref<128x128xf32, #tpu.memory_space<vmem>>
      %dma_start3A_37 = arith.constant 0 : i32
      %dma_start3A_38 = tpu.memref_slice %arg6[%run_scoped3A_4, %dma_start3A_37] : memref<2x128xi32, #tpu.memory_space<vmem>> -> memref<1x128xi32, #tpu.memory_space<vmem>>
      %dma_start3A_39 = tpu.memref_squeeze %dma_start3A_38 : memref<1x128xi32, #tpu.memory_space<vmem>> -> memref<128xi32, #tpu.memory_space<vmem>>
      %dma_start3A_40 = arith.constant 0 : i32
      %dma_start3A_41 = arith.constant 0 : i32
      %dma_start3A_42 = tpu.memref_slice %arg8[%dma_start3A_40, %dma_start3A_41] : memref<4096x128xf32, #tpu.memory_space<vmem_shared>> -> memref<4096x128xf32, #tpu.memory_space<vmem_shared>>
      tpu.enqueue_indirect_dma source(%dma_start3A_36 : memref<128x128xf32, #tpu.memory_space<vmem>>) target(%dma_start3A_42 : memref<4096x128xf32, #tpu.memory_space<vmem_shared>>) offsets(%dma_start3A_39 : memref<128xi32, #tpu.memory_space<vmem>>) semaphore(%run_scoped3A_34 : memref<!tpu.dma_semaphore, #tpu.memory_space<semaphore_mem>>) {add = true}
      %dma_wait3A = arith.constant 128 : i32
      %dma_wait3A_43 = arith.constant 0 : i32
      %dma_wait3A_44 = tpu.memref_slice %arg7[%dma_wait3A, %dma_wait3A_43] : memref<256x128xf32, #tpu.memory_space<vmem>> -> memref<128x128xf32, #tpu.memory_space<vmem>>
      %dma_wait3A_45 = arith.constant 0 : i32
      %dma_wait3A_46 = tpu.memref_slice %arg6[%run_scoped3A_4, %dma_wait3A_45] : memref<2x128xi32, #tpu.memory_space<vmem>> -> memref<1x128xi32, #tpu.memory_space<vmem>>
      %dma_wait3A_47 = tpu.memref_squeeze %dma_wait3A_46 : memref<1x128xi32, #tpu.memory_space<vmem>> -> memref<128xi32, #tpu.memory_space<vmem>>
      %dma_wait3A_48 = arith.constant 0 : i32
      %dma_wait3A_49 = arith.constant 0 : i32
      %dma_wait3A_50 = tpu.memref_slice %arg8[%dma_wait3A_48, %dma_wait3A_49] : memref<4096x128xf32, #tpu.memory_space<vmem_shared>> -> memref<4096x128xf32, #tpu.memory_space<vmem_shared>>
      tpu.wait_indirect_dma semaphore(%run_scoped3A_34 : memref<!tpu.dma_semaphore, #tpu.memory_space<semaphore_mem>>) src(%dma_wait3A_44 : memref<128x128xf32, #tpu.memory_space<vmem>>) dst(%dma_wait3A_50 : memref<4096x128xf32, #tpu.memory_space<vmem_shared>>)
      tpu.yield
    }) : () -> ()
    %barrier3A_5 = arith.constant 0 : index
    tpu.barrier barrier_id(%barrier3A_5)
    "tpu.region"() ({
      %run_scoped3A_34 = tpu.sem_alloc : memref<!tpu.dma_semaphore, #tpu.memory_space<semaphore_mem>>
      %dma_start3A = arith.constant 0 : i32
      %dma_start3A_35 = tpu.memref_slice %arg5[%add3A_3, %mul3A_0, %dma_start3A] : memref<8x4096x128xf32, #tpu.memory_space<hbm>> -> memref<1x256x128xf32, #tpu.memory_space<hbm>>
      %dma_start3A_36 = tpu.memref_squeeze %dma_start3A_35 : memref<1x256x128xf32, #tpu.memory_space<hbm>> -> memref<256x128xf32, #tpu.memory_space<hbm>>
      %dma_start3A_37 = arith.constant 0 : i32
      %dma_start3A_38 = tpu.memref_slice %arg8[%mul3A_0, %dma_start3A_37] : memref<4096x128xf32, #tpu.memory_space<vmem_shared>> -> memref<256x128xf32, #tpu.memory_space<vmem_shared>>
      tpu.enqueue_dma source(%dma_start3A_38 : memref<256x128xf32, #tpu.memory_space<vmem_shared>>) target(%dma_start3A_36 : memref<256x128xf32, #tpu.memory_space<hbm>>) target_semaphore(%run_scoped3A_34 : memref<!tpu.dma_semaphore, #tpu.memory_space<semaphore_mem>>)
      %dma_wait3A = arith.constant 0 : i32
      %dma_wait3A_39 = tpu.memref_slice %arg5[%add3A_3, %mul3A_0, %dma_wait3A] : memref<8x4096x128xf32, #tpu.memory_space<hbm>> -> memref<1x256x128xf32, #tpu.memory_space<hbm>>
      %dma_wait3A_40 = tpu.memref_squeeze %dma_wait3A_39 : memref<1x256x128xf32, #tpu.memory_space<hbm>> -> memref<256x128xf32, #tpu.memory_space<hbm>>
      %dma_wait3A_41 = arith.constant 0 : i32
      %dma_wait3A_42 = tpu.memref_slice %arg8[%mul3A_0, %dma_wait3A_41] : memref<4096x128xf32, #tpu.memory_space<vmem_shared>> -> memref<256x128xf32, #tpu.memory_space<vmem_shared>>
      tpu.wait_dma2 semaphore(%run_scoped3A_34 : memref<!tpu.dma_semaphore, #tpu.memory_space<semaphore_mem>>) src(%dma_wait3A_42 : memref<256x128xf32, #tpu.memory_space<vmem_shared>>) dst(%dma_wait3A_40 : memref<256x128xf32, #tpu.memory_space<hbm>>)
      tpu.yield
    }) : () -> ()
    %barrier3A_6 = arith.constant 0 : index
    tpu.barrier barrier_id(%barrier3A_6)
    %mul3A_7 = arith.constant 4 : i32
    %mul3A_8 = arith.muli %arg0, %mul3A_7 : i32
    %add3A_9 = arith.constant 1 : i32
    %add3A_10 = arith.addi %mul3A_8, %add3A_9 : i32
    "tpu.region"() ({
      %run_scoped3A_34 = tpu.sem_alloc : memref<!tpu.dma_semaphore, #tpu.memory_space<semaphore_mem>>
      %dma_start3A = arith.constant 0 : i32
      %dma_start3A_35 = tpu.memref_slice %arg8[%mul3A_0, %dma_start3A] : memref<4096x128xf32, #tpu.memory_space<vmem_shared>> -> memref<256x128xf32, #tpu.memory_space<vmem_shared>>
      %dma_start3A_36 = arith.constant 0 : i32
      %dma_start3A_37 = tpu.memref_slice %arg4[%mul3A_0, %dma_start3A_36] : memref<4096x128xf32, #tpu.memory_space<hbm>> -> memref<256x128xf32, #tpu.memory_space<hbm>>
      tpu.enqueue_dma source(%dma_start3A_37 : memref<256x128xf32, #tpu.memory_space<hbm>>) target(%dma_start3A_35 : memref<256x128xf32, #tpu.memory_space<vmem_shared>>) target_semaphore(%run_scoped3A_34 : memref<!tpu.dma_semaphore, #tpu.memory_space<semaphore_mem>>)
      %dma_wait3A = arith.constant 0 : i32
      %dma_wait3A_38 = tpu.memref_slice %arg8[%mul3A_0, %dma_wait3A] : memref<4096x128xf32, #tpu.memory_space<vmem_shared>> -> memref<256x128xf32, #tpu.memory_space<vmem_shared>>
      %dma_wait3A_39 = arith.constant 0 : i32
      %dma_wait3A_40 = tpu.memref_slice %arg4[%mul3A_0, %dma_wait3A_39] : memref<4096x128xf32, #tpu.memory_space<hbm>> -> memref<256x128xf32, #tpu.memory_space<hbm>>
      tpu.wait_dma2 semaphore(%run_scoped3A_34 : memref<!tpu.dma_semaphore, #tpu.memory_space<semaphore_mem>>) src(%dma_wait3A_40 : memref<256x128xf32, #tpu.memory_space<hbm>>) dst(%dma_wait3A_38 : memref<256x128xf32, #tpu.memory_space<vmem_shared>>)
      tpu.yield
    }) : () -> ()
    "tpu.region"() ({
      %run_scoped3A_34 = tpu.sem_alloc : memref<!tpu.dma_semaphore, #tpu.memory_space<semaphore_mem>>
      %dma_start3A = arith.constant 0 : i32
      %dma_start3A_35 = tpu.memref_slice %arg2[%add3A_10, %mul3A_0, %dma_start3A] : memref<8x4096x128xf32, #tpu.memory_space<hbm>> -> memref<1x256x128xf32, #tpu.memory_space<hbm>>
      %dma_start3A_36 = tpu.memref_squeeze %dma_start3A_35 : memref<1x256x128xf32, #tpu.memory_space<hbm>> -> memref<256x128xf32, #tpu.memory_space<hbm>>
      %dma_start3A_37 = arith.constant 0 : i32
      %dma_start3A_38 = tpu.memref_slice %arg2[%add3A_10, %mul3A_0, %dma_start3A_37] : memref<8x4096x128xf32, #tpu.memory_space<hbm>> -> memref<1x256x128xf32, #tpu.memory_space<hbm>>
      %dma_start3A_39 = tpu.memref_squeeze %dma_start3A_38 : memref<1x256x128xf32, #tpu.memory_space<hbm>> -> memref<256x128xf32, #tpu.memory_space<hbm>>
      tpu.enqueue_dma source(%dma_start3A_39 : memref<256x128xf32, #tpu.memory_space<hbm>>) target(%arg7 : memref<256x128xf32, #tpu.memory_space<vmem>>) target_semaphore(%run_scoped3A_34 : memref<!tpu.dma_semaphore, #tpu.memory_space<semaphore_mem>>)
      %dma_wait3A = arith.constant 0 : i32
      %dma_wait3A_40 = tpu.memref_slice %arg2[%add3A_10, %mul3A_0, %dma_wait3A] : memref<8x4096x128xf32, #tpu.memory_space<hbm>> -> memref<1x256x128xf32, #tpu.memory_space<hbm>>
      %dma_wait3A_41 = tpu.memref_squeeze %dma_wait3A_40 : memref<1x256x128xf32, #tpu.memory_space<hbm>> -> memref<256x128xf32, #tpu.memory_space<hbm>>
      %dma_wait3A_42 = arith.constant 0 : i32
      %dma_wait3A_43 = tpu.memref_slice %arg2[%add3A_10, %mul3A_0, %dma_wait3A_42] : memref<8x4096x128xf32, #tpu.memory_space<hbm>> -> memref<1x256x128xf32, #tpu.memory_space<hbm>>
      %dma_wait3A_44 = tpu.memref_squeeze %dma_wait3A_43 : memref<1x256x128xf32, #tpu.memory_space<hbm>> -> memref<256x128xf32, #tpu.memory_space<hbm>>
      tpu.wait_dma2 semaphore(%run_scoped3A_34 : memref<!tpu.dma_semaphore, #tpu.memory_space<semaphore_mem>>) src(%dma_wait3A_44 : memref<256x128xf32, #tpu.memory_space<hbm>>) dst(%arg7 : memref<256x128xf32, #tpu.memory_space<vmem>>)
      tpu.yield
    }) : () -> ()
    "tpu.region"() ({
      %run_scoped3A_34 = tpu.sem_alloc : memref<!tpu.dma_semaphore, #tpu.memory_space<semaphore_mem>>
      %dma_start3A = arith.constant 0 : i32
      %dma_start3A_35 = arith.constant 0 : i32
      %dma_start3A_36 = tpu.memref_slice %arg3[%add3A_10, %arg1, %dma_start3A, %dma_start3A_35] : memref<8x16x2x128xi32, #tpu.memory_space<hbm>> -> memref<1x1x2x128xi32, #tpu.memory_space<hbm>>
      %dma_start3A_37 = tpu.memref_squeeze %dma_start3A_36 : memref<1x1x2x128xi32, #tpu.memory_space<hbm>> -> memref<2x128xi32, #tpu.memory_space<hbm>>
      %dma_start3A_38 = arith.constant 0 : i32
      %dma_start3A_39 = arith.constant 0 : i32
      %dma_start3A_40 = tpu.memref_slice %arg3[%add3A_10, %arg1, %dma_start3A_38, %dma_start3A_39] : memref<8x16x2x128xi32, #tpu.memory_space<hbm>> -> memref<1x1x2x128xi32, #tpu.memory_space<hbm>>
      %dma_start3A_41 = tpu.memref_squeeze %dma_start3A_40 : memref<1x1x2x128xi32, #tpu.memory_space<hbm>> -> memref<2x128xi32, #tpu.memory_space<hbm>>
      tpu.enqueue_dma source(%dma_start3A_41 : memref<2x128xi32, #tpu.memory_space<hbm>>) target(%arg6 : memref<2x128xi32, #tpu.memory_space<vmem>>) target_semaphore(%run_scoped3A_34 : memref<!tpu.dma_semaphore, #tpu.memory_space<semaphore_mem>>)
      %dma_wait3A = arith.constant 0 : i32
      %dma_wait3A_42 = arith.constant 0 : i32
      %dma_wait3A_43 = tpu.memref_slice %arg3[%add3A_10, %arg1, %dma_wait3A, %dma_wait3A_42] : memref<8x16x2x128xi32, #tpu.memory_space<hbm>> -> memref<1x1x2x128xi32, #tpu.memory_space<hbm>>
      %dma_wait3A_44 = tpu.memref_squeeze %dma_wait3A_43 : memref<1x1x2x128xi32, #tpu.memory_space<hbm>> -> memref<2x128xi32, #tpu.memory_space<hbm>>
      %dma_wait3A_45 = arith.constant 0 : i32
      %dma_wait3A_46 = arith.constant 0 : i32
      %dma_wait3A_47 = tpu.memref_slice %arg3[%add3A_10, %arg1, %dma_wait3A_45, %dma_wait3A_46] : memref<8x16x2x128xi32, #tpu.memory_space<hbm>> -> memref<1x1x2x128xi32, #tpu.memory_space<hbm>>
      %dma_wait3A_48 = tpu.memref_squeeze %dma_wait3A_47 : memref<1x1x2x128xi32, #tpu.memory_space<hbm>> -> memref<2x128xi32, #tpu.memory_space<hbm>>
      tpu.wait_dma2 semaphore(%run_scoped3A_34 : memref<!tpu.dma_semaphore, #tpu.memory_space<semaphore_mem>>) src(%dma_wait3A_48 : memref<2x128xi32, #tpu.memory_space<hbm>>) dst(%arg6 : memref<2x128xi32, #tpu.memory_space<vmem>>)
      tpu.yield
    }) : () -> ()
    %barrier3A_11 = arith.constant 0 : index
    tpu.barrier barrier_id(%barrier3A_11)
    %run_scoped3A_12 = arith.constant 0 : i32
    "tpu.region"() ({
      %run_scoped3A_34 = tpu.sem_alloc : memref<!tpu.dma_semaphore, #tpu.memory_space<semaphore_mem>>
      %dma_start3A = arith.constant 0 : i32
      %dma_start3A_35 = arith.constant 0 : i32
      %dma_start3A_36 = tpu.memref_slice %arg7[%dma_start3A, %dma_start3A_35] : memref<256x128xf32, #tpu.memory_space<vmem>> -> memref<128x128xf32, #tpu.memory_space<vmem>>
      %dma_start3A_37 = arith.constant 0 : i32
      %dma_start3A_38 = tpu.memref_slice %arg6[%run_scoped3A_12, %dma_start3A_37] : memref<2x128xi32, #tpu.memory_space<vmem>> -> memref<1x128xi32, #tpu.memory_space<vmem>>
      %dma_start3A_39 = tpu.memref_squeeze %dma_start3A_38 : memref<1x128xi32, #tpu.memory_space<vmem>> -> memref<128xi32, #tpu.memory_space<vmem>>
      %dma_start3A_40 = arith.constant 0 : i32
      %dma_start3A_41 = arith.constant 0 : i32
      %dma_start3A_42 = tpu.memref_slice %arg8[%dma_start3A_40, %dma_start3A_41] : memref<4096x128xf32, #tpu.memory_space<vmem_shared>> -> memref<4096x128xf32, #tpu.memory_space<vmem_shared>>
      tpu.enqueue_indirect_dma source(%dma_start3A_36 : memref<128x128xf32, #tpu.memory_space<vmem>>) target(%dma_start3A_42 : memref<4096x128xf32, #tpu.memory_space<vmem_shared>>) offsets(%dma_start3A_39 : memref<128xi32, #tpu.memory_space<vmem>>) semaphore(%run_scoped3A_34 : memref<!tpu.dma_semaphore, #tpu.memory_space<semaphore_mem>>) {add = true}
      %dma_wait3A = arith.constant 0 : i32
      %dma_wait3A_43 = arith.constant 0 : i32
      %dma_wait3A_44 = tpu.memref_slice %arg7[%dma_wait3A, %dma_wait3A_43] : memref<256x128xf32, #tpu.memory_space<vmem>> -> memref<128x128xf32, #tpu.memory_space<vmem>>
      %dma_wait3A_45 = arith.constant 0 : i32
      %dma_wait3A_46 = tpu.memref_slice %arg6[%run_scoped3A_12, %dma_wait3A_45] : memref<2x128xi32, #tpu.memory_space<vmem>> -> memref<1x128xi32, #tpu.memory_space<vmem>>
      %dma_wait3A_47 = tpu.memref_squeeze %dma_wait3A_46 : memref<1x128xi32, #tpu.memory_space<vmem>> -> memref<128xi32, #tpu.memory_space<vmem>>
      %dma_wait3A_48 = arith.constant 0 : i32
      %dma_wait3A_49 = arith.constant 0 : i32
      %dma_wait3A_50 = tpu.memref_slice %arg8[%dma_wait3A_48, %dma_wait3A_49] : memref<4096x128xf32, #tpu.memory_space<vmem_shared>> -> memref<4096x128xf32, #tpu.memory_space<vmem_shared>>
      tpu.wait_indirect_dma semaphore(%run_scoped3A_34 : memref<!tpu.dma_semaphore, #tpu.memory_space<semaphore_mem>>) src(%dma_wait3A_44 : memref<128x128xf32, #tpu.memory_space<vmem>>) dst(%dma_wait3A_50 : memref<4096x128xf32, #tpu.memory_space<vmem_shared>>)
      tpu.yield
    }) : () -> ()
    %run_scoped3A_13 = arith.constant 1 : i32
    "tpu.region"() ({
      %run_scoped3A_34 = tpu.sem_alloc : memref<!tpu.dma_semaphore, #tpu.memory_space<semaphore_mem>>
      %dma_start3A = arith.constant 128 : i32
      %dma_start3A_35 = arith.constant 0 : i32
      %dma_start3A_36 = tpu.memref_slice %arg7[%dma_start3A, %dma_start3A_35] : memref<256x128xf32, #tpu.memory_space<vmem>> -> memref<128x128xf32, #tpu.memory_space<vmem>>
      %dma_start3A_37 = arith.constant 0 : i32
      %dma_start3A_38 = tpu.memref_slice %arg6[%run_scoped3A_13, %dma_start3A_37] : memref<2x128xi32, #tpu.memory_space<vmem>> -> memref<1x128xi32, #tpu.memory_space<vmem>>
      %dma_start3A_39 = tpu.memref_squeeze %dma_start3A_38 : memref<1x128xi32, #tpu.memory_space<vmem>> -> memref<128xi32, #tpu.memory_space<vmem>>
      %dma_start3A_40 = arith.constant 0 : i32
      %dma_start3A_41 = arith.constant 0 : i32
      %dma_start3A_42 = tpu.memref_slice %arg8[%dma_start3A_40, %dma_start3A_41] : memref<4096x128xf32, #tpu.memory_space<vmem_shared>> -> memref<4096x128xf32, #tpu.memory_space<vmem_shared>>
      tpu.enqueue_indirect_dma source(%dma_start3A_36 : memref<128x128xf32, #tpu.memory_space<vmem>>) target(%dma_start3A_42 : memref<4096x128xf32, #tpu.memory_space<vmem_shared>>) offsets(%dma_start3A_39 : memref<128xi32, #tpu.memory_space<vmem>>) semaphore(%run_scoped3A_34 : memref<!tpu.dma_semaphore, #tpu.memory_space<semaphore_mem>>) {add = true}
      %dma_wait3A = arith.constant 128 : i32
      %dma_wait3A_43 = arith.constant 0 : i32
      %dma_wait3A_44 = tpu.memref_slice %arg7[%dma_wait3A, %dma_wait3A_43] : memref<256x128xf32, #tpu.memory_space<vmem>> -> memref<128x128xf32, #tpu.memory_space<vmem>>
      %dma_wait3A_45 = arith.constant 0 : i32
      %dma_wait3A_46 = tpu.memref_slice %arg6[%run_scoped3A_13, %dma_wait3A_45] : memref<2x128xi32, #tpu.memory_space<vmem>> -> memref<1x128xi32, #tpu.memory_space<vmem>>
      %dma_wait3A_47 = tpu.memref_squeeze %dma_wait3A_46 : memref<1x128xi32, #tpu.memory_space<vmem>> -> memref<128xi32, #tpu.memory_space<vmem>>
      %dma_wait3A_48 = arith.constant 0 : i32
      %dma_wait3A_49 = arith.constant 0 : i32
      %dma_wait3A_50 = tpu.memref_slice %arg8[%dma_wait3A_48, %dma_wait3A_49] : memref<4096x128xf32, #tpu.memory_space<vmem_shared>> -> memref<4096x128xf32, #tpu.memory_space<vmem_shared>>
      tpu.wait_indirect_dma semaphore(%run_scoped3A_34 : memref<!tpu.dma_semaphore, #tpu.memory_space<semaphore_mem>>) src(%dma_wait3A_44 : memref<128x128xf32, #tpu.memory_space<vmem>>) dst(%dma_wait3A_50 : memref<4096x128xf32, #tpu.memory_space<vmem_shared>>)
      tpu.yield
    }) : () -> ()
    %barrier3A_14 = arith.constant 0 : index
    tpu.barrier barrier_id(%barrier3A_14)
    "tpu.region"() ({
      %run_scoped3A_34 = tpu.sem_alloc : memref<!tpu.dma_semaphore, #tpu.memory_space<semaphore_mem>>
      %dma_start3A = arith.constant 0 : i32
      %dma_start3A_35 = tpu.memref_slice %arg5[%add3A_10, %mul3A_0, %dma_start3A] : memref<8x4096x128xf32, #tpu.memory_space<hbm>> -> memref<1x256x128xf32, #tpu.memory_space<hbm>>
      %dma_start3A_36 = tpu.memref_squeeze %dma_start3A_35 : memref<1x256x128xf32, #tpu.memory_space<hbm>> -> memref<256x128xf32, #tpu.memory_space<hbm>>
      %dma_start3A_37 = arith.constant 0 : i32
      %dma_start3A_38 = tpu.memref_slice %arg8[%mul3A_0, %dma_start3A_37] : memref<4096x128xf32, #tpu.memory_space<vmem_shared>> -> memref<256x128xf32, #tpu.memory_space<vmem_shared>>
      tpu.enqueue_dma source(%dma_start3A_38 : memref<256x128xf32, #tpu.memory_space<vmem_shared>>) target(%dma_start3A_36 : memref<256x128xf32, #tpu.memory_space<hbm>>) target_semaphore(%run_scoped3A_34 : memref<!tpu.dma_semaphore, #tpu.memory_space<semaphore_mem>>)
      %dma_wait3A = arith.constant 0 : i32
      %dma_wait3A_39 = tpu.memref_slice %arg5[%add3A_10, %mul3A_0, %dma_wait3A] : memref<8x4096x128xf32, #tpu.memory_space<hbm>> -> memref<1x256x128xf32, #tpu.memory_space<hbm>>
      %dma_wait3A_40 = tpu.memref_squeeze %dma_wait3A_39 : memref<1x256x128xf32, #tpu.memory_space<hbm>> -> memref<256x128xf32, #tpu.memory_space<hbm>>
      %dma_wait3A_41 = arith.constant 0 : i32
      %dma_wait3A_42 = tpu.memref_slice %arg8[%mul3A_0, %dma_wait3A_41] : memref<4096x128xf32, #tpu.memory_space<vmem_shared>> -> memref<256x128xf32, #tpu.memory_space<vmem_shared>>
      tpu.wait_dma2 semaphore(%run_scoped3A_34 : memref<!tpu.dma_semaphore, #tpu.memory_space<semaphore_mem>>) src(%dma_wait3A_42 : memref<256x128xf32, #tpu.memory_space<vmem_shared>>) dst(%dma_wait3A_40 : memref<256x128xf32, #tpu.memory_space<hbm>>)
      tpu.yield
    }) : () -> ()
    %barrier3A_15 = arith.constant 0 : index
    tpu.barrier barrier_id(%barrier3A_15)
    %mul3A_16 = arith.constant 4 : i32
    %mul3A_17 = arith.muli %arg0, %mul3A_16 : i32
    %add3A_18 = arith.constant 2 : i32
    %add3A_19 = arith.addi %mul3A_17, %add3A_18 : i32
    "tpu.region"() ({
      %run_scoped3A_34 = tpu.sem_alloc : memref<!tpu.dma_semaphore, #tpu.memory_space<semaphore_mem>>
      %dma_start3A = arith.constant 0 : i32
      %dma_start3A_35 = tpu.memref_slice %arg8[%mul3A_0, %dma_start3A] : memref<4096x128xf32, #tpu.memory_space<vmem_shared>> -> memref<256x128xf32, #tpu.memory_space<vmem_shared>>
      %dma_start3A_36 = arith.constant 0 : i32
      %dma_start3A_37 = tpu.memref_slice %arg4[%mul3A_0, %dma_start3A_36] : memref<4096x128xf32, #tpu.memory_space<hbm>> -> memref<256x128xf32, #tpu.memory_space<hbm>>
      tpu.enqueue_dma source(%dma_start3A_37 : memref<256x128xf32, #tpu.memory_space<hbm>>) target(%dma_start3A_35 : memref<256x128xf32, #tpu.memory_space<vmem_shared>>) target_semaphore(%run_scoped3A_34 : memref<!tpu.dma_semaphore, #tpu.memory_space<semaphore_mem>>)
      %dma_wait3A = arith.constant 0 : i32
      %dma_wait3A_38 = tpu.memref_slice %arg8[%mul3A_0, %dma_wait3A] : memref<4096x128xf32, #tpu.memory_space<vmem_shared>> -> memref<256x128xf32, #tpu.memory_space<vmem_shared>>
      %dma_wait3A_39 = arith.constant 0 : i32
      %dma_wait3A_40 = tpu.memref_slice %arg4[%mul3A_0, %dma_wait3A_39] : memref<4096x128xf32, #tpu.memory_space<hbm>> -> memref<256x128xf32, #tpu.memory_space<hbm>>
      tpu.wait_dma2 semaphore(%run_scoped3A_34 : memref<!tpu.dma_semaphore, #tpu.memory_space<semaphore_mem>>) src(%dma_wait3A_40 : memref<256x128xf32, #tpu.memory_space<hbm>>) dst(%dma_wait3A_38 : memref<256x128xf32, #tpu.memory_space<vmem_shared>>)
      tpu.yield
    }) : () -> ()
    "tpu.region"() ({
      %run_scoped3A_34 = tpu.sem_alloc : memref<!tpu.dma_semaphore, #tpu.memory_space<semaphore_mem>>
      %dma_start3A = arith.constant 0 : i32
      %dma_start3A_35 = tpu.memref_slice %arg2[%add3A_19, %mul3A_0, %dma_start3A] : memref<8x4096x128xf32, #tpu.memory_space<hbm>> -> memref<1x256x128xf32, #tpu.memory_space<hbm>>
      %dma_start3A_36 = tpu.memref_squeeze %dma_start3A_35 : memref<1x256x128xf32, #tpu.memory_space<hbm>> -> memref<256x128xf32, #tpu.memory_space<hbm>>
      %dma_start3A_37 = arith.constant 0 : i32
      %dma_start3A_38 = tpu.memref_slice %arg2[%add3A_19, %mul3A_0, %dma_start3A_37] : memref<8x4096x128xf32, #tpu.memory_space<hbm>> -> memref<1x256x128xf32, #tpu.memory_space<hbm>>
      %dma_start3A_39 = tpu.memref_squeeze %dma_start3A_38 : memref<1x256x128xf32, #tpu.memory_space<hbm>> -> memref<256x128xf32, #tpu.memory_space<hbm>>
      tpu.enqueue_dma source(%dma_start3A_39 : memref<256x128xf32, #tpu.memory_space<hbm>>) target(%arg7 : memref<256x128xf32, #tpu.memory_space<vmem>>) target_semaphore(%run_scoped3A_34 : memref<!tpu.dma_semaphore, #tpu.memory_space<semaphore_mem>>)
      %dma_wait3A = arith.constant 0 : i32
      %dma_wait3A_40 = tpu.memref_slice %arg2[%add3A_19, %mul3A_0, %dma_wait3A] : memref<8x4096x128xf32, #tpu.memory_space<hbm>> -> memref<1x256x128xf32, #tpu.memory_space<hbm>>
      %dma_wait3A_41 = tpu.memref_squeeze %dma_wait3A_40 : memref<1x256x128xf32, #tpu.memory_space<hbm>> -> memref<256x128xf32, #tpu.memory_space<hbm>>
      %dma_wait3A_42 = arith.constant 0 : i32
      %dma_wait3A_43 = tpu.memref_slice %arg2[%add3A_19, %mul3A_0, %dma_wait3A_42] : memref<8x4096x128xf32, #tpu.memory_space<hbm>> -> memref<1x256x128xf32, #tpu.memory_space<hbm>>
      %dma_wait3A_44 = tpu.memref_squeeze %dma_wait3A_43 : memref<1x256x128xf32, #tpu.memory_space<hbm>> -> memref<256x128xf32, #tpu.memory_space<hbm>>
      tpu.wait_dma2 semaphore(%run_scoped3A_34 : memref<!tpu.dma_semaphore, #tpu.memory_space<semaphore_mem>>) src(%dma_wait3A_44 : memref<256x128xf32, #tpu.memory_space<hbm>>) dst(%arg7 : memref<256x128xf32, #tpu.memory_space<vmem>>)
      tpu.yield
    }) : () -> ()
    "tpu.region"() ({
      %run_scoped3A_34 = tpu.sem_alloc : memref<!tpu.dma_semaphore, #tpu.memory_space<semaphore_mem>>
      %dma_start3A = arith.constant 0 : i32
      %dma_start3A_35 = arith.constant 0 : i32
      %dma_start3A_36 = tpu.memref_slice %arg3[%add3A_19, %arg1, %dma_start3A, %dma_start3A_35] : memref<8x16x2x128xi32, #tpu.memory_space<hbm>> -> memref<1x1x2x128xi32, #tpu.memory_space<hbm>>
      %dma_start3A_37 = tpu.memref_squeeze %dma_start3A_36 : memref<1x1x2x128xi32, #tpu.memory_space<hbm>> -> memref<2x128xi32, #tpu.memory_space<hbm>>
      %dma_start3A_38 = arith.constant 0 : i32
      %dma_start3A_39 = arith.constant 0 : i32
      %dma_start3A_40 = tpu.memref_slice %arg3[%add3A_19, %arg1, %dma_start3A_38, %dma_start3A_39] : memref<8x16x2x128xi32, #tpu.memory_space<hbm>> -> memref<1x1x2x128xi32, #tpu.memory_space<hbm>>
      %dma_start3A_41 = tpu.memref_squeeze %dma_start3A_40 : memref<1x1x2x128xi32, #tpu.memory_space<hbm>> -> memref<2x128xi32, #tpu.memory_space<hbm>>
      tpu.enqueue_dma source(%dma_start3A_41 : memref<2x128xi32, #tpu.memory_space<hbm>>) target(%arg6 : memref<2x128xi32, #tpu.memory_space<vmem>>) target_semaphore(%run_scoped3A_34 : memref<!tpu.dma_semaphore, #tpu.memory_space<semaphore_mem>>)
      %dma_wait3A = arith.constant 0 : i32
      %dma_wait3A_42 = arith.constant 0 : i32
      %dma_wait3A_43 = tpu.memref_slice %arg3[%add3A_19, %arg1, %dma_wait3A, %dma_wait3A_42] : memref<8x16x2x128xi32, #tpu.memory_space<hbm>> -> memref<1x1x2x128xi32, #tpu.memory_space<hbm>>
      %dma_wait3A_44 = tpu.memref_squeeze %dma_wait3A_43 : memref<1x1x2x128xi32, #tpu.memory_space<hbm>> -> memref<2x128xi32, #tpu.memory_space<hbm>>
      %dma_wait3A_45 = arith.constant 0 : i32
      %dma_wait3A_46 = arith.constant 0 : i32
      %dma_wait3A_47 = tpu.memref_slice %arg3[%add3A_19, %arg1, %dma_wait3A_45, %dma_wait3A_46] : memref<8x16x2x128xi32, #tpu.memory_space<hbm>> -> memref<1x1x2x128xi32, #tpu.memory_space<hbm>>
      %dma_wait3A_48 = tpu.memref_squeeze %dma_wait3A_47 : memref<1x1x2x128xi32, #tpu.memory_space<hbm>> -> memref<2x128xi32, #tpu.memory_space<hbm>>
      tpu.wait_dma2 semaphore(%run_scoped3A_34 : memref<!tpu.dma_semaphore, #tpu.memory_space<semaphore_mem>>) src(%dma_wait3A_48 : memref<2x128xi32, #tpu.memory_space<hbm>>) dst(%arg6 : memref<2x128xi32, #tpu.memory_space<vmem>>)
      tpu.yield
    }) : () -> ()
    %barrier3A_20 = arith.constant 0 : index
    tpu.barrier barrier_id(%barrier3A_20)
    %run_scoped3A_21 = arith.constant 0 : i32
    "tpu.region"() ({
      %run_scoped3A_34 = tpu.sem_alloc : memref<!tpu.dma_semaphore, #tpu.memory_space<semaphore_mem>>
      %dma_start3A = arith.constant 0 : i32
      %dma_start3A_35 = arith.constant 0 : i32
      %dma_start3A_36 = tpu.memref_slice %arg7[%dma_start3A, %dma_start3A_35] : memref<256x128xf32, #tpu.memory_space<vmem>> -> memref<128x128xf32, #tpu.memory_space<vmem>>
      %dma_start3A_37 = arith.constant 0 : i32
      %dma_start3A_38 = tpu.memref_slice %arg6[%run_scoped3A_21, %dma_start3A_37] : memref<2x128xi32, #tpu.memory_space<vmem>> -> memref<1x128xi32, #tpu.memory_space<vmem>>
      %dma_start3A_39 = tpu.memref_squeeze %dma_start3A_38 : memref<1x128xi32, #tpu.memory_space<vmem>> -> memref<128xi32, #tpu.memory_space<vmem>>
      %dma_start3A_40 = arith.constant 0 : i32
      %dma_start3A_41 = arith.constant 0 : i32
      %dma_start3A_42 = tpu.memref_slice %arg8[%dma_start3A_40, %dma_start3A_41] : memref<4096x128xf32, #tpu.memory_space<vmem_shared>> -> memref<4096x128xf32, #tpu.memory_space<vmem_shared>>
      tpu.enqueue_indirect_dma source(%dma_start3A_36 : memref<128x128xf32, #tpu.memory_space<vmem>>) target(%dma_start3A_42 : memref<4096x128xf32, #tpu.memory_space<vmem_shared>>) offsets(%dma_start3A_39 : memref<128xi32, #tpu.memory_space<vmem>>) semaphore(%run_scoped3A_34 : memref<!tpu.dma_semaphore, #tpu.memory_space<semaphore_mem>>) {add = true}
      %dma_wait3A = arith.constant 0 : i32
      %dma_wait3A_43 = arith.constant 0 : i32
      %dma_wait3A_44 = tpu.memref_slice %arg7[%dma_wait3A, %dma_wait3A_43] : memref<256x128xf32, #tpu.memory_space<vmem>> -> memref<128x128xf32, #tpu.memory_space<vmem>>
      %dma_wait3A_45 = arith.constant 0 : i32
      %dma_wait3A_46 = tpu.memref_slice %arg6[%run_scoped3A_21, %dma_wait3A_45] : memref<2x128xi32, #tpu.memory_space<vmem>> -> memref<1x128xi32, #tpu.memory_space<vmem>>
      %dma_wait3A_47 = tpu.memref_squeeze %dma_wait3A_46 : memref<1x128xi32, #tpu.memory_space<vmem>> -> memref<128xi32, #tpu.memory_space<vmem>>
      %dma_wait3A_48 = arith.constant 0 : i32
      %dma_wait3A_49 = arith.constant 0 : i32
      %dma_wait3A_50 = tpu.memref_slice %arg8[%dma_wait3A_48, %dma_wait3A_49] : memref<4096x128xf32, #tpu.memory_space<vmem_shared>> -> memref<4096x128xf32, #tpu.memory_space<vmem_shared>>
      tpu.wait_indirect_dma semaphore(%run_scoped3A_34 : memref<!tpu.dma_semaphore, #tpu.memory_space<semaphore_mem>>) src(%dma_wait3A_44 : memref<128x128xf32, #tpu.memory_space<vmem>>) dst(%dma_wait3A_50 : memref<4096x128xf32, #tpu.memory_space<vmem_shared>>)
      tpu.yield
    }) : () -> ()
    %run_scoped3A_22 = arith.constant 1 : i32
    "tpu.region"() ({
      %run_scoped3A_34 = tpu.sem_alloc : memref<!tpu.dma_semaphore, #tpu.memory_space<semaphore_mem>>
      %dma_start3A = arith.constant 128 : i32
      %dma_start3A_35 = arith.constant 0 : i32
      %dma_start3A_36 = tpu.memref_slice %arg7[%dma_start3A, %dma_start3A_35] : memref<256x128xf32, #tpu.memory_space<vmem>> -> memref<128x128xf32, #tpu.memory_space<vmem>>
      %dma_start3A_37 = arith.constant 0 : i32
      %dma_start3A_38 = tpu.memref_slice %arg6[%run_scoped3A_22, %dma_start3A_37] : memref<2x128xi32, #tpu.memory_space<vmem>> -> memref<1x128xi32, #tpu.memory_space<vmem>>
      %dma_start3A_39 = tpu.memref_squeeze %dma_start3A_38 : memref<1x128xi32, #tpu.memory_space<vmem>> -> memref<128xi32, #tpu.memory_space<vmem>>
      %dma_start3A_40 = arith.constant 0 : i32
      %dma_start3A_41 = arith.constant 0 : i32
      %dma_start3A_42 = tpu.memref_slice %arg8[%dma_start3A_40, %dma_start3A_41] : memref<4096x128xf32, #tpu.memory_space<vmem_shared>> -> memref<4096x128xf32, #tpu.memory_space<vmem_shared>>
      tpu.enqueue_indirect_dma source(%dma_start3A_36 : memref<128x128xf32, #tpu.memory_space<vmem>>) target(%dma_start3A_42 : memref<4096x128xf32, #tpu.memory_space<vmem_shared>>) offsets(%dma_start3A_39 : memref<128xi32, #tpu.memory_space<vmem>>) semaphore(%run_scoped3A_34 : memref<!tpu.dma_semaphore, #tpu.memory_space<semaphore_mem>>) {add = true}
      %dma_wait3A = arith.constant 128 : i32
      %dma_wait3A_43 = arith.constant 0 : i32
      %dma_wait3A_44 = tpu.memref_slice %arg7[%dma_wait3A, %dma_wait3A_43] : memref<256x128xf32, #tpu.memory_space<vmem>> -> memref<128x128xf32, #tpu.memory_space<vmem>>
      %dma_wait3A_45 = arith.constant 0 : i32
      %dma_wait3A_46 = tpu.memref_slice %arg6[%run_scoped3A_22, %dma_wait3A_45] : memref<2x128xi32, #tpu.memory_space<vmem>> -> memref<1x128xi32, #tpu.memory_space<vmem>>
      %dma_wait3A_47 = tpu.memref_squeeze %dma_wait3A_46 : memref<1x128xi32, #tpu.memory_space<vmem>> -> memref<128xi32, #tpu.memory_space<vmem>>
      %dma_wait3A_48 = arith.constant 0 : i32
      %dma_wait3A_49 = arith.constant 0 : i32
      %dma_wait3A_50 = tpu.memref_slice %arg8[%dma_wait3A_48, %dma_wait3A_49] : memref<4096x128xf32, #tpu.memory_space<vmem_shared>> -> memref<4096x128xf32, #tpu.memory_space<vmem_shared>>
      tpu.wait_indirect_dma semaphore(%run_scoped3A_34 : memref<!tpu.dma_semaphore, #tpu.memory_space<semaphore_mem>>) src(%dma_wait3A_44 : memref<128x128xf32, #tpu.memory_space<vmem>>) dst(%dma_wait3A_50 : memref<4096x128xf32, #tpu.memory_space<vmem_shared>>)
      tpu.yield
    }) : () -> ()
    %barrier3A_23 = arith.constant 0 : index
    tpu.barrier barrier_id(%barrier3A_23)
    "tpu.region"() ({
      %run_scoped3A_34 = tpu.sem_alloc : memref<!tpu.dma_semaphore, #tpu.memory_space<semaphore_mem>>
      %dma_start3A = arith.constant 0 : i32
      %dma_start3A_35 = tpu.memref_slice %arg5[%add3A_19, %mul3A_0, %dma_start3A] : memref<8x4096x128xf32, #tpu.memory_space<hbm>> -> memref<1x256x128xf32, #tpu.memory_space<hbm>>
      %dma_start3A_36 = tpu.memref_squeeze %dma_start3A_35 : memref<1x256x128xf32, #tpu.memory_space<hbm>> -> memref<256x128xf32, #tpu.memory_space<hbm>>
      %dma_start3A_37 = arith.constant 0 : i32
      %dma_start3A_38 = tpu.memref_slice %arg8[%mul3A_0, %dma_start3A_37] : memref<4096x128xf32, #tpu.memory_space<vmem_shared>> -> memref<256x128xf32, #tpu.memory_space<vmem_shared>>
      tpu.enqueue_dma source(%dma_start3A_38 : memref<256x128xf32, #tpu.memory_space<vmem_shared>>) target(%dma_start3A_36 : memref<256x128xf32, #tpu.memory_space<hbm>>) target_semaphore(%run_scoped3A_34 : memref<!tpu.dma_semaphore, #tpu.memory_space<semaphore_mem>>)
      %dma_wait3A = arith.constant 0 : i32
      %dma_wait3A_39 = tpu.memref_slice %arg5[%add3A_19, %mul3A_0, %dma_wait3A] : memref<8x4096x128xf32, #tpu.memory_space<hbm>> -> memref<1x256x128xf32, #tpu.memory_space<hbm>>
      %dma_wait3A_40 = tpu.memref_squeeze %dma_wait3A_39 : memref<1x256x128xf32, #tpu.memory_space<hbm>> -> memref<256x128xf32, #tpu.memory_space<hbm>>
      %dma_wait3A_41 = arith.constant 0 : i32
      %dma_wait3A_42 = tpu.memref_slice %arg8[%mul3A_0, %dma_wait3A_41] : memref<4096x128xf32, #tpu.memory_space<vmem_shared>> -> memref<256x128xf32, #tpu.memory_space<vmem_shared>>
      tpu.wait_dma2 semaphore(%run_scoped3A_34 : memref<!tpu.dma_semaphore, #tpu.memory_space<semaphore_mem>>) src(%dma_wait3A_42 : memref<256x128xf32, #tpu.memory_space<vmem_shared>>) dst(%dma_wait3A_40 : memref<256x128xf32, #tpu.memory_space<hbm>>)
      tpu.yield
    }) : () -> ()
    %barrier3A_24 = arith.constant 0 : index
    tpu.barrier barrier_id(%barrier3A_24)
    %mul3A_25 = arith.constant 4 : i32
    %mul3A_26 = arith.muli %arg0, %mul3A_25 : i32
    %add3A_27 = arith.constant 3 : i32
    %add3A_28 = arith.addi %mul3A_26, %add3A_27 : i32
    "tpu.region"() ({
      %run_scoped3A_34 = tpu.sem_alloc : memref<!tpu.dma_semaphore, #tpu.memory_space<semaphore_mem>>
      %dma_start3A = arith.constant 0 : i32
      %dma_start3A_35 = tpu.memref_slice %arg8[%mul3A_0, %dma_start3A] : memref<4096x128xf32, #tpu.memory_space<vmem_shared>> -> memref<256x128xf32, #tpu.memory_space<vmem_shared>>
      %dma_start3A_36 = arith.constant 0 : i32
      %dma_start3A_37 = tpu.memref_slice %arg4[%mul3A_0, %dma_start3A_36] : memref<4096x128xf32, #tpu.memory_space<hbm>> -> memref<256x128xf32, #tpu.memory_space<hbm>>
      tpu.enqueue_dma source(%dma_start3A_37 : memref<256x128xf32, #tpu.memory_space<hbm>>) target(%dma_start3A_35 : memref<256x128xf32, #tpu.memory_space<vmem_shared>>) target_semaphore(%run_scoped3A_34 : memref<!tpu.dma_semaphore, #tpu.memory_space<semaphore_mem>>)
      %dma_wait3A = arith.constant 0 : i32
      %dma_wait3A_38 = tpu.memref_slice %arg8[%mul3A_0, %dma_wait3A] : memref<4096x128xf32, #tpu.memory_space<vmem_shared>> -> memref<256x128xf32, #tpu.memory_space<vmem_shared>>
      %dma_wait3A_39 = arith.constant 0 : i32
      %dma_wait3A_40 = tpu.memref_slice %arg4[%mul3A_0, %dma_wait3A_39] : memref<4096x128xf32, #tpu.memory_space<hbm>> -> memref<256x128xf32, #tpu.memory_space<hbm>>
      tpu.wait_dma2 semaphore(%run_scoped3A_34 : memref<!tpu.dma_semaphore, #tpu.memory_space<semaphore_mem>>) src(%dma_wait3A_40 : memref<256x128xf32, #tpu.memory_space<hbm>>) dst(%dma_wait3A_38 : memref<256x128xf32, #tpu.memory_space<vmem_shared>>)
      tpu.yield
    }) : () -> ()
    "tpu.region"() ({
      %run_scoped3A_34 = tpu.sem_alloc : memref<!tpu.dma_semaphore, #tpu.memory_space<semaphore_mem>>
      %dma_start3A = arith.constant 0 : i32
      %dma_start3A_35 = tpu.memref_slice %arg2[%add3A_28, %mul3A_0, %dma_start3A] : memref<8x4096x128xf32, #tpu.memory_space<hbm>> -> memref<1x256x128xf32, #tpu.memory_space<hbm>>
      %dma_start3A_36 = tpu.memref_squeeze %dma_start3A_35 : memref<1x256x128xf32, #tpu.memory_space<hbm>> -> memref<256x128xf32, #tpu.memory_space<hbm>>
      %dma_start3A_37 = arith.constant 0 : i32
      %dma_start3A_38 = tpu.memref_slice %arg2[%add3A_28, %mul3A_0, %dma_start3A_37] : memref<8x4096x128xf32, #tpu.memory_space<hbm>> -> memref<1x256x128xf32, #tpu.memory_space<hbm>>
      %dma_start3A_39 = tpu.memref_squeeze %dma_start3A_38 : memref<1x256x128xf32, #tpu.memory_space<hbm>> -> memref<256x128xf32, #tpu.memory_space<hbm>>
      tpu.enqueue_dma source(%dma_start3A_39 : memref<256x128xf32, #tpu.memory_space<hbm>>) target(%arg7 : memref<256x128xf32, #tpu.memory_space<vmem>>) target_semaphore(%run_scoped3A_34 : memref<!tpu.dma_semaphore, #tpu.memory_space<semaphore_mem>>)
      %dma_wait3A = arith.constant 0 : i32
      %dma_wait3A_40 = tpu.memref_slice %arg2[%add3A_28, %mul3A_0, %dma_wait3A] : memref<8x4096x128xf32, #tpu.memory_space<hbm>> -> memref<1x256x128xf32, #tpu.memory_space<hbm>>
      %dma_wait3A_41 = tpu.memref_squeeze %dma_wait3A_40 : memref<1x256x128xf32, #tpu.memory_space<hbm>> -> memref<256x128xf32, #tpu.memory_space<hbm>>
      %dma_wait3A_42 = arith.constant 0 : i32
      %dma_wait3A_43 = tpu.memref_slice %arg2[%add3A_28, %mul3A_0, %dma_wait3A_42] : memref<8x4096x128xf32, #tpu.memory_space<hbm>> -> memref<1x256x128xf32, #tpu.memory_space<hbm>>
      %dma_wait3A_44 = tpu.memref_squeeze %dma_wait3A_43 : memref<1x256x128xf32, #tpu.memory_space<hbm>> -> memref<256x128xf32, #tpu.memory_space<hbm>>
      tpu.wait_dma2 semaphore(%run_scoped3A_34 : memref<!tpu.dma_semaphore, #tpu.memory_space<semaphore_mem>>) src(%dma_wait3A_44 : memref<256x128xf32, #tpu.memory_space<hbm>>) dst(%arg7 : memref<256x128xf32, #tpu.memory_space<vmem>>)
      tpu.yield
    }) : () -> ()
    "tpu.region"() ({
      %run_scoped3A_34 = tpu.sem_alloc : memref<!tpu.dma_semaphore, #tpu.memory_space<semaphore_mem>>
      %dma_start3A = arith.constant 0 : i32
      %dma_start3A_35 = arith.constant 0 : i32
      %dma_start3A_36 = tpu.memref_slice %arg3[%add3A_28, %arg1, %dma_start3A, %dma_start3A_35] : memref<8x16x2x128xi32, #tpu.memory_space<hbm>> -> memref<1x1x2x128xi32, #tpu.memory_space<hbm>>
      %dma_start3A_37 = tpu.memref_squeeze %dma_start3A_36 : memref<1x1x2x128xi32, #tpu.memory_space<hbm>> -> memref<2x128xi32, #tpu.memory_space<hbm>>
      %dma_start3A_38 = arith.constant 0 : i32
      %dma_start3A_39 = arith.constant 0 : i32
      %dma_start3A_40 = tpu.memref_slice %arg3[%add3A_28, %arg1, %dma_start3A_38, %dma_start3A_39] : memref<8x16x2x128xi32, #tpu.memory_space<hbm>> -> memref<1x1x2x128xi32, #tpu.memory_space<hbm>>
      %dma_start3A_41 = tpu.memref_squeeze %dma_start3A_40 : memref<1x1x2x128xi32, #tpu.memory_space<hbm>> -> memref<2x128xi32, #tpu.memory_space<hbm>>
      tpu.enqueue_dma source(%dma_start3A_41 : memref<2x128xi32, #tpu.memory_space<hbm>>) target(%arg6 : memref<2x128xi32, #tpu.memory_space<vmem>>) target_semaphore(%run_scoped3A_34 : memref<!tpu.dma_semaphore, #tpu.memory_space<semaphore_mem>>)
      %dma_wait3A = arith.constant 0 : i32
      %dma_wait3A_42 = arith.constant 0 : i32
      %dma_wait3A_43 = tpu.memref_slice %arg3[%add3A_28, %arg1, %dma_wait3A, %dma_wait3A_42] : memref<8x16x2x128xi32, #tpu.memory_space<hbm>> -> memref<1x1x2x128xi32, #tpu.memory_space<hbm>>
      %dma_wait3A_44 = tpu.memref_squeeze %dma_wait3A_43 : memref<1x1x2x128xi32, #tpu.memory_space<hbm>> -> memref<2x128xi32, #tpu.memory_space<hbm>>
      %dma_wait3A_45 = arith.constant 0 : i32
      %dma_wait3A_46 = arith.constant 0 : i32
      %dma_wait3A_47 = tpu.memref_slice %arg3[%add3A_28, %arg1, %dma_wait3A_45, %dma_wait3A_46] : memref<8x16x2x128xi32, #tpu.memory_space<hbm>> -> memref<1x1x2x128xi32, #tpu.memory_space<hbm>>
      %dma_wait3A_48 = tpu.memref_squeeze %dma_wait3A_47 : memref<1x1x2x128xi32, #tpu.memory_space<hbm>> -> memref<2x128xi32, #tpu.memory_space<hbm>>
      tpu.wait_dma2 semaphore(%run_scoped3A_34 : memref<!tpu.dma_semaphore, #tpu.memory_space<semaphore_mem>>) src(%dma_wait3A_48 : memref<2x128xi32, #tpu.memory_space<hbm>>) dst(%arg6 : memref<2x128xi32, #tpu.memory_space<vmem>>)
      tpu.yield
    }) : () -> ()
    %barrier3A_29 = arith.constant 0 : index
    tpu.barrier barrier_id(%barrier3A_29)
    %run_scoped3A_30 = arith.constant 0 : i32
    "tpu.region"() ({
      %run_scoped3A_34 = tpu.sem_alloc : memref<!tpu.dma_semaphore, #tpu.memory_space<semaphore_mem>>
      %dma_start3A = arith.constant 0 : i32
      %dma_start3A_35 = arith.constant 0 : i32
      %dma_start3A_36 = tpu.memref_slice %arg7[%dma_start3A, %dma_start3A_35] : memref<256x128xf32, #tpu.memory_space<vmem>> -> memref<128x128xf32, #tpu.memory_space<vmem>>
      %dma_start3A_37 = arith.constant 0 : i32
      %dma_start3A_38 = tpu.memref_slice %arg6[%run_scoped3A_30, %dma_start3A_37] : memref<2x128xi32, #tpu.memory_space<vmem>> -> memref<1x128xi32, #tpu.memory_space<vmem>>
      %dma_start3A_39 = tpu.memref_squeeze %dma_start3A_38 : memref<1x128xi32, #tpu.memory_space<vmem>> -> memref<128xi32, #tpu.memory_space<vmem>>
      %dma_start3A_40 = arith.constant 0 : i32
      %dma_start3A_41 = arith.constant 0 : i32
      %dma_start3A_42 = tpu.memref_slice %arg8[%dma_start3A_40, %dma_start3A_41] : memref<4096x128xf32, #tpu.memory_space<vmem_shared>> -> memref<4096x128xf32, #tpu.memory_space<vmem_shared>>
      tpu.enqueue_indirect_dma source(%dma_start3A_36 : memref<128x128xf32, #tpu.memory_space<vmem>>) target(%dma_start3A_42 : memref<4096x128xf32, #tpu.memory_space<vmem_shared>>) offsets(%dma_start3A_39 : memref<128xi32, #tpu.memory_space<vmem>>) semaphore(%run_scoped3A_34 : memref<!tpu.dma_semaphore, #tpu.memory_space<semaphore_mem>>) {add = true}
      %dma_wait3A = arith.constant 0 : i32
      %dma_wait3A_43 = arith.constant 0 : i32
      %dma_wait3A_44 = tpu.memref_slice %arg7[%dma_wait3A, %dma_wait3A_43] : memref<256x128xf32, #tpu.memory_space<vmem>> -> memref<128x128xf32, #tpu.memory_space<vmem>>
      %dma_wait3A_45 = arith.constant 0 : i32
      %dma_wait3A_46 = tpu.memref_slice %arg6[%run_scoped3A_30, %dma_wait3A_45] : memref<2x128xi32, #tpu.memory_space<vmem>> -> memref<1x128xi32, #tpu.memory_space<vmem>>
      %dma_wait3A_47 = tpu.memref_squeeze %dma_wait3A_46 : memref<1x128xi32, #tpu.memory_space<vmem>> -> memref<128xi32, #tpu.memory_space<vmem>>
      %dma_wait3A_48 = arith.constant 0 : i32
      %dma_wait3A_49 = arith.constant 0 : i32
      %dma_wait3A_50 = tpu.memref_slice %arg8[%dma_wait3A_48, %dma_wait3A_49] : memref<4096x128xf32, #tpu.memory_space<vmem_shared>> -> memref<4096x128xf32, #tpu.memory_space<vmem_shared>>
      tpu.wait_indirect_dma semaphore(%run_scoped3A_34 : memref<!tpu.dma_semaphore, #tpu.memory_space<semaphore_mem>>) src(%dma_wait3A_44 : memref<128x128xf32, #tpu.memory_space<vmem>>) dst(%dma_wait3A_50 : memref<4096x128xf32, #tpu.memory_space<vmem_shared>>)
      tpu.yield
    }) : () -> ()
    %run_scoped3A_31 = arith.constant 1 : i32
    "tpu.region"() ({
      %run_scoped3A_34 = tpu.sem_alloc : memref<!tpu.dma_semaphore, #tpu.memory_space<semaphore_mem>>
      %dma_start3A = arith.constant 128 : i32
      %dma_start3A_35 = arith.constant 0 : i32
      %dma_start3A_36 = tpu.memref_slice %arg7[%dma_start3A, %dma_start3A_35] : memref<256x128xf32, #tpu.memory_space<vmem>> -> memref<128x128xf32, #tpu.memory_space<vmem>>
      %dma_start3A_37 = arith.constant 0 : i32
      %dma_start3A_38 = tpu.memref_slice %arg6[%run_scoped3A_31, %dma_start3A_37] : memref<2x128xi32, #tpu.memory_space<vmem>> -> memref<1x128xi32, #tpu.memory_space<vmem>>
      %dma_start3A_39 = tpu.memref_squeeze %dma_start3A_38 : memref<1x128xi32, #tpu.memory_space<vmem>> -> memref<128xi32, #tpu.memory_space<vmem>>
      %dma_start3A_40 = arith.constant 0 : i32
      %dma_start3A_41 = arith.constant 0 : i32
      %dma_start3A_42 = tpu.memref_slice %arg8[%dma_start3A_40, %dma_start3A_41] : memref<4096x128xf32, #tpu.memory_space<vmem_shared>> -> memref<4096x128xf32, #tpu.memory_space<vmem_shared>>
      tpu.enqueue_indirect_dma source(%dma_start3A_36 : memref<128x128xf32, #tpu.memory_space<vmem>>) target(%dma_start3A_42 : memref<4096x128xf32, #tpu.memory_space<vmem_shared>>) offsets(%dma_start3A_39 : memref<128xi32, #tpu.memory_space<vmem>>) semaphore(%run_scoped3A_34 : memref<!tpu.dma_semaphore, #tpu.memory_space<semaphore_mem>>) {add = true}
      %dma_wait3A = arith.constant 128 : i32
      %dma_wait3A_43 = arith.constant 0 : i32
      %dma_wait3A_44 = tpu.memref_slice %arg7[%dma_wait3A, %dma_wait3A_43] : memref<256x128xf32, #tpu.memory_space<vmem>> -> memref<128x128xf32, #tpu.memory_space<vmem>>
      %dma_wait3A_45 = arith.constant 0 : i32
      %dma_wait3A_46 = tpu.memref_slice %arg6[%run_scoped3A_31, %dma_wait3A_45] : memref<2x128xi32, #tpu.memory_space<vmem>> -> memref<1x128xi32, #tpu.memory_space<vmem>>
      %dma_wait3A_47 = tpu.memref_squeeze %dma_wait3A_46 : memref<1x128xi32, #tpu.memory_space<vmem>> -> memref<128xi32, #tpu.memory_space<vmem>>
      %dma_wait3A_48 = arith.constant 0 : i32
      %dma_wait3A_49 = arith.constant 0 : i32
      %dma_wait3A_50 = tpu.memref_slice %arg8[%dma_wait3A_48, %dma_wait3A_49] : memref<4096x128xf32, #tpu.memory_space<vmem_shared>> -> memref<4096x128xf32, #tpu.memory_space<vmem_shared>>
      tpu.wait_indirect_dma semaphore(%run_scoped3A_34 : memref<!tpu.dma_semaphore, #tpu.memory_space<semaphore_mem>>) src(%dma_wait3A_44 : memref<128x128xf32, #tpu.memory_space<vmem>>) dst(%dma_wait3A_50 : memref<4096x128xf32, #tpu.memory_space<vmem_shared>>)
      tpu.yield
    }) : () -> ()
    %barrier3A_32 = arith.constant 0 : index
    tpu.barrier barrier_id(%barrier3A_32)
    "tpu.region"() ({
      %run_scoped3A_34 = tpu.sem_alloc : memref<!tpu.dma_semaphore, #tpu.memory_space<semaphore_mem>>
      %dma_start3A = arith.constant 0 : i32
      %dma_start3A_35 = tpu.memref_slice %arg5[%add3A_28, %mul3A_0, %dma_start3A] : memref<8x4096x128xf32, #tpu.memory_space<hbm>> -> memref<1x256x128xf32, #tpu.memory_space<hbm>>
      %dma_start3A_36 = tpu.memref_squeeze %dma_start3A_35 : memref<1x256x128xf32, #tpu.memory_space<hbm>> -> memref<256x128xf32, #tpu.memory_space<hbm>>
      %dma_start3A_37 = arith.constant 0 : i32
      %dma_start3A_38 = tpu.memref_slice %arg8[%mul3A_0, %dma_start3A_37] : memref<4096x128xf32, #tpu.memory_space<vmem_shared>> -> memref<256x128xf32, #tpu.memory_space<vmem_shared>>
      tpu.enqueue_dma source(%dma_start3A_38 : memref<256x128xf32, #tpu.memory_space<vmem_shared>>) target(%dma_start3A_36 : memref<256x128xf32, #tpu.memory_space<hbm>>) target_semaphore(%run_scoped3A_34 : memref<!tpu.dma_semaphore, #tpu.memory_space<semaphore_mem>>)
      %dma_wait3A = arith.constant 0 : i32
      %dma_wait3A_39 = tpu.memref_slice %arg5[%add3A_28, %mul3A_0, %dma_wait3A] : memref<8x4096x128xf32, #tpu.memory_space<hbm>> -> memref<1x256x128xf32, #tpu.memory_space<hbm>>
      %dma_wait3A_40 = tpu.memref_squeeze %dma_wait3A_39 : memref<1x256x128xf32, #tpu.memory_space<hbm>> -> memref<256x128xf32, #tpu.memory_space<hbm>>
      %dma_wait3A_41 = arith.constant 0 : i32
      %dma_wait3A_42 = tpu.memref_slice %arg8[%mul3A_0, %dma_wait3A_41] : memref<4096x128xf32, #tpu.memory_space<vmem_shared>> -> memref<256x128xf32, #tpu.memory_space<vmem_shared>>
      tpu.wait_dma2 semaphore(%run_scoped3A_34 : memref<!tpu.dma_semaphore, #tpu.memory_space<semaphore_mem>>) src(%dma_wait3A_42 : memref<256x128xf32, #tpu.memory_space<vmem_shared>>) dst(%dma_wait3A_40 : memref<256x128xf32, #tpu.memory_space<hbm>>)
      tpu.yield
    }) : () -> ()
    %barrier3A_33 = arith.constant 0 : index
    tpu.barrier barrier_id(%barrier3A_33)
    return
  }
}

module attributes {stable_mosaic.version = 14 : i64} {
  func.func @_cells_body(%arg0: i32, %arg1: memref<1x2x4096xf32, #tpu.memory_space<vmem>>, %arg2: memref<1x1x4096xi32, #tpu.memory_space<vmem>>) attributes {dimension_semantics = [#tpu.dimension_semantics<arbitrary>], iteration_bounds = array<i64: 8>, scalar_prefetch = 0 : i64, scratch_operands = 0 : i64, tpu.core_type = #tpu.core_type<tc>, window_params = [{transform_indices = @transform_0, window_bounds = array<i64: 1, 2, 4096>}, {transform_indices = @transform_1, window_bounds = array<i64: 1, 1, 4096>}]} {
    %get3A = arith.constant 0 : index
    %get3A_0 = arith.constant 0 : index
    %get3A_1 = arith.constant 0 : index
    %get3A_2 = vector.load %arg1[%get3A, %get3A_0, %get3A_1] : memref<1x2x4096xf32, #tpu.memory_space<vmem>>, vector<1x1x4096xf32>
    %get3A_3 = vector.shape_cast %get3A_2 : vector<1x1x4096xf32> to vector<1x4096xf32>
    %jit3A = arith.constant -1.000000e+00 : f32
    %jit3A_4 = arith.constant 1.000000e+00 : f32
    %max3A = vector.broadcast %jit3A : f32 to vector<1x4096xf32>
    %max3A_5 = arith.maximumf %max3A, %get3A_3 : vector<1x4096xf32>
    %min3A = vector.broadcast %jit3A_4 : f32 to vector<1x4096xf32>
    %min3A_6 = arith.minimumf %min3A, %max3A_5 : vector<1x4096xf32>
    %get3A_7 = arith.constant 0 : index
    %get3A_8 = arith.constant 1 : index
    %get3A_9 = arith.constant 0 : index
    %get3A_10 = vector.load %arg1[%get3A_7, %get3A_8, %get3A_9] : memref<1x2x4096xf32, #tpu.memory_space<vmem>>, vector<1x1x4096xf32>
    %get3A_11 = vector.shape_cast %get3A_10 : vector<1x1x4096xf32> to vector<1x4096xf32>
    %jit3A_12 = arith.constant -1.000000e+00 : f32
    %jit3A_13 = arith.constant 1.000000e+00 : f32
    %max3A_14 = vector.broadcast %jit3A_12 : f32 to vector<1x4096xf32>
    %max3A_15 = arith.maximumf %max3A_14, %get3A_11 : vector<1x4096xf32>
    %min3A_16 = vector.broadcast %jit3A_13 : f32 to vector<1x4096xf32>
    %min3A_17 = arith.minimumf %min3A_16, %max3A_15 : vector<1x4096xf32>
    %add3A = arith.constant 1.000000e+00 : f32
    %add3A_18 = vector.broadcast %add3A : f32 to vector<1x4096xf32>
    %add3A_19 = arith.addf %min3A_6, %add3A_18 : vector<1x4096xf32>
    %mul3A = arith.constant 5.000000e-01 : f32
    %mul3A_20 = vector.broadcast %mul3A : f32 to vector<1x4096xf32>
    %mul3A_21 = arith.mulf %mul3A_20, %add3A_19 : vector<1x4096xf32>
    %mul3A_22 = arith.constant 6.400000e+01 : f32
    %mul3A_23 = vector.broadcast %mul3A_22 : f32 to vector<1x4096xf32>
    %mul3A_24 = arith.mulf %mul3A_21, %mul3A_23 : vector<1x4096xf32>
    %sub3A = arith.constant 5.000000e-01 : f32
    %sub3A_25 = vector.broadcast %sub3A : f32 to vector<1x4096xf32>
    %sub3A_26 = arith.subf %mul3A_24, %sub3A_25 : vector<1x4096xf32>
    %add3A_27 = arith.constant 1.000000e+00 : f32
    %add3A_28 = vector.broadcast %add3A_27 : f32 to vector<1x4096xf32>
    %add3A_29 = arith.addf %min3A_17, %add3A_28 : vector<1x4096xf32>
    %mul3A_30 = arith.constant 5.000000e-01 : f32
    %mul3A_31 = vector.broadcast %mul3A_30 : f32 to vector<1x4096xf32>
    %mul3A_32 = arith.mulf %mul3A_31, %add3A_29 : vector<1x4096xf32>
    %mul3A_33 = arith.constant 6.400000e+01 : f32
    %mul3A_34 = vector.broadcast %mul3A_33 : f32 to vector<1x4096xf32>
    %mul3A_35 = arith.mulf %mul3A_32, %mul3A_34 : vector<1x4096xf32>
    %sub3A_36 = arith.constant 5.000000e-01 : f32
    %sub3A_37 = vector.broadcast %sub3A_36 : f32 to vector<1x4096xf32>
    %sub3A_38 = arith.subf %mul3A_35, %sub3A_37 : vector<1x4096xf32>
    %round3A = math.roundeven %sub3A_26 : vector<1x4096xf32>
    %convert_element_type3A = arith.fptosi %round3A : vector<1x4096xf32> to vector<1x4096xi32>
    %jit3A_39 = arith.constant 0 : i32
    %jit3A_40 = arith.constant 63 : i32
    %max3A_41 = vector.broadcast %jit3A_39 : i32 to vector<1x4096xi32>
    %max3A_42 = arith.maxsi %max3A_41, %convert_element_type3A : vector<1x4096xi32>
    %min3A_43 = vector.broadcast %jit3A_40 : i32 to vector<1x4096xi32>
    %min3A_44 = arith.minsi %min3A_43, %max3A_42 : vector<1x4096xi32>
    %round3A_45 = math.roundeven %sub3A_38 : vector<1x4096xf32>
    %convert_element_type3A_46 = arith.fptosi %round3A_45 : vector<1x4096xf32> to vector<1x4096xi32>
    %jit3A_47 = arith.constant 0 : i32
    %jit3A_48 = arith.constant 63 : i32
    %max3A_49 = vector.broadcast %jit3A_47 : i32 to vector<1x4096xi32>
    %max3A_50 = arith.maxsi %max3A_49, %convert_element_type3A_46 : vector<1x4096xi32>
    %min3A_51 = vector.broadcast %jit3A_48 : i32 to vector<1x4096xi32>
    %min3A_52 = arith.minsi %min3A_51, %max3A_50 : vector<1x4096xi32>
    %mul3A_53 = arith.constant 64 : i32
    %mul3A_54 = vector.broadcast %mul3A_53 : i32 to vector<1x4096xi32>
    %mul3A_55 = arith.muli %min3A_52, %mul3A_54 : vector<1x4096xi32>
    %add3A_56 = arith.addi %min3A_44, %mul3A_55 : vector<1x4096xi32>
    %swap3A = arith.constant 0 : index
    %swap3A_57 = arith.constant 0 : index
    %swap3A_58 = arith.constant 0 : index
    %swap3A_59 = vector.load %arg2[%swap3A, %swap3A_57, %swap3A_58] : memref<1x1x4096xi32, #tpu.memory_space<vmem>>, vector<1x1x4096xi32>
    %swap3A_60 = vector.shape_cast %swap3A_59 : vector<1x1x4096xi32> to vector<1x4096xi32>
    %swap3A_61 = vector.shape_cast %add3A_56 : vector<1x4096xi32> to vector<1x1x4096xi32>
    tpu.vector_store %arg2[%swap3A, %swap3A_57, %swap3A_58], %swap3A_61 {strides = array<i32>} : memref<1x1x4096xi32, #tpu.memory_space<vmem>>, vector<1x1x4096xi32>,
    return
  }
  func.func @transform_0(%arg0: i32) -> (i32, i32, i32) {
    %c0_i32 = arith.constant 0 : i32
    %c0_i32_0 = arith.constant 0 : i32
    %c0_i32_1 = arith.constant 0 : i32
    return %arg0, %c0_i32, %c0_i32_0 : i32, i32, i32
  }
  func.func @transform_1(%arg0: i32) -> (i32, i32, i32) {
    %c0_i32 = arith.constant 0 : i32
    %c0_i32_0 = arith.constant 0 : i32
    %c0_i32_1 = arith.constant 0 : i32
    return %arg0, %c0_i32, %c0_i32_0 : i32, i32, i32
  }
}

module attributes {stable_mosaic.version = 14 : i64} {
  func.func @_hist_body(%arg0: i32, %arg1: memref<1x1x4096xi32, #tpu.memory_space<vmem>>, %arg2: memref<1x4096x1xi32, #tpu.memory_space<vmem>>, %arg3: memref<1x64x64xf32, #tpu.memory_space<vmem>>) attributes {dimension_semantics = [#tpu.dimension_semantics<arbitrary>], iteration_bounds = array<i64: 8>, scalar_prefetch = 0 : i64, scratch_operands = 0 : i64, tpu.core_type = #tpu.core_type<tc>, window_params = [{transform_indices = @transform_0, window_bounds = array<i64: 1, 1, 4096>}, {transform_indices = @transform_1, window_bounds = array<i64: 1, 4096, 1>}, {transform_indices = @transform_2, window_bounds = array<i64: 1, 64, 64>}]} {
    %get3A = arith.constant 0 : index
    %get3A_0 = arith.constant 0 : index
    %get3A_1 = arith.constant 0 : index
    %get3A_2 = vector.load %arg1[%get3A, %get3A_0, %get3A_1] : memref<1x1x4096xi32, #tpu.memory_space<vmem>>, vector<1x1x4096xi32>
    %get3A_3 = vector.shape_cast %get3A_2 : vector<1x1x4096xi32> to vector<1x4096xi32>
    %get3A_4 = arith.constant 0 : index
    %get3A_5 = arith.constant 0 : index
    %get3A_6 = arith.constant 0 : index
    %get3A_7 = vector.load %arg2[%get3A_4, %get3A_5, %get3A_6] : memref<1x4096x1xi32, #tpu.memory_space<vmem>>, vector<1x4096x1xi32>
    %get3A_8 = vector.shape_cast %get3A_7 : vector<1x4096x1xi32> to vector<4096x1xi32>
    %iota3A = tpu.iota {dimensions = array<i32: 0>} : vector<64x1xi32>
    %iota3A_9 = tpu.iota {dimensions = array<i32: 1>} : vector<1x64xi32>
    %shift_right_arithmetic3A = arith.constant 6 : i32
    %shift_right_arithmetic3A_10 = vector.broadcast %shift_right_arithmetic3A : i32 to vector<1x4096xi32>
    %shift_right_arithmetic3A_11 = arith.shrsi %get3A_3, %shift_right_arithmetic3A_10 : vector<1x4096xi32>
    %eq3A = vector.broadcast %shift_right_arithmetic3A_11 : vector<1x4096xi32> to vector<64x4096xi32>
    %eq3A_12 = vector.broadcast %iota3A : vector<64x1xi32> to vector<64x4096xi32>
    %eq3A_13 = arith.cmpi eq, %eq3A, %eq3A_12 : vector<64x4096xi32>
    %convert_element_type3A = arith.extui %eq3A_13 : vector<64x4096xi1> to vector<64x4096xi32>
    %convert_element_type3A_14 = arith.sitofp %convert_element_type3A : vector<64x4096xi32> to vector<64x4096xf32>
    %convert_element_type3A_15 = arith.truncf %convert_element_type3A_14 : vector<64x4096xf32> to vector<64x4096xbf16>
    %and3A = arith.constant 63 : i32
    %and3A_16 = vector.broadcast %and3A : i32 to vector<4096x1xi32>
    %and3A_17 = arith.andi %get3A_8, %and3A_16 : vector<4096x1xi32>
    %eq3A_18 = vector.broadcast %and3A_17 : vector<4096x1xi32> to vector<4096x64xi32>
    %eq3A_19 = vector.broadcast %iota3A_9 : vector<1x64xi32> to vector<4096x64xi32>
    %eq3A_20 = arith.cmpi eq, %eq3A_18, %eq3A_19 : vector<4096x64xi32>
    %convert_element_type3A_21 = arith.extui %eq3A_20 : vector<4096x64xi1> to vector<4096x64xi32>
    %convert_element_type3A_22 = arith.sitofp %convert_element_type3A_21 : vector<4096x64xi32> to vector<4096x64xf32>
    %convert_element_type3A_23 = arith.truncf %convert_element_type3A_22 : vector<4096x64xf32> to vector<4096x64xbf16>
    %dot_general3A = arith.constant dense<0.000000e+00> : vector<64x64xf32>
    %dot_general3A_24 = tpu.matmul %convert_element_type3A_15, %convert_element_type3A_23, %dot_general3A {dimension_numbers = #tpu.dot_dimension_numbers<[1], [0], [0], [1], [0, 0, 1, 1], [], []>, transpose_lhs_hint = false} : vector<64x4096xbf16>, vector<4096x64xbf16>, vector<64x64xf32> -> vector<64x64xf32>
    %swap3A = arith.constant 0 : index
    %swap3A_25 = arith.constant 0 : index
    %swap3A_26 = arith.constant 0 : index
    %swap3A_27 = vector.load %arg3[%swap3A, %swap3A_25, %swap3A_26] : memref<1x64x64xf32, #tpu.memory_space<vmem>>, vector<1x64x64xf32>
    %swap3A_28 = vector.shape_cast %swap3A_27 : vector<1x64x64xf32> to vector<64x64xf32>
    %swap3A_29 = vector.shape_cast %dot_general3A_24 : vector<64x64xf32> to vector<1x64x64xf32>
    tpu.vector_store %arg3[%swap3A, %swap3A_25, %swap3A_26], %swap3A_29 {strides = array<i32>} : memref<1x64x64xf32, #tpu.memory_space<vmem>>, vector<1x64x64xf32>,
    return
  }
  func.func @transform_0(%arg0: i32) -> (i32, i32, i32) {
    %c0_i32 = arith.constant 0 : i32
    %c0_i32_0 = arith.constant 0 : i32
    %c0_i32_1 = arith.constant 0 : i32
    return %arg0, %c0_i32, %c0_i32_0 : i32, i32, i32
  }
  func.func @transform_1(%arg0: i32) -> (i32, i32, i32) {
    %c0_i32 = arith.constant 0 : i32
    %c0_i32_0 = arith.constant 0 : i32
    %c0_i32_1 = arith.constant 0 : i32
    return %arg0, %c0_i32, %c0_i32_0 : i32, i32, i32
  }
  func.func @transform_2(%arg0: i32) -> (i32, i32, i32) {
    %c0_i32 = arith.constant 0 : i32
    %c0_i32_0 = arith.constant 0 : i32
    %c0_i32_1 = arith.constant 0 : i32
    return %arg0, %c0_i32, %c0_i32_0 : i32, i32, i32
  }
}

module attributes {stable_mosaic.version = 14 : i64} {
  func.func @_select_body(%arg0: i32, %arg1: memref<1x1x3072xf32, #tpu.memory_space<vmem>>, %arg2: memref<1x3072x1xf32, #tpu.memory_space<vmem>>, %arg3: memref<1x2x3072xf32, #tpu.memory_space<vmem>>, %arg4: memref<1x1024x2xf32, #tpu.memory_space<vmem>>, %arg5: memref<1x4x1024xi32, #tpu.memory_space<vmem>>, %arg6: memref<1x1024x4xf32, #tpu.memory_space<vmem>>) attributes {dimension_semantics = [#tpu.dimension_semantics<arbitrary>], iteration_bounds = array<i64: 8>, scalar_prefetch = 0 : i64, scratch_operands = 0 : i64, tpu.core_type = #tpu.core_type<tc>, window_params = [{transform_indices = @transform_0, window_bounds = array<i64: 1, 1, 3072>}, {transform_indices = @transform_1, window_bounds = array<i64: 1, 3072, 1>}, {transform_indices = @transform_2, window_bounds = array<i64: 1, 2, 3072>}, {transform_indices = @transform_3, window_bounds = array<i64: 1, 1024, 2>}, {transform_indices = @transform_4, window_bounds = array<i64: 1, 4, 1024>}, {transform_indices = @transform_5, window_bounds = array<i64: 1, 1024, 4>}]} {
    %broadcast_in_dim3A = arith.constant 0.000000e+00 : f32
    %broadcast_in_dim3A_0 = vector.broadcast %broadcast_in_dim3A : f32 to vector<1x512xf32>
    %broadcast_in_dim3A_1 = arith.constant 0.000000e+00 : f32
    %broadcast_in_dim3A_2 = vector.broadcast %broadcast_in_dim3A_1 : f32 to vector<1x512xf32>
    %broadcast_in_dim3A_3 = arith.constant 0.000000e+00 : f32
    %broadcast_in_dim3A_4 = vector.broadcast %broadcast_in_dim3A_3 : f32 to vector<1x512xf32>
    %broadcast_in_dim3A_5 = arith.constant 0.000000e+00 : f32
    %broadcast_in_dim3A_6 = vector.broadcast %broadcast_in_dim3A_5 : f32 to vector<1x512xf32>
    %broadcast_in_dim3A_7 = arith.constant 0.000000e+00 : f32
    %broadcast_in_dim3A_8 = vector.broadcast %broadcast_in_dim3A_7 : f32 to vector<1x512xf32>
    %broadcast_in_dim3A_9 = arith.constant 0.000000e+00 : f32
    %broadcast_in_dim3A_10 = vector.broadcast %broadcast_in_dim3A_9 : f32 to vector<1x512xf32>
    %broadcast_in_dim3A_11 = arith.constant 0.000000e+00 : f32
    %broadcast_in_dim3A_12 = vector.broadcast %broadcast_in_dim3A_11 : f32 to vector<512x1xf32>
    %broadcast_in_dim3A_13 = arith.constant 0.000000e+00 : f32
    %broadcast_in_dim3A_14 = vector.broadcast %broadcast_in_dim3A_13 : f32 to vector<512x1xf32>
    %broadcast_in_dim3A_15 = arith.constant 0.000000e+00 : f32
    %broadcast_in_dim3A_16 = vector.broadcast %broadcast_in_dim3A_15 : f32 to vector<512x1xf32>
    %broadcast_in_dim3A_17 = arith.constant 0.000000e+00 : f32
    %broadcast_in_dim3A_18 = vector.broadcast %broadcast_in_dim3A_17 : f32 to vector<512x1xf32>
    %broadcast_in_dim3A_19 = arith.constant 0.000000e+00 : f32
    %broadcast_in_dim3A_20 = vector.broadcast %broadcast_in_dim3A_19 : f32 to vector<512x1xf32>
    %broadcast_in_dim3A_21 = arith.constant 0.000000e+00 : f32
    %broadcast_in_dim3A_22 = vector.broadcast %broadcast_in_dim3A_21 : f32 to vector<512x1xf32>
    %get3A = arith.constant 0 : index
    %get3A_23 = arith.constant 0 : index
    %get3A_24 = arith.constant 0 : index
    %get3A_25 = vector.load %arg1[%get3A, %get3A_23, %get3A_24] : memref<1x1x3072xf32, #tpu.memory_space<vmem>>, vector<1x1x512xf32>
    %get3A_26 = vector.shape_cast %get3A_25 : vector<1x1x512xf32> to vector<1x512xf32>
    %iota3A = tpu.iota {dimensions = array<i32: 1>} : vector<1x512xi32>
    %add3A = arith.constant 0 : i32
    %add3A_27 = vector.broadcast %add3A : i32 to vector<1x512xi32>
    %add3A_28 = arith.addi %iota3A, %add3A_27 : vector<1x512xi32>
    %get3A_29 = arith.constant 0 : index
    %get3A_30 = arith.constant 0 : index
    %get3A_31 = arith.constant 0 : index
    %get3A_32 = vector.load %arg2[%get3A_29, %get3A_30, %get3A_31] : memref<1x3072x1xf32, #tpu.memory_space<vmem>>, vector<1x512x1xf32>
    %get3A_33 = vector.shape_cast %get3A_32 : vector<1x512x1xf32> to vector<512x1xf32>
    %iota3A_34 = tpu.iota {dimensions = array<i32: 0>} : vector<512x1xi32>
    %add3A_35 = arith.constant 0 : i32
    %add3A_36 = vector.broadcast %add3A_35 : i32 to vector<512x1xi32>
    %add3A_37 = arith.addi %iota3A_34, %add3A_36 : vector<512x1xi32>
    %gt3A = vector.broadcast %get3A_33 : vector<512x1xf32> to vector<512x512xf32>
    %gt3A_38 = vector.broadcast %get3A_26 : vector<1x512xf32> to vector<512x512xf32>
    %gt3A_39 = arith.cmpf ogt, %gt3A, %gt3A_38 : vector<512x512xf32>
    %eq3A = vector.broadcast %get3A_33 : vector<512x1xf32> to vector<512x512xf32>
    %eq3A_40 = vector.broadcast %get3A_26 : vector<1x512xf32> to vector<512x512xf32>
    %eq3A_41 = arith.cmpf oeq, %eq3A, %eq3A_40 : vector<512x512xf32>
    %lt3A = vector.broadcast %add3A_37 : vector<512x1xi32> to vector<512x512xi32>
    %lt3A_42 = vector.broadcast %add3A_28 : vector<1x512xi32> to vector<512x512xi32>
    %lt3A_43 = arith.cmpi slt, %lt3A, %lt3A_42 : vector<512x512xi32>
    %and3A = arith.andi %eq3A_41, %lt3A_43 : vector<512x512xi1>
    %or3A = arith.ori %gt3A_39, %and3A : vector<512x512xi1>
    %convert_element_type3A = arith.extui %or3A : vector<512x512xi1> to vector<512x512xi32>
    %convert_element_type3A_44 = arith.sitofp %convert_element_type3A : vector<512x512xi32> to vector<512x512xf32>
    %reduce_sum3A = arith.constant dense<0.000000e+00> : vector<512xf32>
    %reduce_sum3A_45 = vector.multi_reduction <add>, %convert_element_type3A_44, %reduce_sum3A [0] : vector<512x512xf32> to vector<512xf32>
    %broadcast_in_dim3A_46 = vector.shape_cast %reduce_sum3A_45 : vector<512xf32> to vector<1x512xf32>
    %add3A_47 = arith.addf %broadcast_in_dim3A_0, %broadcast_in_dim3A_46 : vector<1x512xf32>
    %get3A_48 = arith.constant 0 : index
    %get3A_49 = arith.constant 512 : index
    %get3A_50 = arith.constant 0 : index
    %get3A_51 = vector.load %arg2[%get3A_48, %get3A_49, %get3A_50] : memref<1x3072x1xf32, #tpu.memory_space<vmem>>, vector<1x512x1xf32>
    %get3A_52 = vector.shape_cast %get3A_51 : vector<1x512x1xf32> to vector<512x1xf32>
    %iota3A_53 = tpu.iota {dimensions = array<i32: 0>} : vector<512x1xi32>
    %add3A_54 = arith.constant 512 : i32
    %add3A_55 = vector.broadcast %add3A_54 : i32 to vector<512x1xi32>
    %add3A_56 = arith.addi %iota3A_53, %add3A_55 : vector<512x1xi32>
    %gt3A_57 = vector.broadcast %get3A_52 : vector<512x1xf32> to vector<512x512xf32>
    %gt3A_58 = vector.broadcast %get3A_26 : vector<1x512xf32> to vector<512x512xf32>
    %gt3A_59 = arith.cmpf ogt, %gt3A_57, %gt3A_58 : vector<512x512xf32>
    %eq3A_60 = vector.broadcast %get3A_52 : vector<512x1xf32> to vector<512x512xf32>
    %eq3A_61 = vector.broadcast %get3A_26 : vector<1x512xf32> to vector<512x512xf32>
    %eq3A_62 = arith.cmpf oeq, %eq3A_60, %eq3A_61 : vector<512x512xf32>
    %lt3A_63 = vector.broadcast %add3A_56 : vector<512x1xi32> to vector<512x512xi32>
    %lt3A_64 = vector.broadcast %add3A_28 : vector<1x512xi32> to vector<512x512xi32>
    %lt3A_65 = arith.cmpi slt, %lt3A_63, %lt3A_64 : vector<512x512xi32>
    %and3A_66 = arith.andi %eq3A_62, %lt3A_65 : vector<512x512xi1>
    %or3A_67 = arith.ori %gt3A_59, %and3A_66 : vector<512x512xi1>
    %convert_element_type3A_68 = arith.extui %or3A_67 : vector<512x512xi1> to vector<512x512xi32>
    %convert_element_type3A_69 = arith.sitofp %convert_element_type3A_68 : vector<512x512xi32> to vector<512x512xf32>
    %reduce_sum3A_70 = arith.constant dense<0.000000e+00> : vector<512xf32>
    %reduce_sum3A_71 = vector.multi_reduction <add>, %convert_element_type3A_69, %reduce_sum3A_70 [0] : vector<512x512xf32> to vector<512xf32>
    %broadcast_in_dim3A_72 = vector.shape_cast %reduce_sum3A_71 : vector<512xf32> to vector<1x512xf32>
    %add3A_73 = arith.addf %add3A_47, %broadcast_in_dim3A_72 : vector<1x512xf32>
    %reduce_sum3A_74 = arith.constant dense<0.000000e+00> : vector<512xf32>
    %reduce_sum3A_75 = vector.multi_reduction <add>, %convert_element_type3A_69, %reduce_sum3A_74 [1] : vector<512x512xf32> to vector<512xf32>
    %broadcast_in_dim3A_76 = vector.shape_cast %reduce_sum3A_75 : vector<512xf32> to vector<512x1xf32>
    %sub3A = arith.constant 5.120000e+02 : f32
    %sub3A_77 = vector.broadcast %sub3A : f32 to vector<512x1xf32>
    %sub3A_78 = arith.subf %sub3A_77, %broadcast_in_dim3A_76 : vector<512x1xf32>
    %add3A_79 = arith.addf %broadcast_in_dim3A_14, %sub3A_78 : vector<512x1xf32>
    %get3A_80 = arith.constant 0 : index
    %get3A_81 = arith.constant 1024 : index
    %get3A_82 = arith.constant 0 : index
    %get3A_83 = vector.load %arg2[%get3A_80, %get3A_81, %get3A_82] : memref<1x3072x1xf32, #tpu.memory_space<vmem>>, vector<1x512x1xf32>
    %get3A_84 = vector.shape_cast %get3A_83 : vector<1x512x1xf32> to vector<512x1xf32>
    %iota3A_85 = tpu.iota {dimensions = array<i32: 0>} : vector<512x1xi32>
    %add3A_86 = arith.constant 1024 : i32
    %add3A_87 = vector.broadcast %add3A_86 : i32 to vector<512x1xi32>
    %add3A_88 = arith.addi %iota3A_85, %add3A_87 : vector<512x1xi32>
    %gt3A_89 = vector.broadcast %get3A_84 : vector<512x1xf32> to vector<512x512xf32>
    %gt3A_90 = vector.broadcast %get3A_26 : vector<1x512xf32> to vector<512x512xf32>
    %gt3A_91 = arith.cmpf ogt, %gt3A_89, %gt3A_90 : vector<512x512xf32>
    %eq3A_92 = vector.broadcast %get3A_84 : vector<512x1xf32> to vector<512x512xf32>
    %eq3A_93 = vector.broadcast %get3A_26 : vector<1x512xf32> to vector<512x512xf32>
    %eq3A_94 = arith.cmpf oeq, %eq3A_92, %eq3A_93 : vector<512x512xf32>
    %lt3A_95 = vector.broadcast %add3A_88 : vector<512x1xi32> to vector<512x512xi32>
    %lt3A_96 = vector.broadcast %add3A_28 : vector<1x512xi32> to vector<512x512xi32>
    %lt3A_97 = arith.cmpi slt, %lt3A_95, %lt3A_96 : vector<512x512xi32>
    %and3A_98 = arith.andi %eq3A_94, %lt3A_97 : vector<512x512xi1>
    %or3A_99 = arith.ori %gt3A_91, %and3A_98 : vector<512x512xi1>
    %convert_element_type3A_100 = arith.extui %or3A_99 : vector<512x512xi1> to vector<512x512xi32>
    %convert_element_type3A_101 = arith.sitofp %convert_element_type3A_100 : vector<512x512xi32> to vector<512x512xf32>
    %reduce_sum3A_102 = arith.constant dense<0.000000e+00> : vector<512xf32>
    %reduce_sum3A_103 = vector.multi_reduction <add>, %convert_element_type3A_101, %reduce_sum3A_102 [0] : vector<512x512xf32> to vector<512xf32>
    %broadcast_in_dim3A_104 = vector.shape_cast %reduce_sum3A_103 : vector<512xf32> to vector<1x512xf32>
    %add3A_105 = arith.addf %add3A_73, %broadcast_in_dim3A_104 : vector<1x512xf32>
    %reduce_sum3A_106 = arith.constant dense<0.000000e+00> : vector<512xf32>
    %reduce_sum3A_107 = vector.multi_reduction <add>, %convert_element_type3A_101, %reduce_sum3A_106 [1] : vector<512x512xf32> to vector<512xf32>
    %broadcast_in_dim3A_108 = vector.shape_cast %reduce_sum3A_107 : vector<512xf32> to vector<512x1xf32>
    %sub3A_109 = arith.constant 5.120000e+02 : f32
    %sub3A_110 = vector.broadcast %sub3A_109 : f32 to vector<512x1xf32>
    %sub3A_111 = arith.subf %sub3A_110, %broadcast_in_dim3A_108 : vector<512x1xf32>
    %add3A_112 = arith.addf %broadcast_in_dim3A_16, %sub3A_111 : vector<512x1xf32>
    %get3A_113 = arith.constant 0 : index
    %get3A_114 = arith.constant 1536 : index
    %get3A_115 = arith.constant 0 : index
    %get3A_116 = vector.load %arg2[%get3A_113, %get3A_114, %get3A_115] : memref<1x3072x1xf32, #tpu.memory_space<vmem>>, vector<1x512x1xf32>
    %get3A_117 = vector.shape_cast %get3A_116 : vector<1x512x1xf32> to vector<512x1xf32>
    %iota3A_118 = tpu.iota {dimensions = array<i32: 0>} : vector<512x1xi32>
    %add3A_119 = arith.constant 1536 : i32
    %add3A_120 = vector.broadcast %add3A_119 : i32 to vector<512x1xi32>
    %add3A_121 = arith.addi %iota3A_118, %add3A_120 : vector<512x1xi32>
    %gt3A_122 = vector.broadcast %get3A_117 : vector<512x1xf32> to vector<512x512xf32>
    %gt3A_123 = vector.broadcast %get3A_26 : vector<1x512xf32> to vector<512x512xf32>
    %gt3A_124 = arith.cmpf ogt, %gt3A_122, %gt3A_123 : vector<512x512xf32>
    %eq3A_125 = vector.broadcast %get3A_117 : vector<512x1xf32> to vector<512x512xf32>
    %eq3A_126 = vector.broadcast %get3A_26 : vector<1x512xf32> to vector<512x512xf32>
    %eq3A_127 = arith.cmpf oeq, %eq3A_125, %eq3A_126 : vector<512x512xf32>
    %lt3A_128 = vector.broadcast %add3A_121 : vector<512x1xi32> to vector<512x512xi32>
    %lt3A_129 = vector.broadcast %add3A_28 : vector<1x512xi32> to vector<512x512xi32>
    %lt3A_130 = arith.cmpi slt, %lt3A_128, %lt3A_129 : vector<512x512xi32>
    %and3A_131 = arith.andi %eq3A_127, %lt3A_130 : vector<512x512xi1>
    %or3A_132 = arith.ori %gt3A_124, %and3A_131 : vector<512x512xi1>
    %convert_element_type3A_133 = arith.extui %or3A_132 : vector<512x512xi1> to vector<512x512xi32>
    %convert_element_type3A_134 = arith.sitofp %convert_element_type3A_133 : vector<512x512xi32> to vector<512x512xf32>
    %reduce_sum3A_135 = arith.constant dense<0.000000e+00> : vector<512xf32>
    %reduce_sum3A_136 = vector.multi_reduction <add>, %convert_element_type3A_134, %reduce_sum3A_135 [0] : vector<512x512xf32> to vector<512xf32>
    %broadcast_in_dim3A_137 = vector.shape_cast %reduce_sum3A_136 : vector<512xf32> to vector<1x512xf32>
    %add3A_138 = arith.addf %add3A_105, %broadcast_in_dim3A_137 : vector<1x512xf32>
    %reduce_sum3A_139 = arith.constant dense<0.000000e+00> : vector<512xf32>
    %reduce_sum3A_140 = vector.multi_reduction <add>, %convert_element_type3A_134, %reduce_sum3A_139 [1] : vector<512x512xf32> to vector<512xf32>
    %broadcast_in_dim3A_141 = vector.shape_cast %reduce_sum3A_140 : vector<512xf32> to vector<512x1xf32>
    %sub3A_142 = arith.constant 5.120000e+02 : f32
    %sub3A_143 = vector.broadcast %sub3A_142 : f32 to vector<512x1xf32>
    %sub3A_144 = arith.subf %sub3A_143, %broadcast_in_dim3A_141 : vector<512x1xf32>
    %add3A_145 = arith.addf %broadcast_in_dim3A_18, %sub3A_144 : vector<512x1xf32>
    %get3A_146 = arith.constant 0 : index
    %get3A_147 = arith.constant 2048 : index
    %get3A_148 = arith.constant 0 : index
    %get3A_149 = vector.load %arg2[%get3A_146, %get3A_147, %get3A_148] : memref<1x3072x1xf32, #tpu.memory_space<vmem>>, vector<1x512x1xf32>
    %get3A_150 = vector.shape_cast %get3A_149 : vector<1x512x1xf32> to vector<512x1xf32>
    %iota3A_151 = tpu.iota {dimensions = array<i32: 0>} : vector<512x1xi32>
    %add3A_152 = arith.constant 2048 : i32
    %add3A_153 = vector.broadcast %add3A_152 : i32 to vector<512x1xi32>
    %add3A_154 = arith.addi %iota3A_151, %add3A_153 : vector<512x1xi32>
    %gt3A_155 = vector.broadcast %get3A_150 : vector<512x1xf32> to vector<512x512xf32>
    %gt3A_156 = vector.broadcast %get3A_26 : vector<1x512xf32> to vector<512x512xf32>
    %gt3A_157 = arith.cmpf ogt, %gt3A_155, %gt3A_156 : vector<512x512xf32>
    %eq3A_158 = vector.broadcast %get3A_150 : vector<512x1xf32> to vector<512x512xf32>
    %eq3A_159 = vector.broadcast %get3A_26 : vector<1x512xf32> to vector<512x512xf32>
    %eq3A_160 = arith.cmpf oeq, %eq3A_158, %eq3A_159 : vector<512x512xf32>
    %lt3A_161 = vector.broadcast %add3A_154 : vector<512x1xi32> to vector<512x512xi32>
    %lt3A_162 = vector.broadcast %add3A_28 : vector<1x512xi32> to vector<512x512xi32>
    %lt3A_163 = arith.cmpi slt, %lt3A_161, %lt3A_162 : vector<512x512xi32>
    %and3A_164 = arith.andi %eq3A_160, %lt3A_163 : vector<512x512xi1>
    %or3A_165 = arith.ori %gt3A_157, %and3A_164 : vector<512x512xi1>
    %convert_element_type3A_166 = arith.extui %or3A_165 : vector<512x512xi1> to vector<512x512xi32>
    %convert_element_type3A_167 = arith.sitofp %convert_element_type3A_166 : vector<512x512xi32> to vector<512x512xf32>
    %reduce_sum3A_168 = arith.constant dense<0.000000e+00> : vector<512xf32>
    %reduce_sum3A_169 = vector.multi_reduction <add>, %convert_element_type3A_167, %reduce_sum3A_168 [0] : vector<512x512xf32> to vector<512xf32>
    %broadcast_in_dim3A_170 = vector.shape_cast %reduce_sum3A_169 : vector<512xf32> to vector<1x512xf32>
    %add3A_171 = arith.addf %add3A_138, %broadcast_in_dim3A_170 : vector<1x512xf32>
    %reduce_sum3A_172 = arith.constant dense<0.000000e+00> : vector<512xf32>
    %reduce_sum3A_173 = vector.multi_reduction <add>, %convert_element_type3A_167, %reduce_sum3A_172 [1] : vector<512x512xf32> to vector<512xf32>
    %broadcast_in_dim3A_174 = vector.shape_cast %reduce_sum3A_173 : vector<512xf32> to vector<512x1xf32>
    %sub3A_175 = arith.constant 5.120000e+02 : f32
    %sub3A_176 = vector.broadcast %sub3A_175 : f32 to vector<512x1xf32>
    %sub3A_177 = arith.subf %sub3A_176, %broadcast_in_dim3A_174 : vector<512x1xf32>
    %add3A_178 = arith.addf %broadcast_in_dim3A_20, %sub3A_177 : vector<512x1xf32>
    %get3A_179 = arith.constant 0 : index
    %get3A_180 = arith.constant 2560 : index
    %get3A_181 = arith.constant 0 : index
    %get3A_182 = vector.load %arg2[%get3A_179, %get3A_180, %get3A_181] : memref<1x3072x1xf32, #tpu.memory_space<vmem>>, vector<1x512x1xf32>
    %get3A_183 = vector.shape_cast %get3A_182 : vector<1x512x1xf32> to vector<512x1xf32>
    %iota3A_184 = tpu.iota {dimensions = array<i32: 0>} : vector<512x1xi32>
    %add3A_185 = arith.constant 2560 : i32
    %add3A_186 = vector.broadcast %add3A_185 : i32 to vector<512x1xi32>
    %add3A_187 = arith.addi %iota3A_184, %add3A_186 : vector<512x1xi32>
    %gt3A_188 = vector.broadcast %get3A_183 : vector<512x1xf32> to vector<512x512xf32>
    %gt3A_189 = vector.broadcast %get3A_26 : vector<1x512xf32> to vector<512x512xf32>
    %gt3A_190 = arith.cmpf ogt, %gt3A_188, %gt3A_189 : vector<512x512xf32>
    %eq3A_191 = vector.broadcast %get3A_183 : vector<512x1xf32> to vector<512x512xf32>
    %eq3A_192 = vector.broadcast %get3A_26 : vector<1x512xf32> to vector<512x512xf32>
    %eq3A_193 = arith.cmpf oeq, %eq3A_191, %eq3A_192 : vector<512x512xf32>
    %lt3A_194 = vector.broadcast %add3A_187 : vector<512x1xi32> to vector<512x512xi32>
    %lt3A_195 = vector.broadcast %add3A_28 : vector<1x512xi32> to vector<512x512xi32>
    %lt3A_196 = arith.cmpi slt, %lt3A_194, %lt3A_195 : vector<512x512xi32>
    %and3A_197 = arith.andi %eq3A_193, %lt3A_196 : vector<512x512xi1>
    %or3A_198 = arith.ori %gt3A_190, %and3A_197 : vector<512x512xi1>
    %convert_element_type3A_199 = arith.extui %or3A_198 : vector<512x512xi1> to vector<512x512xi32>
    %convert_element_type3A_200 = arith.sitofp %convert_element_type3A_199 : vector<512x512xi32> to vector<512x512xf32>
    %reduce_sum3A_201 = arith.constant dense<0.000000e+00> : vector<512xf32>
    %reduce_sum3A_202 = vector.multi_reduction <add>, %convert_element_type3A_200, %reduce_sum3A_201 [0] : vector<512x512xf32> to vector<512xf32>
    %broadcast_in_dim3A_203 = vector.shape_cast %reduce_sum3A_202 : vector<512xf32> to vector<1x512xf32>
    %add3A_204 = arith.addf %add3A_171, %broadcast_in_dim3A_203 : vector<1x512xf32>
    %reduce_sum3A_205 = arith.constant dense<0.000000e+00> : vector<512xf32>
    %reduce_sum3A_206 = vector.multi_reduction <add>, %convert_element_type3A_200, %reduce_sum3A_205 [1] : vector<512x512xf32> to vector<512xf32>
    %broadcast_in_dim3A_207 = vector.shape_cast %reduce_sum3A_206 : vector<512xf32> to vector<512x1xf32>
    %sub3A_208 = arith.constant 5.120000e+02 : f32
    %sub3A_209 = vector.broadcast %sub3A_208 : f32 to vector<512x1xf32>
    %sub3A_210 = arith.subf %sub3A_209, %broadcast_in_dim3A_207 : vector<512x1xf32>
    %add3A_211 = arith.addf %broadcast_in_dim3A_22, %sub3A_210 : vector<512x1xf32>
    %get3A_212 = arith.constant 0 : index
    %get3A_213 = arith.constant 0 : index
    %get3A_214 = arith.constant 512 : index
    %get3A_215 = vector.load %arg1[%get3A_212, %get3A_213, %get3A_214] : memref<1x1x3072xf32, #tpu.memory_space<vmem>>, vector<1x1x512xf32>
    %get3A_216 = vector.shape_cast %get3A_215 : vector<1x1x512xf32> to vector<1x512xf32>
    %iota3A_217 = tpu.iota {dimensions = array<i32: 1>} : vector<1x512xi32>
    %add3A_218 = arith.constant 512 : i32
    %add3A_219 = vector.broadcast %add3A_218 : i32 to vector<1x512xi32>
    %add3A_220 = arith.addi %iota3A_217, %add3A_219 : vector<1x512xi32>
    %get3A_221 = arith.constant 0 : index
    %get3A_222 = arith.constant 512 : index
    %get3A_223 = arith.constant 0 : index
    %get3A_224 = vector.load %arg2[%get3A_221, %get3A_222, %get3A_223] : memref<1x3072x1xf32, #tpu.memory_space<vmem>>, vector<1x512x1xf32>
    %get3A_225 = vector.shape_cast %get3A_224 : vector<1x512x1xf32> to vector<512x1xf32>
    %iota3A_226 = tpu.iota {dimensions = array<i32: 0>} : vector<512x1xi32>
    %add3A_227 = arith.constant 512 : i32
    %add3A_228 = vector.broadcast %add3A_227 : i32 to vector<512x1xi32>
    %add3A_229 = arith.addi %iota3A_226, %add3A_228 : vector<512x1xi32>
    %gt3A_230 = vector.broadcast %get3A_225 : vector<512x1xf32> to vector<512x512xf32>
    %gt3A_231 = vector.broadcast %get3A_216 : vector<1x512xf32> to vector<512x512xf32>
    %gt3A_232 = arith.cmpf ogt, %gt3A_230, %gt3A_231 : vector<512x512xf32>
    %eq3A_233 = vector.broadcast %get3A_225 : vector<512x1xf32> to vector<512x512xf32>
    %eq3A_234 = vector.broadcast %get3A_216 : vector<1x512xf32> to vector<512x512xf32>
    %eq3A_235 = arith.cmpf oeq, %eq3A_233, %eq3A_234 : vector<512x512xf32>
    %lt3A_236 = vector.broadcast %add3A_229 : vector<512x1xi32> to vector<512x512xi32>
    %lt3A_237 = vector.broadcast %add3A_220 : vector<1x512xi32> to vector<512x512xi32>
    %lt3A_238 = arith.cmpi slt, %lt3A_236, %lt3A_237 : vector<512x512xi32>
    %and3A_239 = arith.andi %eq3A_235, %lt3A_238 : vector<512x512xi1>
    %or3A_240 = arith.ori %gt3A_232, %and3A_239 : vector<512x512xi1>
    %convert_element_type3A_241 = arith.extui %or3A_240 : vector<512x512xi1> to vector<512x512xi32>
    %convert_element_type3A_242 = arith.sitofp %convert_element_type3A_241 : vector<512x512xi32> to vector<512x512xf32>
    %reduce_sum3A_243 = arith.constant dense<0.000000e+00> : vector<512xf32>
    %reduce_sum3A_244 = vector.multi_reduction <add>, %convert_element_type3A_242, %reduce_sum3A_243 [0] : vector<512x512xf32> to vector<512xf32>
    %broadcast_in_dim3A_245 = vector.shape_cast %reduce_sum3A_244 : vector<512xf32> to vector<1x512xf32>
    %add3A_246 = arith.addf %broadcast_in_dim3A_2, %broadcast_in_dim3A_245 : vector<1x512xf32>
    %get3A_247 = arith.constant 0 : index
    %get3A_248 = arith.constant 1024 : index
    %get3A_249 = arith.constant 0 : index
    %get3A_250 = vector.load %arg2[%get3A_247, %get3A_248, %get3A_249] : memref<1x3072x1xf32, #tpu.memory_space<vmem>>, vector<1x512x1xf32>
    %get3A_251 = vector.shape_cast %get3A_250 : vector<1x512x1xf32> to vector<512x1xf32>
    %iota3A_252 = tpu.iota {dimensions = array<i32: 0>} : vector<512x1xi32>
    %add3A_253 = arith.constant 1024 : i32
    %add3A_254 = vector.broadcast %add3A_253 : i32 to vector<512x1xi32>
    %add3A_255 = arith.addi %iota3A_252, %add3A_254 : vector<512x1xi32>
    %gt3A_256 = vector.broadcast %get3A_251 : vector<512x1xf32> to vector<512x512xf32>
    %gt3A_257 = vector.broadcast %get3A_216 : vector<1x512xf32> to vector<512x512xf32>
    %gt3A_258 = arith.cmpf ogt, %gt3A_256, %gt3A_257 : vector<512x512xf32>
    %eq3A_259 = vector.broadcast %get3A_251 : vector<512x1xf32> to vector<512x512xf32>
    %eq3A_260 = vector.broadcast %get3A_216 : vector<1x512xf32> to vector<512x512xf32>
    %eq3A_261 = arith.cmpf oeq, %eq3A_259, %eq3A_260 : vector<512x512xf32>
    %lt3A_262 = vector.broadcast %add3A_255 : vector<512x1xi32> to vector<512x512xi32>
    %lt3A_263 = vector.broadcast %add3A_220 : vector<1x512xi32> to vector<512x512xi32>
    %lt3A_264 = arith.cmpi slt, %lt3A_262, %lt3A_263 : vector<512x512xi32>
    %and3A_265 = arith.andi %eq3A_261, %lt3A_264 : vector<512x512xi1>
    %or3A_266 = arith.ori %gt3A_258, %and3A_265 : vector<512x512xi1>
    %convert_element_type3A_267 = arith.extui %or3A_266 : vector<512x512xi1> to vector<512x512xi32>
    %convert_element_type3A_268 = arith.sitofp %convert_element_type3A_267 : vector<512x512xi32> to vector<512x512xf32>
    %reduce_sum3A_269 = arith.constant dense<0.000000e+00> : vector<512xf32>
    %reduce_sum3A_270 = vector.multi_reduction <add>, %convert_element_type3A_268, %reduce_sum3A_269 [0] : vector<512x512xf32> to vector<512xf32>
    %broadcast_in_dim3A_271 = vector.shape_cast %reduce_sum3A_270 : vector<512xf32> to vector<1x512xf32>
    %add3A_272 = arith.addf %add3A_246, %broadcast_in_dim3A_271 : vector<1x512xf32>
    %reduce_sum3A_273 = arith.constant dense<0.000000e+00> : vector<512xf32>
    %reduce_sum3A_274 = vector.multi_reduction <add>, %convert_element_type3A_268, %reduce_sum3A_273 [1] : vector<512x512xf32> to vector<512xf32>
    %broadcast_in_dim3A_275 = vector.shape_cast %reduce_sum3A_274 : vector<512xf32> to vector<512x1xf32>
    %sub3A_276 = arith.constant 5.120000e+02 : f32
    %sub3A_277 = vector.broadcast %sub3A_276 : f32 to vector<512x1xf32>
    %sub3A_278 = arith.subf %sub3A_277, %broadcast_in_dim3A_275 : vector<512x1xf32>
    %add3A_279 = arith.addf %add3A_112, %sub3A_278 : vector<512x1xf32>
    %get3A_280 = arith.constant 0 : index
    %get3A_281 = arith.constant 1536 : index
    %get3A_282 = arith.constant 0 : index
    %get3A_283 = vector.load %arg2[%get3A_280, %get3A_281, %get3A_282] : memref<1x3072x1xf32, #tpu.memory_space<vmem>>, vector<1x512x1xf32>
    %get3A_284 = vector.shape_cast %get3A_283 : vector<1x512x1xf32> to vector<512x1xf32>
    %iota3A_285 = tpu.iota {dimensions = array<i32: 0>} : vector<512x1xi32>
    %add3A_286 = arith.constant 1536 : i32
    %add3A_287 = vector.broadcast %add3A_286 : i32 to vector<512x1xi32>
    %add3A_288 = arith.addi %iota3A_285, %add3A_287 : vector<512x1xi32>
    %gt3A_289 = vector.broadcast %get3A_284 : vector<512x1xf32> to vector<512x512xf32>
    %gt3A_290 = vector.broadcast %get3A_216 : vector<1x512xf32> to vector<512x512xf32>
    %gt3A_291 = arith.cmpf ogt, %gt3A_289, %gt3A_290 : vector<512x512xf32>
    %eq3A_292 = vector.broadcast %get3A_284 : vector<512x1xf32> to vector<512x512xf32>
    %eq3A_293 = vector.broadcast %get3A_216 : vector<1x512xf32> to vector<512x512xf32>
    %eq3A_294 = arith.cmpf oeq, %eq3A_292, %eq3A_293 : vector<512x512xf32>
    %lt3A_295 = vector.broadcast %add3A_288 : vector<512x1xi32> to vector<512x512xi32>
    %lt3A_296 = vector.broadcast %add3A_220 : vector<1x512xi32> to vector<512x512xi32>
    %lt3A_297 = arith.cmpi slt, %lt3A_295, %lt3A_296 : vector<512x512xi32>
    %and3A_298 = arith.andi %eq3A_294, %lt3A_297 : vector<512x512xi1>
    %or3A_299 = arith.ori %gt3A_291, %and3A_298 : vector<512x512xi1>
    %convert_element_type3A_300 = arith.extui %or3A_299 : vector<512x512xi1> to vector<512x512xi32>
    %convert_element_type3A_301 = arith.sitofp %convert_element_type3A_300 : vector<512x512xi32> to vector<512x512xf32>
    %reduce_sum3A_302 = arith.constant dense<0.000000e+00> : vector<512xf32>
    %reduce_sum3A_303 = vector.multi_reduction <add>, %convert_element_type3A_301, %reduce_sum3A_302 [0] : vector<512x512xf32> to vector<512xf32>
    %broadcast_in_dim3A_304 = vector.shape_cast %reduce_sum3A_303 : vector<512xf32> to vector<1x512xf32>
    %add3A_305 = arith.addf %add3A_272, %broadcast_in_dim3A_304 : vector<1x512xf32>
    %reduce_sum3A_306 = arith.constant dense<0.000000e+00> : vector<512xf32>
    %reduce_sum3A_307 = vector.multi_reduction <add>, %convert_element_type3A_301, %reduce_sum3A_306 [1] : vector<512x512xf32> to vector<512xf32>
    %broadcast_in_dim3A_308 = vector.shape_cast %reduce_sum3A_307 : vector<512xf32> to vector<512x1xf32>
    %sub3A_309 = arith.constant 5.120000e+02 : f32
    %sub3A_310 = vector.broadcast %sub3A_309 : f32 to vector<512x1xf32>
    %sub3A_311 = arith.subf %sub3A_310, %broadcast_in_dim3A_308 : vector<512x1xf32>
    %add3A_312 = arith.addf %add3A_145, %sub3A_311 : vector<512x1xf32>
    %get3A_313 = arith.constant 0 : index
    %get3A_314 = arith.constant 2048 : index
    %get3A_315 = arith.constant 0 : index
    %get3A_316 = vector.load %arg2[%get3A_313, %get3A_314, %get3A_315] : memref<1x3072x1xf32, #tpu.memory_space<vmem>>, vector<1x512x1xf32>
    %get3A_317 = vector.shape_cast %get3A_316 : vector<1x512x1xf32> to vector<512x1xf32>
    %iota3A_318 = tpu.iota {dimensions = array<i32: 0>} : vector<512x1xi32>
    %add3A_319 = arith.constant 2048 : i32
    %add3A_320 = vector.broadcast %add3A_319 : i32 to vector<512x1xi32>
    %add3A_321 = arith.addi %iota3A_318, %add3A_320 : vector<512x1xi32>
    %gt3A_322 = vector.broadcast %get3A_317 : vector<512x1xf32> to vector<512x512xf32>
    %gt3A_323 = vector.broadcast %get3A_216 : vector<1x512xf32> to vector<512x512xf32>
    %gt3A_324 = arith.cmpf ogt, %gt3A_322, %gt3A_323 : vector<512x512xf32>
    %eq3A_325 = vector.broadcast %get3A_317 : vector<512x1xf32> to vector<512x512xf32>
    %eq3A_326 = vector.broadcast %get3A_216 : vector<1x512xf32> to vector<512x512xf32>
    %eq3A_327 = arith.cmpf oeq, %eq3A_325, %eq3A_326 : vector<512x512xf32>
    %lt3A_328 = vector.broadcast %add3A_321 : vector<512x1xi32> to vector<512x512xi32>
    %lt3A_329 = vector.broadcast %add3A_220 : vector<1x512xi32> to vector<512x512xi32>
    %lt3A_330 = arith.cmpi slt, %lt3A_328, %lt3A_329 : vector<512x512xi32>
    %and3A_331 = arith.andi %eq3A_327, %lt3A_330 : vector<512x512xi1>
    %or3A_332 = arith.ori %gt3A_324, %and3A_331 : vector<512x512xi1>
    %convert_element_type3A_333 = arith.extui %or3A_332 : vector<512x512xi1> to vector<512x512xi32>
    %convert_element_type3A_334 = arith.sitofp %convert_element_type3A_333 : vector<512x512xi32> to vector<512x512xf32>
    %reduce_sum3A_335 = arith.constant dense<0.000000e+00> : vector<512xf32>
    %reduce_sum3A_336 = vector.multi_reduction <add>, %convert_element_type3A_334, %reduce_sum3A_335 [0] : vector<512x512xf32> to vector<512xf32>
    %broadcast_in_dim3A_337 = vector.shape_cast %reduce_sum3A_336 : vector<512xf32> to vector<1x512xf32>
    %add3A_338 = arith.addf %add3A_305, %broadcast_in_dim3A_337 : vector<1x512xf32>
    %reduce_sum3A_339 = arith.constant dense<0.000000e+00> : vector<512xf32>
    %reduce_sum3A_340 = vector.multi_reduction <add>, %convert_element_type3A_334, %reduce_sum3A_339 [1] : vector<512x512xf32> to vector<512xf32>
    %broadcast_in_dim3A_341 = vector.shape_cast %reduce_sum3A_340 : vector<512xf32> to vector<512x1xf32>
    %sub3A_342 = arith.constant 5.120000e+02 : f32
    %sub3A_343 = vector.broadcast %sub3A_342 : f32 to vector<512x1xf32>
    %sub3A_344 = arith.subf %sub3A_343, %broadcast_in_dim3A_341 : vector<512x1xf32>
    %add3A_345 = arith.addf %add3A_178, %sub3A_344 : vector<512x1xf32>
    %get3A_346 = arith.constant 0 : index
    %get3A_347 = arith.constant 2560 : index
    %get3A_348 = arith.constant 0 : index
    %get3A_349 = vector.load %arg2[%get3A_346, %get3A_347, %get3A_348] : memref<1x3072x1xf32, #tpu.memory_space<vmem>>, vector<1x512x1xf32>
    %get3A_350 = vector.shape_cast %get3A_349 : vector<1x512x1xf32> to vector<512x1xf32>
    %iota3A_351 = tpu.iota {dimensions = array<i32: 0>} : vector<512x1xi32>
    %add3A_352 = arith.constant 2560 : i32
    %add3A_353 = vector.broadcast %add3A_352 : i32 to vector<512x1xi32>
    %add3A_354 = arith.addi %iota3A_351, %add3A_353 : vector<512x1xi32>
    %gt3A_355 = vector.broadcast %get3A_350 : vector<512x1xf32> to vector<512x512xf32>
    %gt3A_356 = vector.broadcast %get3A_216 : vector<1x512xf32> to vector<512x512xf32>
    %gt3A_357 = arith.cmpf ogt, %gt3A_355, %gt3A_356 : vector<512x512xf32>
    %eq3A_358 = vector.broadcast %get3A_350 : vector<512x1xf32> to vector<512x512xf32>
    %eq3A_359 = vector.broadcast %get3A_216 : vector<1x512xf32> to vector<512x512xf32>
    %eq3A_360 = arith.cmpf oeq, %eq3A_358, %eq3A_359 : vector<512x512xf32>
    %lt3A_361 = vector.broadcast %add3A_354 : vector<512x1xi32> to vector<512x512xi32>
    %lt3A_362 = vector.broadcast %add3A_220 : vector<1x512xi32> to vector<512x512xi32>
    %lt3A_363 = arith.cmpi slt, %lt3A_361, %lt3A_362 : vector<512x512xi32>
    %and3A_364 = arith.andi %eq3A_360, %lt3A_363 : vector<512x512xi1>
    %or3A_365 = arith.ori %gt3A_357, %and3A_364 : vector<512x512xi1>
    %convert_element_type3A_366 = arith.extui %or3A_365 : vector<512x512xi1> to vector<512x512xi32>
    %convert_element_type3A_367 = arith.sitofp %convert_element_type3A_366 : vector<512x512xi32> to vector<512x512xf32>
    %reduce_sum3A_368 = arith.constant dense<0.000000e+00> : vector<512xf32>
    %reduce_sum3A_369 = vector.multi_reduction <add>, %convert_element_type3A_367, %reduce_sum3A_368 [0] : vector<512x512xf32> to vector<512xf32>
    %broadcast_in_dim3A_370 = vector.shape_cast %reduce_sum3A_369 : vector<512xf32> to vector<1x512xf32>
    %add3A_371 = arith.addf %add3A_338, %broadcast_in_dim3A_370 : vector<1x512xf32>
    %reduce_sum3A_372 = arith.constant dense<0.000000e+00> : vector<512xf32>
    %reduce_sum3A_373 = vector.multi_reduction <add>, %convert_element_type3A_367, %reduce_sum3A_372 [1] : vector<512x512xf32> to vector<512xf32>
    %broadcast_in_dim3A_374 = vector.shape_cast %reduce_sum3A_373 : vector<512xf32> to vector<512x1xf32>
    %sub3A_375 = arith.constant 5.120000e+02 : f32
    %sub3A_376 = vector.broadcast %sub3A_375 : f32 to vector<512x1xf32>
    %sub3A_377 = arith.subf %sub3A_376, %broadcast_in_dim3A_374 : vector<512x1xf32>
    %add3A_378 = arith.addf %add3A_211, %sub3A_377 : vector<512x1xf32>
    %get3A_379 = arith.constant 0 : index
    %get3A_380 = arith.constant 0 : index
    %get3A_381 = arith.constant 1024 : index
    %get3A_382 = vector.load %arg1[%get3A_379, %get3A_380, %get3A_381] : memref<1x1x3072xf32, #tpu.memory_space<vmem>>, vector<1x1x512xf32>
    %get3A_383 = vector.shape_cast %get3A_382 : vector<1x1x512xf32> to vector<1x512xf32>
    %iota3A_384 = tpu.iota {dimensions = array<i32: 1>} : vector<1x512xi32>
    %add3A_385 = arith.constant 1024 : i32
    %add3A_386 = vector.broadcast %add3A_385 : i32 to vector<1x512xi32>
    %add3A_387 = arith.addi %iota3A_384, %add3A_386 : vector<1x512xi32>
    %get3A_388 = arith.constant 0 : index
    %get3A_389 = arith.constant 1024 : index
    %get3A_390 = arith.constant 0 : index
    %get3A_391 = vector.load %arg2[%get3A_388, %get3A_389, %get3A_390] : memref<1x3072x1xf32, #tpu.memory_space<vmem>>, vector<1x512x1xf32>
    %get3A_392 = vector.shape_cast %get3A_391 : vector<1x512x1xf32> to vector<512x1xf32>
    %iota3A_393 = tpu.iota {dimensions = array<i32: 0>} : vector<512x1xi32>
    %add3A_394 = arith.constant 1024 : i32
    %add3A_395 = vector.broadcast %add3A_394 : i32 to vector<512x1xi32>
    %add3A_396 = arith.addi %iota3A_393, %add3A_395 : vector<512x1xi32>
    %gt3A_397 = vector.broadcast %get3A_392 : vector<512x1xf32> to vector<512x512xf32>
    %gt3A_398 = vector.broadcast %get3A_383 : vector<1x512xf32> to vector<512x512xf32>
    %gt3A_399 = arith.cmpf ogt, %gt3A_397, %gt3A_398 : vector<512x512xf32>
    %eq3A_400 = vector.broadcast %get3A_392 : vector<512x1xf32> to vector<512x512xf32>
    %eq3A_401 = vector.broadcast %get3A_383 : vector<1x512xf32> to vector<512x512xf32>
    %eq3A_402 = arith.cmpf oeq, %eq3A_400, %eq3A_401 : vector<512x512xf32>
    %lt3A_403 = vector.broadcast %add3A_396 : vector<512x1xi32> to vector<512x512xi32>
    %lt3A_404 = vector.broadcast %add3A_387 : vector<1x512xi32> to vector<512x512xi32>
    %lt3A_405 = arith.cmpi slt, %lt3A_403, %lt3A_404 : vector<512x512xi32>
    %and3A_406 = arith.andi %eq3A_402, %lt3A_405 : vector<512x512xi1>
    %or3A_407 = arith.ori %gt3A_399, %and3A_406 : vector<512x512xi1>
    %convert_element_type3A_408 = arith.extui %or3A_407 : vector<512x512xi1> to vector<512x512xi32>
    %convert_element_type3A_409 = arith.sitofp %convert_element_type3A_408 : vector<512x512xi32> to vector<512x512xf32>
    %reduce_sum3A_410 = arith.constant dense<0.000000e+00> : vector<512xf32>
    %reduce_sum3A_411 = vector.multi_reduction <add>, %convert_element_type3A_409, %reduce_sum3A_410 [0] : vector<512x512xf32> to vector<512xf32>
    %broadcast_in_dim3A_412 = vector.shape_cast %reduce_sum3A_411 : vector<512xf32> to vector<1x512xf32>
    %add3A_413 = arith.addf %broadcast_in_dim3A_4, %broadcast_in_dim3A_412 : vector<1x512xf32>
    %get3A_414 = arith.constant 0 : index
    %get3A_415 = arith.constant 1536 : index
    %get3A_416 = arith.constant 0 : index
    %get3A_417 = vector.load %arg2[%get3A_414, %get3A_415, %get3A_416] : memref<1x3072x1xf32, #tpu.memory_space<vmem>>, vector<1x512x1xf32>
    %get3A_418 = vector.shape_cast %get3A_417 : vector<1x512x1xf32> to vector<512x1xf32>
    %iota3A_419 = tpu.iota {dimensions = array<i32: 0>} : vector<512x1xi32>
    %add3A_420 = arith.constant 1536 : i32
    %add3A_421 = vector.broadcast %add3A_420 : i32 to vector<512x1xi32>
    %add3A_422 = arith.addi %iota3A_419, %add3A_421 : vector<512x1xi32>
    %gt3A_423 = vector.broadcast %get3A_418 : vector<512x1xf32> to vector<512x512xf32>
    %gt3A_424 = vector.broadcast %get3A_383 : vector<1x512xf32> to vector<512x512xf32>
    %gt3A_425 = arith.cmpf ogt, %gt3A_423, %gt3A_424 : vector<512x512xf32>
    %eq3A_426 = vector.broadcast %get3A_418 : vector<512x1xf32> to vector<512x512xf32>
    %eq3A_427 = vector.broadcast %get3A_383 : vector<1x512xf32> to vector<512x512xf32>
    %eq3A_428 = arith.cmpf oeq, %eq3A_426, %eq3A_427 : vector<512x512xf32>
    %lt3A_429 = vector.broadcast %add3A_422 : vector<512x1xi32> to vector<512x512xi32>
    %lt3A_430 = vector.broadcast %add3A_387 : vector<1x512xi32> to vector<512x512xi32>
    %lt3A_431 = arith.cmpi slt, %lt3A_429, %lt3A_430 : vector<512x512xi32>
    %and3A_432 = arith.andi %eq3A_428, %lt3A_431 : vector<512x512xi1>
    %or3A_433 = arith.ori %gt3A_425, %and3A_432 : vector<512x512xi1>
    %convert_element_type3A_434 = arith.extui %or3A_433 : vector<512x512xi1> to vector<512x512xi32>
    %convert_element_type3A_435 = arith.sitofp %convert_element_type3A_434 : vector<512x512xi32> to vector<512x512xf32>
    %reduce_sum3A_436 = arith.constant dense<0.000000e+00> : vector<512xf32>
    %reduce_sum3A_437 = vector.multi_reduction <add>, %convert_element_type3A_435, %reduce_sum3A_436 [0] : vector<512x512xf32> to vector<512xf32>
    %broadcast_in_dim3A_438 = vector.shape_cast %reduce_sum3A_437 : vector<512xf32> to vector<1x512xf32>
    %add3A_439 = arith.addf %add3A_413, %broadcast_in_dim3A_438 : vector<1x512xf32>
    %reduce_sum3A_440 = arith.constant dense<0.000000e+00> : vector<512xf32>
    %reduce_sum3A_441 = vector.multi_reduction <add>, %convert_element_type3A_435, %reduce_sum3A_440 [1] : vector<512x512xf32> to vector<512xf32>
    %broadcast_in_dim3A_442 = vector.shape_cast %reduce_sum3A_441 : vector<512xf32> to vector<512x1xf32>
    %sub3A_443 = arith.constant 5.120000e+02 : f32
    %sub3A_444 = vector.broadcast %sub3A_443 : f32 to vector<512x1xf32>
    %sub3A_445 = arith.subf %sub3A_444, %broadcast_in_dim3A_442 : vector<512x1xf32>
    %add3A_446 = arith.addf %add3A_312, %sub3A_445 : vector<512x1xf32>
    %get3A_447 = arith.constant 0 : index
    %get3A_448 = arith.constant 2048 : index
    %get3A_449 = arith.constant 0 : index
    %get3A_450 = vector.load %arg2[%get3A_447, %get3A_448, %get3A_449] : memref<1x3072x1xf32, #tpu.memory_space<vmem>>, vector<1x512x1xf32>
    %get3A_451 = vector.shape_cast %get3A_450 : vector<1x512x1xf32> to vector<512x1xf32>
    %iota3A_452 = tpu.iota {dimensions = array<i32: 0>} : vector<512x1xi32>
    %add3A_453 = arith.constant 2048 : i32
    %add3A_454 = vector.broadcast %add3A_453 : i32 to vector<512x1xi32>
    %add3A_455 = arith.addi %iota3A_452, %add3A_454 : vector<512x1xi32>
    %gt3A_456 = vector.broadcast %get3A_451 : vector<512x1xf32> to vector<512x512xf32>
    %gt3A_457 = vector.broadcast %get3A_383 : vector<1x512xf32> to vector<512x512xf32>
    %gt3A_458 = arith.cmpf ogt, %gt3A_456, %gt3A_457 : vector<512x512xf32>
    %eq3A_459 = vector.broadcast %get3A_451 : vector<512x1xf32> to vector<512x512xf32>
    %eq3A_460 = vector.broadcast %get3A_383 : vector<1x512xf32> to vector<512x512xf32>
    %eq3A_461 = arith.cmpf oeq, %eq3A_459, %eq3A_460 : vector<512x512xf32>
    %lt3A_462 = vector.broadcast %add3A_455 : vector<512x1xi32> to vector<512x512xi32>
    %lt3A_463 = vector.broadcast %add3A_387 : vector<1x512xi32> to vector<512x512xi32>
    %lt3A_464 = arith.cmpi slt, %lt3A_462, %lt3A_463 : vector<512x512xi32>
    %and3A_465 = arith.andi %eq3A_461, %lt3A_464 : vector<512x512xi1>
    %or3A_466 = arith.ori %gt3A_458, %and3A_465 : vector<512x512xi1>
    %convert_element_type3A_467 = arith.extui %or3A_466 : vector<512x512xi1> to vector<512x512xi32>
    %convert_element_type3A_468 = arith.sitofp %convert_element_type3A_467 : vector<512x512xi32> to vector<512x512xf32>
    %reduce_sum3A_469 = arith.constant dense<0.000000e+00> : vector<512xf32>
    %reduce_sum3A_470 = vector.multi_reduction <add>, %convert_element_type3A_468, %reduce_sum3A_469 [0] : vector<512x512xf32> to vector<512xf32>
    %broadcast_in_dim3A_471 = vector.shape_cast %reduce_sum3A_470 : vector<512xf32> to vector<1x512xf32>
    %add3A_472 = arith.addf %add3A_439, %broadcast_in_dim3A_471 : vector<1x512xf32>
    %reduce_sum3A_473 = arith.constant dense<0.000000e+00> : vector<512xf32>
    %reduce_sum3A_474 = vector.multi_reduction <add>, %convert_element_type3A_468, %reduce_sum3A_473 [1] : vector<512x512xf32> to vector<512xf32>
    %broadcast_in_dim3A_475 = vector.shape_cast %reduce_sum3A_474 : vector<512xf32> to vector<512x1xf32>
    %sub3A_476 = arith.constant 5.120000e+02 : f32
    %sub3A_477 = vector.broadcast %sub3A_476 : f32 to vector<512x1xf32>
    %sub3A_478 = arith.subf %sub3A_477, %broadcast_in_dim3A_475 : vector<512x1xf32>
    %add3A_479 = arith.addf %add3A_345, %sub3A_478 : vector<512x1xf32>
    %get3A_480 = arith.constant 0 : index
    %get3A_481 = arith.constant 2560 : index
    %get3A_482 = arith.constant 0 : index
    %get3A_483 = vector.load %arg2[%get3A_480, %get3A_481, %get3A_482] : memref<1x3072x1xf32, #tpu.memory_space<vmem>>, vector<1x512x1xf32>
    %get3A_484 = vector.shape_cast %get3A_483 : vector<1x512x1xf32> to vector<512x1xf32>
    %iota3A_485 = tpu.iota {dimensions = array<i32: 0>} : vector<512x1xi32>
    %add3A_486 = arith.constant 2560 : i32
    %add3A_487 = vector.broadcast %add3A_486 : i32 to vector<512x1xi32>
    %add3A_488 = arith.addi %iota3A_485, %add3A_487 : vector<512x1xi32>
    %gt3A_489 = vector.broadcast %get3A_484 : vector<512x1xf32> to vector<512x512xf32>
    %gt3A_490 = vector.broadcast %get3A_383 : vector<1x512xf32> to vector<512x512xf32>
    %gt3A_491 = arith.cmpf ogt, %gt3A_489, %gt3A_490 : vector<512x512xf32>
    %eq3A_492 = vector.broadcast %get3A_484 : vector<512x1xf32> to vector<512x512xf32>
    %eq3A_493 = vector.broadcast %get3A_383 : vector<1x512xf32> to vector<512x512xf32>
    %eq3A_494 = arith.cmpf oeq, %eq3A_492, %eq3A_493 : vector<512x512xf32>
    %lt3A_495 = vector.broadcast %add3A_488 : vector<512x1xi32> to vector<512x512xi32>
    %lt3A_496 = vector.broadcast %add3A_387 : vector<1x512xi32> to vector<512x512xi32>
    %lt3A_497 = arith.cmpi slt, %lt3A_495, %lt3A_496 : vector<512x512xi32>
    %and3A_498 = arith.andi %eq3A_494, %lt3A_497 : vector<512x512xi1>
    %or3A_499 = arith.ori %gt3A_491, %and3A_498 : vector<512x512xi1>
    %convert_element_type3A_500 = arith.extui %or3A_499 : vector<512x512xi1> to vector<512x512xi32>
    %convert_element_type3A_501 = arith.sitofp %convert_element_type3A_500 : vector<512x512xi32> to vector<512x512xf32>
    %reduce_sum3A_502 = arith.constant dense<0.000000e+00> : vector<512xf32>
    %reduce_sum3A_503 = vector.multi_reduction <add>, %convert_element_type3A_501, %reduce_sum3A_502 [0] : vector<512x512xf32> to vector<512xf32>
    %broadcast_in_dim3A_504 = vector.shape_cast %reduce_sum3A_503 : vector<512xf32> to vector<1x512xf32>
    %add3A_505 = arith.addf %add3A_472, %broadcast_in_dim3A_504 : vector<1x512xf32>
    %reduce_sum3A_506 = arith.constant dense<0.000000e+00> : vector<512xf32>
    %reduce_sum3A_507 = vector.multi_reduction <add>, %convert_element_type3A_501, %reduce_sum3A_506 [1] : vector<512x512xf32> to vector<512xf32>
    %broadcast_in_dim3A_508 = vector.shape_cast %reduce_sum3A_507 : vector<512xf32> to vector<512x1xf32>
    %sub3A_509 = arith.constant 5.120000e+02 : f32
    %sub3A_510 = vector.broadcast %sub3A_509 : f32 to vector<512x1xf32>
    %sub3A_511 = arith.subf %sub3A_510, %broadcast_in_dim3A_508 : vector<512x1xf32>
    %add3A_512 = arith.addf %add3A_378, %sub3A_511 : vector<512x1xf32>
    %get3A_513 = arith.constant 0 : index
    %get3A_514 = arith.constant 0 : index
    %get3A_515 = arith.constant 1536 : index
    %get3A_516 = vector.load %arg1[%get3A_513, %get3A_514, %get3A_515] : memref<1x1x3072xf32, #tpu.memory_space<vmem>>, vector<1x1x512xf32>
    %get3A_517 = vector.shape_cast %get3A_516 : vector<1x1x512xf32> to vector<1x512xf32>
    %iota3A_518 = tpu.iota {dimensions = array<i32: 1>} : vector<1x512xi32>
    %add3A_519 = arith.constant 1536 : i32
    %add3A_520 = vector.broadcast %add3A_519 : i32 to vector<1x512xi32>
    %add3A_521 = arith.addi %iota3A_518, %add3A_520 : vector<1x512xi32>
    %get3A_522 = arith.constant 0 : index
    %get3A_523 = arith.constant 1536 : index
    %get3A_524 = arith.constant 0 : index
    %get3A_525 = vector.load %arg2[%get3A_522, %get3A_523, %get3A_524] : memref<1x3072x1xf32, #tpu.memory_space<vmem>>, vector<1x512x1xf32>
    %get3A_526 = vector.shape_cast %get3A_525 : vector<1x512x1xf32> to vector<512x1xf32>
    %iota3A_527 = tpu.iota {dimensions = array<i32: 0>} : vector<512x1xi32>
    %add3A_528 = arith.constant 1536 : i32
    %add3A_529 = vector.broadcast %add3A_528 : i32 to vector<512x1xi32>
    %add3A_530 = arith.addi %iota3A_527, %add3A_529 : vector<512x1xi32>
    %gt3A_531 = vector.broadcast %get3A_526 : vector<512x1xf32> to vector<512x512xf32>
    %gt3A_532 = vector.broadcast %get3A_517 : vector<1x512xf32> to vector<512x512xf32>
    %gt3A_533 = arith.cmpf ogt, %gt3A_531, %gt3A_532 : vector<512x512xf32>
    %eq3A_534 = vector.broadcast %get3A_526 : vector<512x1xf32> to vector<512x512xf32>
    %eq3A_535 = vector.broadcast %get3A_517 : vector<1x512xf32> to vector<512x512xf32>
    %eq3A_536 = arith.cmpf oeq, %eq3A_534, %eq3A_535 : vector<512x512xf32>
    %lt3A_537 = vector.broadcast %add3A_530 : vector<512x1xi32> to vector<512x512xi32>
    %lt3A_538 = vector.broadcast %add3A_521 : vector<1x512xi32> to vector<512x512xi32>
    %lt3A_539 = arith.cmpi slt, %lt3A_537, %lt3A_538 : vector<512x512xi32>
    %and3A_540 = arith.andi %eq3A_536, %lt3A_539 : vector<512x512xi1>
    %or3A_541 = arith.ori %gt3A_533, %and3A_540 : vector<512x512xi1>
    %convert_element_type3A_542 = arith.extui %or3A_541 : vector<512x512xi1> to vector<512x512xi32>
    %convert_element_type3A_543 = arith.sitofp %convert_element_type3A_542 : vector<512x512xi32> to vector<512x512xf32>
    %reduce_sum3A_544 = arith.constant dense<0.000000e+00> : vector<512xf32>
    %reduce_sum3A_545 = vector.multi_reduction <add>, %convert_element_type3A_543, %reduce_sum3A_544 [0] : vector<512x512xf32> to vector<512xf32>
    %broadcast_in_dim3A_546 = vector.shape_cast %reduce_sum3A_545 : vector<512xf32> to vector<1x512xf32>
    %add3A_547 = arith.addf %broadcast_in_dim3A_6, %broadcast_in_dim3A_546 : vector<1x512xf32>
    %get3A_548 = arith.constant 0 : index
    %get3A_549 = arith.constant 2048 : index
    %get3A_550 = arith.constant 0 : index
    %get3A_551 = vector.load %arg2[%get3A_548, %get3A_549, %get3A_550] : memref<1x3072x1xf32, #tpu.memory_space<vmem>>, vector<1x512x1xf32>
    %get3A_552 = vector.shape_cast %get3A_551 : vector<1x512x1xf32> to vector<512x1xf32>
    %iota3A_553 = tpu.iota {dimensions = array<i32: 0>} : vector<512x1xi32>
    %add3A_554 = arith.constant 2048 : i32
    %add3A_555 = vector.broadcast %add3A_554 : i32 to vector<512x1xi32>
    %add3A_556 = arith.addi %iota3A_553, %add3A_555 : vector<512x1xi32>
    %gt3A_557 = vector.broadcast %get3A_552 : vector<512x1xf32> to vector<512x512xf32>
    %gt3A_558 = vector.broadcast %get3A_517 : vector<1x512xf32> to vector<512x512xf32>
    %gt3A_559 = arith.cmpf ogt, %gt3A_557, %gt3A_558 : vector<512x512xf32>
    %eq3A_560 = vector.broadcast %get3A_552 : vector<512x1xf32> to vector<512x512xf32>
    %eq3A_561 = vector.broadcast %get3A_517 : vector<1x512xf32> to vector<512x512xf32>
    %eq3A_562 = arith.cmpf oeq, %eq3A_560, %eq3A_561 : vector<512x512xf32>
    %lt3A_563 = vector.broadcast %add3A_556 : vector<512x1xi32> to vector<512x512xi32>
    %lt3A_564 = vector.broadcast %add3A_521 : vector<1x512xi32> to vector<512x512xi32>
    %lt3A_565 = arith.cmpi slt, %lt3A_563, %lt3A_564 : vector<512x512xi32>
    %and3A_566 = arith.andi %eq3A_562, %lt3A_565 : vector<512x512xi1>
    %or3A_567 = arith.ori %gt3A_559, %and3A_566 : vector<512x512xi1>
    %convert_element_type3A_568 = arith.extui %or3A_567 : vector<512x512xi1> to vector<512x512xi32>
    %convert_element_type3A_569 = arith.sitofp %convert_element_type3A_568 : vector<512x512xi32> to vector<512x512xf32>
    %reduce_sum3A_570 = arith.constant dense<0.000000e+00> : vector<512xf32>
    %reduce_sum3A_571 = vector.multi_reduction <add>, %convert_element_type3A_569, %reduce_sum3A_570 [0] : vector<512x512xf32> to vector<512xf32>
    %broadcast_in_dim3A_572 = vector.shape_cast %reduce_sum3A_571 : vector<512xf32> to vector<1x512xf32>
    %add3A_573 = arith.addf %add3A_547, %broadcast_in_dim3A_572 : vector<1x512xf32>
    %reduce_sum3A_574 = arith.constant dense<0.000000e+00> : vector<512xf32>
    %reduce_sum3A_575 = vector.multi_reduction <add>, %convert_element_type3A_569, %reduce_sum3A_574 [1] : vector<512x512xf32> to vector<512xf32>
    %broadcast_in_dim3A_576 = vector.shape_cast %reduce_sum3A_575 : vector<512xf32> to vector<512x1xf32>
    %sub3A_577 = arith.constant 5.120000e+02 : f32
    %sub3A_578 = vector.broadcast %sub3A_577 : f32 to vector<512x1xf32>
    %sub3A_579 = arith.subf %sub3A_578, %broadcast_in_dim3A_576 : vector<512x1xf32>
    %add3A_580 = arith.addf %add3A_479, %sub3A_579 : vector<512x1xf32>
    %get3A_581 = arith.constant 0 : index
    %get3A_582 = arith.constant 2560 : index
    %get3A_583 = arith.constant 0 : index
    %get3A_584 = vector.load %arg2[%get3A_581, %get3A_582, %get3A_583] : memref<1x3072x1xf32, #tpu.memory_space<vmem>>, vector<1x512x1xf32>
    %get3A_585 = vector.shape_cast %get3A_584 : vector<1x512x1xf32> to vector<512x1xf32>
    %iota3A_586 = tpu.iota {dimensions = array<i32: 0>} : vector<512x1xi32>
    %add3A_587 = arith.constant 2560 : i32
    %add3A_588 = vector.broadcast %add3A_587 : i32 to vector<512x1xi32>
    %add3A_589 = arith.addi %iota3A_586, %add3A_588 : vector<512x1xi32>
    %gt3A_590 = vector.broadcast %get3A_585 : vector<512x1xf32> to vector<512x512xf32>
    %gt3A_591 = vector.broadcast %get3A_517 : vector<1x512xf32> to vector<512x512xf32>
    %gt3A_592 = arith.cmpf ogt, %gt3A_590, %gt3A_591 : vector<512x512xf32>
    %eq3A_593 = vector.broadcast %get3A_585 : vector<512x1xf32> to vector<512x512xf32>
    %eq3A_594 = vector.broadcast %get3A_517 : vector<1x512xf32> to vector<512x512xf32>
    %eq3A_595 = arith.cmpf oeq, %eq3A_593, %eq3A_594 : vector<512x512xf32>
    %lt3A_596 = vector.broadcast %add3A_589 : vector<512x1xi32> to vector<512x512xi32>
    %lt3A_597 = vector.broadcast %add3A_521 : vector<1x512xi32> to vector<512x512xi32>
    %lt3A_598 = arith.cmpi slt, %lt3A_596, %lt3A_597 : vector<512x512xi32>
    %and3A_599 = arith.andi %eq3A_595, %lt3A_598 : vector<512x512xi1>
    %or3A_600 = arith.ori %gt3A_592, %and3A_599 : vector<512x512xi1>
    %convert_element_type3A_601 = arith.extui %or3A_600 : vector<512x512xi1> to vector<512x512xi32>
    %convert_element_type3A_602 = arith.sitofp %convert_element_type3A_601 : vector<512x512xi32> to vector<512x512xf32>
    %reduce_sum3A_603 = arith.constant dense<0.000000e+00> : vector<512xf32>
    %reduce_sum3A_604 = vector.multi_reduction <add>, %convert_element_type3A_602, %reduce_sum3A_603 [0] : vector<512x512xf32> to vector<512xf32>
    %broadcast_in_dim3A_605 = vector.shape_cast %reduce_sum3A_604 : vector<512xf32> to vector<1x512xf32>
    %add3A_606 = arith.addf %add3A_573, %broadcast_in_dim3A_605 : vector<1x512xf32>
    %reduce_sum3A_607 = arith.constant dense<0.000000e+00> : vector<512xf32>
    %reduce_sum3A_608 = vector.multi_reduction <add>, %convert_element_type3A_602, %reduce_sum3A_607 [1] : vector<512x512xf32> to vector<512xf32>
    %broadcast_in_dim3A_609 = vector.shape_cast %reduce_sum3A_608 : vector<512xf32> to vector<512x1xf32>
    %sub3A_610 = arith.constant 5.120000e+02 : f32
    %sub3A_611 = vector.broadcast %sub3A_610 : f32 to vector<512x1xf32>
    %sub3A_612 = arith.subf %sub3A_611, %broadcast_in_dim3A_609 : vector<512x1xf32>
    %add3A_613 = arith.addf %add3A_512, %sub3A_612 : vector<512x1xf32>
    %get3A_614 = arith.constant 0 : index
    %get3A_615 = arith.constant 0 : index
    %get3A_616 = arith.constant 2048 : index
    %get3A_617 = vector.load %arg1[%get3A_614, %get3A_615, %get3A_616] : memref<1x1x3072xf32, #tpu.memory_space<vmem>>, vector<1x1x512xf32>
    %get3A_618 = vector.shape_cast %get3A_617 : vector<1x1x512xf32> to vector<1x512xf32>
    %iota3A_619 = tpu.iota {dimensions = array<i32: 1>} : vector<1x512xi32>
    %add3A_620 = arith.constant 2048 : i32
    %add3A_621 = vector.broadcast %add3A_620 : i32 to vector<1x512xi32>
    %add3A_622 = arith.addi %iota3A_619, %add3A_621 : vector<1x512xi32>
    %get3A_623 = arith.constant 0 : index
    %get3A_624 = arith.constant 2048 : index
    %get3A_625 = arith.constant 0 : index
    %get3A_626 = vector.load %arg2[%get3A_623, %get3A_624, %get3A_625] : memref<1x3072x1xf32, #tpu.memory_space<vmem>>, vector<1x512x1xf32>
    %get3A_627 = vector.shape_cast %get3A_626 : vector<1x512x1xf32> to vector<512x1xf32>
    %iota3A_628 = tpu.iota {dimensions = array<i32: 0>} : vector<512x1xi32>
    %add3A_629 = arith.constant 2048 : i32
    %add3A_630 = vector.broadcast %add3A_629 : i32 to vector<512x1xi32>
    %add3A_631 = arith.addi %iota3A_628, %add3A_630 : vector<512x1xi32>
    %gt3A_632 = vector.broadcast %get3A_627 : vector<512x1xf32> to vector<512x512xf32>
    %gt3A_633 = vector.broadcast %get3A_618 : vector<1x512xf32> to vector<512x512xf32>
    %gt3A_634 = arith.cmpf ogt, %gt3A_632, %gt3A_633 : vector<512x512xf32>
    %eq3A_635 = vector.broadcast %get3A_627 : vector<512x1xf32> to vector<512x512xf32>
    %eq3A_636 = vector.broadcast %get3A_618 : vector<1x512xf32> to vector<512x512xf32>
    %eq3A_637 = arith.cmpf oeq, %eq3A_635, %eq3A_636 : vector<512x512xf32>
    %lt3A_638 = vector.broadcast %add3A_631 : vector<512x1xi32> to vector<512x512xi32>
    %lt3A_639 = vector.broadcast %add3A_622 : vector<1x512xi32> to vector<512x512xi32>
    %lt3A_640 = arith.cmpi slt, %lt3A_638, %lt3A_639 : vector<512x512xi32>
    %and3A_641 = arith.andi %eq3A_637, %lt3A_640 : vector<512x512xi1>
    %or3A_642 = arith.ori %gt3A_634, %and3A_641 : vector<512x512xi1>
    %convert_element_type3A_643 = arith.extui %or3A_642 : vector<512x512xi1> to vector<512x512xi32>
    %convert_element_type3A_644 = arith.sitofp %convert_element_type3A_643 : vector<512x512xi32> to vector<512x512xf32>
    %reduce_sum3A_645 = arith.constant dense<0.000000e+00> : vector<512xf32>
    %reduce_sum3A_646 = vector.multi_reduction <add>, %convert_element_type3A_644, %reduce_sum3A_645 [0] : vector<512x512xf32> to vector<512xf32>
    %broadcast_in_dim3A_647 = vector.shape_cast %reduce_sum3A_646 : vector<512xf32> to vector<1x512xf32>
    %add3A_648 = arith.addf %broadcast_in_dim3A_8, %broadcast_in_dim3A_647 : vector<1x512xf32>
    %get3A_649 = arith.constant 0 : index
    %get3A_650 = arith.constant 2560 : index
    %get3A_651 = arith.constant 0 : index
    %get3A_652 = vector.load %arg2[%get3A_649, %get3A_650, %get3A_651] : memref<1x3072x1xf32, #tpu.memory_space<vmem>>, vector<1x512x1xf32>
    %get3A_653 = vector.shape_cast %get3A_652 : vector<1x512x1xf32> to vector<512x1xf32>
    %iota3A_654 = tpu.iota {dimensions = array<i32: 0>} : vector<512x1xi32>
    %add3A_655 = arith.constant 2560 : i32
    %add3A_656 = vector.broadcast %add3A_655 : i32 to vector<512x1xi32>
    %add3A_657 = arith.addi %iota3A_654, %add3A_656 : vector<512x1xi32>
    %gt3A_658 = vector.broadcast %get3A_653 : vector<512x1xf32> to vector<512x512xf32>
    %gt3A_659 = vector.broadcast %get3A_618 : vector<1x512xf32> to vector<512x512xf32>
    %gt3A_660 = arith.cmpf ogt, %gt3A_658, %gt3A_659 : vector<512x512xf32>
    %eq3A_661 = vector.broadcast %get3A_653 : vector<512x1xf32> to vector<512x512xf32>
    %eq3A_662 = vector.broadcast %get3A_618 : vector<1x512xf32> to vector<512x512xf32>
    %eq3A_663 = arith.cmpf oeq, %eq3A_661, %eq3A_662 : vector<512x512xf32>
    %lt3A_664 = vector.broadcast %add3A_657 : vector<512x1xi32> to vector<512x512xi32>
    %lt3A_665 = vector.broadcast %add3A_622 : vector<1x512xi32> to vector<512x512xi32>
    %lt3A_666 = arith.cmpi slt, %lt3A_664, %lt3A_665 : vector<512x512xi32>
    %and3A_667 = arith.andi %eq3A_663, %lt3A_666 : vector<512x512xi1>
    %or3A_668 = arith.ori %gt3A_660, %and3A_667 : vector<512x512xi1>
    %convert_element_type3A_669 = arith.extui %or3A_668 : vector<512x512xi1> to vector<512x512xi32>
    %convert_element_type3A_670 = arith.sitofp %convert_element_type3A_669 : vector<512x512xi32> to vector<512x512xf32>
    %reduce_sum3A_671 = arith.constant dense<0.000000e+00> : vector<512xf32>
    %reduce_sum3A_672 = vector.multi_reduction <add>, %convert_element_type3A_670, %reduce_sum3A_671 [0] : vector<512x512xf32> to vector<512xf32>
    %broadcast_in_dim3A_673 = vector.shape_cast %reduce_sum3A_672 : vector<512xf32> to vector<1x512xf32>
    %add3A_674 = arith.addf %add3A_648, %broadcast_in_dim3A_673 : vector<1x512xf32>
    %reduce_sum3A_675 = arith.constant dense<0.000000e+00> : vector<512xf32>
    %reduce_sum3A_676 = vector.multi_reduction <add>, %convert_element_type3A_670, %reduce_sum3A_675 [1] : vector<512x512xf32> to vector<512xf32>
    %broadcast_in_dim3A_677 = vector.shape_cast %reduce_sum3A_676 : vector<512xf32> to vector<512x1xf32>
    %sub3A_678 = arith.constant 5.120000e+02 : f32
    %sub3A_679 = vector.broadcast %sub3A_678 : f32 to vector<512x1xf32>
    %sub3A_680 = arith.subf %sub3A_679, %broadcast_in_dim3A_677 : vector<512x1xf32>
    %add3A_681 = arith.addf %add3A_613, %sub3A_680 : vector<512x1xf32>
    %get3A_682 = arith.constant 0 : index
    %get3A_683 = arith.constant 0 : index
    %get3A_684 = arith.constant 2560 : index
    %get3A_685 = vector.load %arg1[%get3A_682, %get3A_683, %get3A_684] : memref<1x1x3072xf32, #tpu.memory_space<vmem>>, vector<1x1x512xf32>
    %get3A_686 = vector.shape_cast %get3A_685 : vector<1x1x512xf32> to vector<1x512xf32>
    %iota3A_687 = tpu.iota {dimensions = array<i32: 1>} : vector<1x512xi32>
    %add3A_688 = arith.constant 2560 : i32
    %add3A_689 = vector.broadcast %add3A_688 : i32 to vector<1x512xi32>
    %add3A_690 = arith.addi %iota3A_687, %add3A_689 : vector<1x512xi32>
    %get3A_691 = arith.constant 0 : index
    %get3A_692 = arith.constant 2560 : index
    %get3A_693 = arith.constant 0 : index
    %get3A_694 = vector.load %arg2[%get3A_691, %get3A_692, %get3A_693] : memref<1x3072x1xf32, #tpu.memory_space<vmem>>, vector<1x512x1xf32>
    %get3A_695 = vector.shape_cast %get3A_694 : vector<1x512x1xf32> to vector<512x1xf32>
    %iota3A_696 = tpu.iota {dimensions = array<i32: 0>} : vector<512x1xi32>
    %add3A_697 = arith.constant 2560 : i32
    %add3A_698 = vector.broadcast %add3A_697 : i32 to vector<512x1xi32>
    %add3A_699 = arith.addi %iota3A_696, %add3A_698 : vector<512x1xi32>
    %gt3A_700 = vector.broadcast %get3A_695 : vector<512x1xf32> to vector<512x512xf32>
    %gt3A_701 = vector.broadcast %get3A_686 : vector<1x512xf32> to vector<512x512xf32>
    %gt3A_702 = arith.cmpf ogt, %gt3A_700, %gt3A_701 : vector<512x512xf32>
    %eq3A_703 = vector.broadcast %get3A_695 : vector<512x1xf32> to vector<512x512xf32>
    %eq3A_704 = vector.broadcast %get3A_686 : vector<1x512xf32> to vector<512x512xf32>
    %eq3A_705 = arith.cmpf oeq, %eq3A_703, %eq3A_704 : vector<512x512xf32>
    %lt3A_706 = vector.broadcast %add3A_699 : vector<512x1xi32> to vector<512x512xi32>
    %lt3A_707 = vector.broadcast %add3A_690 : vector<1x512xi32> to vector<512x512xi32>
    %lt3A_708 = arith.cmpi slt, %lt3A_706, %lt3A_707 : vector<512x512xi32>
    %and3A_709 = arith.andi %eq3A_705, %lt3A_708 : vector<512x512xi1>
    %or3A_710 = arith.ori %gt3A_702, %and3A_709 : vector<512x512xi1>
    %convert_element_type3A_711 = arith.extui %or3A_710 : vector<512x512xi1> to vector<512x512xi32>
    %convert_element_type3A_712 = arith.sitofp %convert_element_type3A_711 : vector<512x512xi32> to vector<512x512xf32>
    %reduce_sum3A_713 = arith.constant dense<0.000000e+00> : vector<512xf32>
    %reduce_sum3A_714 = vector.multi_reduction <add>, %convert_element_type3A_712, %reduce_sum3A_713 [0] : vector<512x512xf32> to vector<512xf32>
    %broadcast_in_dim3A_715 = vector.shape_cast %reduce_sum3A_714 : vector<512xf32> to vector<1x512xf32>
    %add3A_716 = arith.addf %broadcast_in_dim3A_10, %broadcast_in_dim3A_715 : vector<1x512xf32>
    %reshape3A = vector.shape_cast %broadcast_in_dim3A_12 : vector<512x1xf32> to vector<1x512xf32>
    %add3A_717 = arith.addf %add3A_204, %reshape3A : vector<1x512xf32>
    %reshape3A_718 = vector.shape_cast %add3A_79 : vector<512x1xf32> to vector<1x512xf32>
    %add3A_719 = arith.addf %add3A_371, %reshape3A_718 : vector<1x512xf32>
    %reshape3A_720 = vector.shape_cast %add3A_279 : vector<512x1xf32> to vector<1x512xf32>
    %add3A_721 = arith.addf %add3A_505, %reshape3A_720 : vector<1x512xf32>
    %reshape3A_722 = vector.shape_cast %add3A_446 : vector<512x1xf32> to vector<1x512xf32>
    %add3A_723 = arith.addf %add3A_606, %reshape3A_722 : vector<1x512xf32>
    %reshape3A_724 = vector.shape_cast %add3A_580 : vector<512x1xf32> to vector<1x512xf32>
    %add3A_725 = arith.addf %add3A_674, %reshape3A_724 : vector<1x512xf32>
    %reshape3A_726 = vector.shape_cast %add3A_681 : vector<512x1xf32> to vector<1x512xf32>
    %add3A_727 = arith.addf %add3A_716, %reshape3A_726 : vector<1x512xf32>
    %iota3A_728 = tpu.iota {dimensions = array<i32: 0>} : vector<1024x1xi32>
    %convert_element_type3A_729 = arith.sitofp %iota3A_728 : vector<1024x1xi32> to vector<1024x1xf32>
    %broadcast_in_dim3A_730 = arith.constant 0.000000e+00 : f32
    %broadcast_in_dim3A_731 = vector.broadcast %broadcast_in_dim3A_730 : f32 to vector<1024x1xf32>
    %broadcast_in_dim3A_732 = arith.constant 0.000000e+00 : f32
    %broadcast_in_dim3A_733 = vector.broadcast %broadcast_in_dim3A_732 : f32 to vector<1024x1xf32>
    %eq3A_734 = vector.broadcast %add3A_717 : vector<1x512xf32> to vector<1024x512xf32>
    %eq3A_735 = vector.broadcast %convert_element_type3A_729 : vector<1024x1xf32> to vector<1024x512xf32>
    %eq3A_736 = arith.cmpf oeq, %eq3A_734, %eq3A_735 : vector<1024x512xf32>
    %convert_element_type3A_737 = arith.extui %eq3A_736 : vector<1024x512xi1> to vector<1024x512xi32>
    %convert_element_type3A_738 = arith.sitofp %convert_element_type3A_737 : vector<1024x512xi32> to vector<1024x512xf32>
    %get3A_739 = arith.constant 0 : index
    %get3A_740 = arith.constant 0 : index
    %get3A_741 = arith.constant 0 : index
    %get3A_742 = vector.load %arg3[%get3A_739, %get3A_740, %get3A_741] : memref<1x2x3072xf32, #tpu.memory_space<vmem>>, vector<1x1x512xf32>
    %get3A_743 = vector.shape_cast %get3A_742 : vector<1x1x512xf32> to vector<1x512xf32>
    %get3A_744 = arith.constant 0 : index
    %get3A_745 = arith.constant 1 : index
    %get3A_746 = arith.constant 0 : index
    %get3A_747 = vector.load %arg3[%get3A_744, %get3A_745, %get3A_746] : memref<1x2x3072xf32, #tpu.memory_space<vmem>>, vector<1x1x512xf32>
    %get3A_748 = vector.shape_cast %get3A_747 : vector<1x1x512xf32> to vector<1x512xf32>
    %mul3A = vector.broadcast %get3A_743 : vector<1x512xf32> to vector<1024x512xf32>
    %mul3A_749 = arith.mulf %convert_element_type3A_738, %mul3A : vector<1024x512xf32>
    %reduce_sum3A_750 = arith.constant dense<0.000000e+00> : vector<1024xf32>
    %reduce_sum3A_751 = vector.multi_reduction <add>, %mul3A_749, %reduce_sum3A_750 [1] : vector<1024x512xf32> to vector<1024xf32>
    %broadcast_in_dim3A_752 = vector.shape_cast %reduce_sum3A_751 : vector<1024xf32> to vector<1024x1xf32>
    %add3A_753 = arith.addf %broadcast_in_dim3A_731, %broadcast_in_dim3A_752 : vector<1024x1xf32>
    %mul3A_754 = vector.broadcast %get3A_748 : vector<1x512xf32> to vector<1024x512xf32>
    %mul3A_755 = arith.mulf %convert_element_type3A_738, %mul3A_754 : vector<1024x512xf32>
    %reduce_sum3A_756 = arith.constant dense<0.000000e+00> : vector<1024xf32>
    %reduce_sum3A_757 = vector.multi_reduction <add>, %mul3A_755, %reduce_sum3A_756 [1] : vector<1024x512xf32> to vector<1024xf32>
    %broadcast_in_dim3A_758 = vector.shape_cast %reduce_sum3A_757 : vector<1024xf32> to vector<1024x1xf32>
    %add3A_759 = arith.addf %broadcast_in_dim3A_733, %broadcast_in_dim3A_758 : vector<1024x1xf32>
    %eq3A_760 = vector.broadcast %add3A_719 : vector<1x512xf32> to vector<1024x512xf32>
    %eq3A_761 = vector.broadcast %convert_element_type3A_729 : vector<1024x1xf32> to vector<1024x512xf32>
    %eq3A_762 = arith.cmpf oeq, %eq3A_760, %eq3A_761 : vector<1024x512xf32>
    %convert_element_type3A_763 = arith.extui %eq3A_762 : vector<1024x512xi1> to vector<1024x512xi32>
    %convert_element_type3A_764 = arith.sitofp %convert_element_type3A_763 : vector<1024x512xi32> to vector<1024x512xf32>
    %get3A_765 = arith.constant 0 : index
    %get3A_766 = arith.constant 0 : index
    %get3A_767 = arith.constant 512 : index
    %get3A_768 = vector.load %arg3[%get3A_765, %get3A_766, %get3A_767] : memref<1x2x3072xf32, #tpu.memory_space<vmem>>, vector<1x1x512xf32>
    %get3A_769 = vector.shape_cast %get3A_768 : vector<1x1x512xf32> to vector<1x512xf32>
    %get3A_770 = arith.constant 0 : index
    %get3A_771 = arith.constant 1 : index
    %get3A_772 = arith.constant 512 : index
    %get3A_773 = vector.load %arg3[%get3A_770, %get3A_771, %get3A_772] : memref<1x2x3072xf32, #tpu.memory_space<vmem>>, vector<1x1x512xf32>
    %get3A_774 = vector.shape_cast %get3A_773 : vector<1x1x512xf32> to vector<1x512xf32>
    %mul3A_775 = vector.broadcast %get3A_769 : vector<1x512xf32> to vector<1024x512xf32>
    %mul3A_776 = arith.mulf %convert_element_type3A_764, %mul3A_775 : vector<1024x512xf32>
    %reduce_sum3A_777 = arith.constant dense<0.000000e+00> : vector<1024xf32>
    %reduce_sum3A_778 = vector.multi_reduction <add>, %mul3A_776, %reduce_sum3A_777 [1] : vector<1024x512xf32> to vector<1024xf32>
    %broadcast_in_dim3A_779 = vector.shape_cast %reduce_sum3A_778 : vector<1024xf32> to vector<1024x1xf32>
    %add3A_780 = arith.addf %add3A_753, %broadcast_in_dim3A_779 : vector<1024x1xf32>
    %mul3A_781 = vector.broadcast %get3A_774 : vector<1x512xf32> to vector<1024x512xf32>
    %mul3A_782 = arith.mulf %convert_element_type3A_764, %mul3A_781 : vector<1024x512xf32>
    %reduce_sum3A_783 = arith.constant dense<0.000000e+00> : vector<1024xf32>
    %reduce_sum3A_784 = vector.multi_reduction <add>, %mul3A_782, %reduce_sum3A_783 [1] : vector<1024x512xf32> to vector<1024xf32>
    %broadcast_in_dim3A_785 = vector.shape_cast %reduce_sum3A_784 : vector<1024xf32> to vector<1024x1xf32>
    %add3A_786 = arith.addf %add3A_759, %broadcast_in_dim3A_785 : vector<1024x1xf32>
    %eq3A_787 = vector.broadcast %add3A_721 : vector<1x512xf32> to vector<1024x512xf32>
    %eq3A_788 = vector.broadcast %convert_element_type3A_729 : vector<1024x1xf32> to vector<1024x512xf32>
    %eq3A_789 = arith.cmpf oeq, %eq3A_787, %eq3A_788 : vector<1024x512xf32>
    %convert_element_type3A_790 = arith.extui %eq3A_789 : vector<1024x512xi1> to vector<1024x512xi32>
    %convert_element_type3A_791 = arith.sitofp %convert_element_type3A_790 : vector<1024x512xi32> to vector<1024x512xf32>
    %get3A_792 = arith.constant 0 : index
    %get3A_793 = arith.constant 0 : index
    %get3A_794 = arith.constant 1024 : index
    %get3A_795 = vector.load %arg3[%get3A_792, %get3A_793, %get3A_794] : memref<1x2x3072xf32, #tpu.memory_space<vmem>>, vector<1x1x512xf32>
    %get3A_796 = vector.shape_cast %get3A_795 : vector<1x1x512xf32> to vector<1x512xf32>
    %get3A_797 = arith.constant 0 : index
    %get3A_798 = arith.constant 1 : index
    %get3A_799 = arith.constant 1024 : index
    %get3A_800 = vector.load %arg3[%get3A_797, %get3A_798, %get3A_799] : memref<1x2x3072xf32, #tpu.memory_space<vmem>>, vector<1x1x512xf32>
    %get3A_801 = vector.shape_cast %get3A_800 : vector<1x1x512xf32> to vector<1x512xf32>
    %mul3A_802 = vector.broadcast %get3A_796 : vector<1x512xf32> to vector<1024x512xf32>
    %mul3A_803 = arith.mulf %convert_element_type3A_791, %mul3A_802 : vector<1024x512xf32>
    %reduce_sum3A_804 = arith.constant dense<0.000000e+00> : vector<1024xf32>
    %reduce_sum3A_805 = vector.multi_reduction <add>, %mul3A_803, %reduce_sum3A_804 [1] : vector<1024x512xf32> to vector<1024xf32>
    %broadcast_in_dim3A_806 = vector.shape_cast %reduce_sum3A_805 : vector<1024xf32> to vector<1024x1xf32>
    %add3A_807 = arith.addf %add3A_780, %broadcast_in_dim3A_806 : vector<1024x1xf32>
    %mul3A_808 = vector.broadcast %get3A_801 : vector<1x512xf32> to vector<1024x512xf32>
    %mul3A_809 = arith.mulf %convert_element_type3A_791, %mul3A_808 : vector<1024x512xf32>
    %reduce_sum3A_810 = arith.constant dense<0.000000e+00> : vector<1024xf32>
    %reduce_sum3A_811 = vector.multi_reduction <add>, %mul3A_809, %reduce_sum3A_810 [1] : vector<1024x512xf32> to vector<1024xf32>
    %broadcast_in_dim3A_812 = vector.shape_cast %reduce_sum3A_811 : vector<1024xf32> to vector<1024x1xf32>
    %add3A_813 = arith.addf %add3A_786, %broadcast_in_dim3A_812 : vector<1024x1xf32>
    %eq3A_814 = vector.broadcast %add3A_723 : vector<1x512xf32> to vector<1024x512xf32>
    %eq3A_815 = vector.broadcast %convert_element_type3A_729 : vector<1024x1xf32> to vector<1024x512xf32>
    %eq3A_816 = arith.cmpf oeq, %eq3A_814, %eq3A_815 : vector<1024x512xf32>
    %convert_element_type3A_817 = arith.extui %eq3A_816 : vector<1024x512xi1> to vector<1024x512xi32>
    %convert_element_type3A_818 = arith.sitofp %convert_element_type3A_817 : vector<1024x512xi32> to vector<1024x512xf32>
    %get3A_819 = arith.constant 0 : index
    %get3A_820 = arith.constant 0 : index
    %get3A_821 = arith.constant 1536 : index
    %get3A_822 = vector.load %arg3[%get3A_819, %get3A_820, %get3A_821] : memref<1x2x3072xf32, #tpu.memory_space<vmem>>, vector<1x1x512xf32>
    %get3A_823 = vector.shape_cast %get3A_822 : vector<1x1x512xf32> to vector<1x512xf32>
    %get3A_824 = arith.constant 0 : index
    %get3A_825 = arith.constant 1 : index
    %get3A_826 = arith.constant 1536 : index
    %get3A_827 = vector.load %arg3[%get3A_824, %get3A_825, %get3A_826] : memref<1x2x3072xf32, #tpu.memory_space<vmem>>, vector<1x1x512xf32>
    %get3A_828 = vector.shape_cast %get3A_827 : vector<1x1x512xf32> to vector<1x512xf32>
    %mul3A_829 = vector.broadcast %get3A_823 : vector<1x512xf32> to vector<1024x512xf32>
    %mul3A_830 = arith.mulf %convert_element_type3A_818, %mul3A_829 : vector<1024x512xf32>
    %reduce_sum3A_831 = arith.constant dense<0.000000e+00> : vector<1024xf32>
    %reduce_sum3A_832 = vector.multi_reduction <add>, %mul3A_830, %reduce_sum3A_831 [1] : vector<1024x512xf32> to vector<1024xf32>
    %broadcast_in_dim3A_833 = vector.shape_cast %reduce_sum3A_832 : vector<1024xf32> to vector<1024x1xf32>
    %add3A_834 = arith.addf %add3A_807, %broadcast_in_dim3A_833 : vector<1024x1xf32>
    %mul3A_835 = vector.broadcast %get3A_828 : vector<1x512xf32> to vector<1024x512xf32>
    %mul3A_836 = arith.mulf %convert_element_type3A_818, %mul3A_835 : vector<1024x512xf32>
    %reduce_sum3A_837 = arith.constant dense<0.000000e+00> : vector<1024xf32>
    %reduce_sum3A_838 = vector.multi_reduction <add>, %mul3A_836, %reduce_sum3A_837 [1] : vector<1024x512xf32> to vector<1024xf32>
    %broadcast_in_dim3A_839 = vector.shape_cast %reduce_sum3A_838 : vector<1024xf32> to vector<1024x1xf32>
    %add3A_840 = arith.addf %add3A_813, %broadcast_in_dim3A_839 : vector<1024x1xf32>
    %eq3A_841 = vector.broadcast %add3A_725 : vector<1x512xf32> to vector<1024x512xf32>
    %eq3A_842 = vector.broadcast %convert_element_type3A_729 : vector<1024x1xf32> to vector<1024x512xf32>
    %eq3A_843 = arith.cmpf oeq, %eq3A_841, %eq3A_842 : vector<1024x512xf32>
    %convert_element_type3A_844 = arith.extui %eq3A_843 : vector<1024x512xi1> to vector<1024x512xi32>
    %convert_element_type3A_845 = arith.sitofp %convert_element_type3A_844 : vector<1024x512xi32> to vector<1024x512xf32>
    %get3A_846 = arith.constant 0 : index
    %get3A_847 = arith.constant 0 : index
    %get3A_848 = arith.constant 2048 : index
    %get3A_849 = vector.load %arg3[%get3A_846, %get3A_847, %get3A_848] : memref<1x2x3072xf32, #tpu.memory_space<vmem>>, vector<1x1x512xf32>
    %get3A_850 = vector.shape_cast %get3A_849 : vector<1x1x512xf32> to vector<1x512xf32>
    %get3A_851 = arith.constant 0 : index
    %get3A_852 = arith.constant 1 : index
    %get3A_853 = arith.constant 2048 : index
    %get3A_854 = vector.load %arg3[%get3A_851, %get3A_852, %get3A_853] : memref<1x2x3072xf32, #tpu.memory_space<vmem>>, vector<1x1x512xf32>
    %get3A_855 = vector.shape_cast %get3A_854 : vector<1x1x512xf32> to vector<1x512xf32>
    %mul3A_856 = vector.broadcast %get3A_850 : vector<1x512xf32> to vector<1024x512xf32>
    %mul3A_857 = arith.mulf %convert_element_type3A_845, %mul3A_856 : vector<1024x512xf32>
    %reduce_sum3A_858 = arith.constant dense<0.000000e+00> : vector<1024xf32>
    %reduce_sum3A_859 = vector.multi_reduction <add>, %mul3A_857, %reduce_sum3A_858 [1] : vector<1024x512xf32> to vector<1024xf32>
    %broadcast_in_dim3A_860 = vector.shape_cast %reduce_sum3A_859 : vector<1024xf32> to vector<1024x1xf32>
    %add3A_861 = arith.addf %add3A_834, %broadcast_in_dim3A_860 : vector<1024x1xf32>
    %mul3A_862 = vector.broadcast %get3A_855 : vector<1x512xf32> to vector<1024x512xf32>
    %mul3A_863 = arith.mulf %convert_element_type3A_845, %mul3A_862 : vector<1024x512xf32>
    %reduce_sum3A_864 = arith.constant dense<0.000000e+00> : vector<1024xf32>
    %reduce_sum3A_865 = vector.multi_reduction <add>, %mul3A_863, %reduce_sum3A_864 [1] : vector<1024x512xf32> to vector<1024xf32>
    %broadcast_in_dim3A_866 = vector.shape_cast %reduce_sum3A_865 : vector<1024xf32> to vector<1024x1xf32>
    %add3A_867 = arith.addf %add3A_840, %broadcast_in_dim3A_866 : vector<1024x1xf32>
    %eq3A_868 = vector.broadcast %add3A_727 : vector<1x512xf32> to vector<1024x512xf32>
    %eq3A_869 = vector.broadcast %convert_element_type3A_729 : vector<1024x1xf32> to vector<1024x512xf32>
    %eq3A_870 = arith.cmpf oeq, %eq3A_868, %eq3A_869 : vector<1024x512xf32>
    %convert_element_type3A_871 = arith.extui %eq3A_870 : vector<1024x512xi1> to vector<1024x512xi32>
    %convert_element_type3A_872 = arith.sitofp %convert_element_type3A_871 : vector<1024x512xi32> to vector<1024x512xf32>
    %get3A_873 = arith.constant 0 : index
    %get3A_874 = arith.constant 0 : index
    %get3A_875 = arith.constant 2560 : index
    %get3A_876 = vector.load %arg3[%get3A_873, %get3A_874, %get3A_875] : memref<1x2x3072xf32, #tpu.memory_space<vmem>>, vector<1x1x512xf32>
    %get3A_877 = vector.shape_cast %get3A_876 : vector<1x1x512xf32> to vector<1x512xf32>
    %get3A_878 = arith.constant 0 : index
    %get3A_879 = arith.constant 1 : index
    %get3A_880 = arith.constant 2560 : index
    %get3A_881 = vector.load %arg3[%get3A_878, %get3A_879, %get3A_880] : memref<1x2x3072xf32, #tpu.memory_space<vmem>>, vector<1x1x512xf32>
    %get3A_882 = vector.shape_cast %get3A_881 : vector<1x1x512xf32> to vector<1x512xf32>
    %mul3A_883 = vector.broadcast %get3A_877 : vector<1x512xf32> to vector<1024x512xf32>
    %mul3A_884 = arith.mulf %convert_element_type3A_872, %mul3A_883 : vector<1024x512xf32>
    %reduce_sum3A_885 = arith.constant dense<0.000000e+00> : vector<1024xf32>
    %reduce_sum3A_886 = vector.multi_reduction <add>, %mul3A_884, %reduce_sum3A_885 [1] : vector<1024x512xf32> to vector<1024xf32>
    %broadcast_in_dim3A_887 = vector.shape_cast %reduce_sum3A_886 : vector<1024xf32> to vector<1024x1xf32>
    %add3A_888 = arith.addf %add3A_861, %broadcast_in_dim3A_887 : vector<1024x1xf32>
    %mul3A_889 = vector.broadcast %get3A_882 : vector<1x512xf32> to vector<1024x512xf32>
    %mul3A_890 = arith.mulf %convert_element_type3A_872, %mul3A_889 : vector<1024x512xf32>
    %reduce_sum3A_891 = arith.constant dense<0.000000e+00> : vector<1024xf32>
    %reduce_sum3A_892 = vector.multi_reduction <add>, %mul3A_890, %reduce_sum3A_891 [1] : vector<1024x512xf32> to vector<1024xf32>
    %broadcast_in_dim3A_893 = vector.shape_cast %reduce_sum3A_892 : vector<1024xf32> to vector<1024x1xf32>
    %add3A_894 = arith.addf %add3A_867, %broadcast_in_dim3A_893 : vector<1024x1xf32>
    %swap3A = arith.constant 0 : index
    %swap3A_895 = arith.constant 0 : index
    %swap3A_896 = arith.constant 0 : index
    %swap3A_897 = vector.load %arg4[%swap3A, %swap3A_895, %swap3A_896] : memref<1x1024x2xf32, #tpu.memory_space<vmem>>, vector<1x1024x1xf32>
    %swap3A_898 = vector.shape_cast %swap3A_897 : vector<1x1024x1xf32> to vector<1024x1xf32>
    %swap3A_899 = vector.shape_cast %add3A_888 : vector<1024x1xf32> to vector<1x1024x1xf32>
    tpu.vector_store %arg4[%swap3A, %swap3A_895, %swap3A_896], %swap3A_899 {strides = array<i32>} : memref<1x1024x2xf32, #tpu.memory_space<vmem>>, vector<1x1024x1xf32>,
    %swap3A_900 = arith.constant 0 : index
    %swap3A_901 = arith.constant 0 : index
    %swap3A_902 = arith.constant 1 : index
    %swap3A_903 = vector.load %arg4[%swap3A_900, %swap3A_901, %swap3A_902] : memref<1x1024x2xf32, #tpu.memory_space<vmem>>, vector<1x1024x1xf32>
    %swap3A_904 = vector.shape_cast %swap3A_903 : vector<1x1024x1xf32> to vector<1024x1xf32>
    %swap3A_905 = vector.shape_cast %add3A_894 : vector<1024x1xf32> to vector<1x1024x1xf32>
    tpu.vector_store %arg4[%swap3A_900, %swap3A_901, %swap3A_902], %swap3A_905 {strides = array<i32>} : memref<1x1024x2xf32, #tpu.memory_space<vmem>>, vector<1x1024x1xf32>,
    %add3A_906 = arith.constant 1.000000e+00 : f32
    %add3A_907 = vector.broadcast %add3A_906 : f32 to vector<1024x1xf32>
    %add3A_908 = arith.addf %add3A_888, %add3A_907 : vector<1024x1xf32>
    %mul3A_909 = arith.constant 5.000000e-01 : f32
    %mul3A_910 = vector.broadcast %mul3A_909 : f32 to vector<1024x1xf32>
    %mul3A_911 = arith.mulf %add3A_908, %mul3A_910 : vector<1024x1xf32>
    %mul3A_912 = arith.constant 6.400000e+01 : f32
    %mul3A_913 = vector.broadcast %mul3A_912 : f32 to vector<1024x1xf32>
    %mul3A_914 = arith.mulf %mul3A_911, %mul3A_913 : vector<1024x1xf32>
    %sub3A_915 = arith.constant 5.000000e-01 : f32
    %sub3A_916 = vector.broadcast %sub3A_915 : f32 to vector<1024x1xf32>
    %sub3A_917 = arith.subf %mul3A_914, %sub3A_916 : vector<1024x1xf32>
    %add3A_918 = arith.constant 1.000000e+00 : f32
    %add3A_919 = vector.broadcast %add3A_918 : f32 to vector<1024x1xf32>
    %add3A_920 = arith.addf %add3A_894, %add3A_919 : vector<1024x1xf32>
    %mul3A_921 = arith.constant 5.000000e-01 : f32
    %mul3A_922 = vector.broadcast %mul3A_921 : f32 to vector<1024x1xf32>
    %mul3A_923 = arith.mulf %add3A_920, %mul3A_922 : vector<1024x1xf32>
    %mul3A_924 = arith.constant 6.400000e+01 : f32
    %mul3A_925 = vector.broadcast %mul3A_924 : f32 to vector<1024x1xf32>
    %mul3A_926 = arith.mulf %mul3A_923, %mul3A_925 : vector<1024x1xf32>
    %sub3A_927 = arith.constant 5.000000e-01 : f32
    %sub3A_928 = vector.broadcast %sub3A_927 : f32 to vector<1024x1xf32>
    %sub3A_929 = arith.subf %mul3A_926, %sub3A_928 : vector<1024x1xf32>
    %floor3A = math.floor %sub3A_917 : vector<1024x1xf32>
    %floor3A_930 = math.floor %sub3A_929 : vector<1024x1xf32>
    %sub3A_931 = arith.subf %sub3A_917, %floor3A : vector<1024x1xf32>
    %sub3A_932 = arith.constant 1.000000e+00 : f32
    %sub3A_933 = vector.broadcast %sub3A_932 : f32 to vector<1024x1xf32>
    %sub3A_934 = arith.subf %sub3A_933, %sub3A_931 : vector<1024x1xf32>
    %sub3A_935 = arith.subf %sub3A_929, %floor3A_930 : vector<1024x1xf32>
    %sub3A_936 = arith.constant 1.000000e+00 : f32
    %sub3A_937 = vector.broadcast %sub3A_936 : f32 to vector<1024x1xf32>
    %sub3A_938 = arith.subf %sub3A_937, %sub3A_935 : vector<1024x1xf32>
    %mul3A_939 = arith.mulf %sub3A_934, %sub3A_938 : vector<1024x1xf32>
    %add3A_940 = arith.constant 1.000000e+00 : f32
    %add3A_941 = vector.broadcast %add3A_940 : f32 to vector<1024x1xf32>
    %add3A_942 = arith.addf %floor3A, %add3A_941 : vector<1024x1xf32>
    %mul3A_943 = arith.mulf %sub3A_931, %sub3A_938 : vector<1024x1xf32>
    %add3A_944 = arith.constant 1.000000e+00 : f32
    %add3A_945 = vector.broadcast %add3A_944 : f32 to vector<1024x1xf32>
    %add3A_946 = arith.addf %floor3A_930, %add3A_945 : vector<1024x1xf32>
    %mul3A_947 = arith.mulf %sub3A_934, %sub3A_935 : vector<1024x1xf32>
    %add3A_948 = arith.constant 1.000000e+00 : f32
    %add3A_949 = vector.broadcast %add3A_948 : f32 to vector<1024x1xf32>
    %add3A_950 = arith.addf %floor3A, %add3A_949 : vector<1024x1xf32>
    %add3A_951 = arith.constant 1.000000e+00 : f32
    %add3A_952 = vector.broadcast %add3A_951 : f32 to vector<1024x1xf32>
    %add3A_953 = arith.addf %floor3A_930, %add3A_952 : vector<1024x1xf32>
    %mul3A_954 = arith.mulf %sub3A_931, %sub3A_935 : vector<1024x1xf32>
    %ge3A = arith.constant 0.000000e+00 : f32
    %ge3A_955 = vector.broadcast %ge3A : f32 to vector<1024x1xf32>
    %ge3A_956 = arith.cmpf oge, %floor3A, %ge3A_955 : vector<1024x1xf32>
    %lt3A_957 = arith.constant 6.400000e+01 : f32
    %lt3A_958 = vector.broadcast %lt3A_957 : f32 to vector<1024x1xf32>
    %lt3A_959 = arith.cmpf olt, %floor3A, %lt3A_958 : vector<1024x1xf32>
    %and3A_960 = arith.andi %ge3A_956, %lt3A_959 : vector<1024x1xi1>
    %ge3A_961 = arith.constant 0.000000e+00 : f32
    %ge3A_962 = vector.broadcast %ge3A_961 : f32 to vector<1024x1xf32>
    %ge3A_963 = arith.cmpf oge, %floor3A_930, %ge3A_962 : vector<1024x1xf32>
    %and3A_964 = arith.andi %and3A_960, %ge3A_963 : vector<1024x1xi1>
    %lt3A_965 = arith.constant 6.400000e+01 : f32
    %lt3A_966 = vector.broadcast %lt3A_965 : f32 to vector<1024x1xf32>
    %lt3A_967 = arith.cmpf olt, %floor3A_930, %lt3A_966 : vector<1024x1xf32>
    %and3A_968 = arith.andi %and3A_964, %lt3A_967 : vector<1024x1xi1>
    %convert_element_type3A_969 = arith.extui %and3A_968 : vector<1024x1xi1> to vector<1024x1xi32>
    %convert_element_type3A_970 = arith.sitofp %convert_element_type3A_969 : vector<1024x1xi32> to vector<1024x1xf32>
    %mul3A_971 = arith.mulf %mul3A_939, %convert_element_type3A_970 : vector<1024x1xf32>
    %swap3A_972 = arith.constant 0 : index
    %swap3A_973 = arith.constant 0 : index
    %swap3A_974 = arith.constant 0 : index
    %swap3A_975 = vector.load %arg6[%swap3A_972, %swap3A_973, %swap3A_974] : memref<1x1024x4xf32, #tpu.memory_space<vmem>>, vector<1x1024x1xf32>
    %swap3A_976 = vector.shape_cast %swap3A_975 : vector<1x1024x1xf32> to vector<1024x1xf32>
    %swap3A_977 = vector.shape_cast %mul3A_971 : vector<1024x1xf32> to vector<1x1024x1xf32>
    tpu.vector_store %arg6[%swap3A_972, %swap3A_973, %swap3A_974], %swap3A_977 {strides = array<i32>} : memref<1x1024x4xf32, #tpu.memory_space<vmem>>, vector<1x1024x1xf32>,
    %jit3A = arith.constant 0 : i32
    %jit3A_978 = arith.constant 63 : i32
    %convert_element_type3A_979 = arith.sitofp %jit3A : i32 to f32
    %max3A = vector.broadcast %convert_element_type3A_979 : f32 to vector<1024x1xf32>
    %max3A_980 = arith.maximumf %max3A, %floor3A : vector<1024x1xf32>
    %convert_element_type3A_981 = arith.sitofp %jit3A_978 : i32 to f32
    %min3A = vector.broadcast %convert_element_type3A_981 : f32 to vector<1024x1xf32>
    %min3A_982 = arith.minimumf %min3A, %max3A_980 : vector<1024x1xf32>
    %convert_element_type3A_983 = arith.fptosi %min3A_982 : vector<1024x1xf32> to vector<1024x1xi32>
    %jit3A_984 = arith.constant 0 : i32
    %jit3A_985 = arith.constant 63 : i32
    %convert_element_type3A_986 = arith.sitofp %jit3A_984 : i32 to f32
    %max3A_987 = vector.broadcast %convert_element_type3A_986 : f32 to vector<1024x1xf32>
    %max3A_988 = arith.maximumf %max3A_987, %floor3A_930 : vector<1024x1xf32>
    %convert_element_type3A_989 = arith.sitofp %jit3A_985 : i32 to f32
    %min3A_990 = vector.broadcast %convert_element_type3A_989 : f32 to vector<1024x1xf32>
    %min3A_991 = arith.minimumf %min3A_990, %max3A_988 : vector<1024x1xf32>
    %convert_element_type3A_992 = arith.fptosi %min3A_991 : vector<1024x1xf32> to vector<1024x1xi32>
    %mul3A_993 = arith.constant 64 : i32
    %mul3A_994 = vector.broadcast %mul3A_993 : i32 to vector<1024x1xi32>
    %mul3A_995 = arith.muli %convert_element_type3A_992, %mul3A_994 : vector<1024x1xi32>
    %add3A_996 = arith.addi %mul3A_995, %convert_element_type3A_983 : vector<1024x1xi32>
    %reshape3A_997 = vector.shape_cast %add3A_996 : vector<1024x1xi32> to vector<1024xi32>
    %swap3A_998 = arith.constant 0 : index
    %swap3A_999 = arith.constant 0 : index
    %swap3A_1000 = arith.constant 0 : index
    %swap3A_1001 = vector.load %arg5[%swap3A_998, %swap3A_999, %swap3A_1000] : memref<1x4x1024xi32, #tpu.memory_space<vmem>>, vector<1x1x1024xi32>
    %swap3A_1002 = vector.shape_cast %swap3A_1001 : vector<1x1x1024xi32> to vector<1024xi32>
    %swap3A_1003 = vector.shape_cast %reshape3A_997 : vector<1024xi32> to vector<1x1x1024xi32>
    tpu.vector_store %arg5[%swap3A_998, %swap3A_999, %swap3A_1000], %swap3A_1003 {strides = array<i32>} : memref<1x4x1024xi32, #tpu.memory_space<vmem>>, vector<1x1x1024xi32>,
    %ge3A_1004 = arith.constant 0.000000e+00 : f32
    %ge3A_1005 = vector.broadcast %ge3A_1004 : f32 to vector<1024x1xf32>
    %ge3A_1006 = arith.cmpf oge, %add3A_942, %ge3A_1005 : vector<1024x1xf32>
    %lt3A_1007 = arith.constant 6.400000e+01 : f32
    %lt3A_1008 = vector.broadcast %lt3A_1007 : f32 to vector<1024x1xf32>
    %lt3A_1009 = arith.cmpf olt, %add3A_942, %lt3A_1008 : vector<1024x1xf32>
    %and3A_1010 = arith.andi %ge3A_1006, %lt3A_1009 : vector<1024x1xi1>
    %ge3A_1011 = arith.constant 0.000000e+00 : f32
    %ge3A_1012 = vector.broadcast %ge3A_1011 : f32 to vector<1024x1xf32>
    %ge3A_1013 = arith.cmpf oge, %floor3A_930, %ge3A_1012 : vector<1024x1xf32>
    %and3A_1014 = arith.andi %and3A_1010, %ge3A_1013 : vector<1024x1xi1>
    %lt3A_1015 = arith.constant 6.400000e+01 : f32
    %lt3A_1016 = vector.broadcast %lt3A_1015 : f32 to vector<1024x1xf32>
    %lt3A_1017 = arith.cmpf olt, %floor3A_930, %lt3A_1016 : vector<1024x1xf32>
    %and3A_1018 = arith.andi %and3A_1014, %lt3A_1017 : vector<1024x1xi1>
    %convert_element_type3A_1019 = arith.extui %and3A_1018 : vector<1024x1xi1> to vector<1024x1xi32>
    %convert_element_type3A_1020 = arith.sitofp %convert_element_type3A_1019 : vector<1024x1xi32> to vector<1024x1xf32>
    %mul3A_1021 = arith.mulf %mul3A_943, %convert_element_type3A_1020 : vector<1024x1xf32>
    %swap3A_1022 = arith.constant 0 : index
    %swap3A_1023 = arith.constant 0 : index
    %swap3A_1024 = arith.constant 1 : index
    %swap3A_1025 = vector.load %arg6[%swap3A_1022, %swap3A_1023, %swap3A_1024] : memref<1x1024x4xf32, #tpu.memory_space<vmem>>, vector<1x1024x1xf32>
    %swap3A_1026 = vector.shape_cast %swap3A_1025 : vector<1x1024x1xf32> to vector<1024x1xf32>
    %swap3A_1027 = vector.shape_cast %mul3A_1021 : vector<1024x1xf32> to vector<1x1024x1xf32>
    tpu.vector_store %arg6[%swap3A_1022, %swap3A_1023, %swap3A_1024], %swap3A_1027 {strides = array<i32>} : memref<1x1024x4xf32, #tpu.memory_space<vmem>>, vector<1x1024x1xf32>,
    %jit3A_1028 = arith.constant 0 : i32
    %jit3A_1029 = arith.constant 63 : i32
    %convert_element_type3A_1030 = arith.sitofp %jit3A_1028 : i32 to f32
    %max3A_1031 = vector.broadcast %convert_element_type3A_1030 : f32 to vector<1024x1xf32>
    %max3A_1032 = arith.maximumf %max3A_1031, %add3A_942 : vector<1024x1xf32>
    %convert_element_type3A_1033 = arith.sitofp %jit3A_1029 : i32 to f32
    %min3A_1034 = vector.broadcast %convert_element_type3A_1033 : f32 to vector<1024x1xf32>
    %min3A_1035 = arith.minimumf %min3A_1034, %max3A_1032 : vector<1024x1xf32>
    %convert_element_type3A_1036 = arith.fptosi %min3A_1035 : vector<1024x1xf32> to vector<1024x1xi32>
    %jit3A_1037 = arith.constant 0 : i32
    %jit3A_1038 = arith.constant 63 : i32
    %convert_element_type3A_1039 = arith.sitofp %jit3A_1037 : i32 to f32
    %max3A_1040 = vector.broadcast %convert_element_type3A_1039 : f32 to vector<1024x1xf32>
    %max3A_1041 = arith.maximumf %max3A_1040, %floor3A_930 : vector<1024x1xf32>
    %convert_element_type3A_1042 = arith.sitofp %jit3A_1038 : i32 to f32
    %min3A_1043 = vector.broadcast %convert_element_type3A_1042 : f32 to vector<1024x1xf32>
    %min3A_1044 = arith.minimumf %min3A_1043, %max3A_1041 : vector<1024x1xf32>
    %convert_element_type3A_1045 = arith.fptosi %min3A_1044 : vector<1024x1xf32> to vector<1024x1xi32>
    %mul3A_1046 = arith.constant 64 : i32
    %mul3A_1047 = vector.broadcast %mul3A_1046 : i32 to vector<1024x1xi32>
    %mul3A_1048 = arith.muli %convert_element_type3A_1045, %mul3A_1047 : vector<1024x1xi32>
    %add3A_1049 = arith.addi %mul3A_1048, %convert_element_type3A_1036 : vector<1024x1xi32>
    %reshape3A_1050 = vector.shape_cast %add3A_1049 : vector<1024x1xi32> to vector<1024xi32>
    %swap3A_1051 = arith.constant 0 : index
    %swap3A_1052 = arith.constant 1 : index
    %swap3A_1053 = arith.constant 0 : index
    %swap3A_1054 = vector.load %arg5[%swap3A_1051, %swap3A_1052, %swap3A_1053] : memref<1x4x1024xi32, #tpu.memory_space<vmem>>, vector<1x1x1024xi32>
    %swap3A_1055 = vector.shape_cast %swap3A_1054 : vector<1x1x1024xi32> to vector<1024xi32>
    %swap3A_1056 = vector.shape_cast %reshape3A_1050 : vector<1024xi32> to vector<1x1x1024xi32>
    tpu.vector_store %arg5[%swap3A_1051, %swap3A_1052, %swap3A_1053], %swap3A_1056 {strides = array<i32>} : memref<1x4x1024xi32, #tpu.memory_space<vmem>>, vector<1x1x1024xi32>,
    %ge3A_1057 = arith.constant 0.000000e+00 : f32
    %ge3A_1058 = vector.broadcast %ge3A_1057 : f32 to vector<1024x1xf32>
    %ge3A_1059 = arith.cmpf oge, %floor3A, %ge3A_1058 : vector<1024x1xf32>
    %lt3A_1060 = arith.constant 6.400000e+01 : f32
    %lt3A_1061 = vector.broadcast %lt3A_1060 : f32 to vector<1024x1xf32>
    %lt3A_1062 = arith.cmpf olt, %floor3A, %lt3A_1061 : vector<1024x1xf32>
    %and3A_1063 = arith.andi %ge3A_1059, %lt3A_1062 : vector<1024x1xi1>
    %ge3A_1064 = arith.constant 0.000000e+00 : f32
    %ge3A_1065 = vector.broadcast %ge3A_1064 : f32 to vector<1024x1xf32>
    %ge3A_1066 = arith.cmpf oge, %add3A_946, %ge3A_1065 : vector<1024x1xf32>
    %and3A_1067 = arith.andi %and3A_1063, %ge3A_1066 : vector<1024x1xi1>
    %lt3A_1068 = arith.constant 6.400000e+01 : f32
    %lt3A_1069 = vector.broadcast %lt3A_1068 : f32 to vector<1024x1xf32>
    %lt3A_1070 = arith.cmpf olt, %add3A_946, %lt3A_1069 : vector<1024x1xf32>
    %and3A_1071 = arith.andi %and3A_1067, %lt3A_1070 : vector<1024x1xi1>
    %convert_element_type3A_1072 = arith.extui %and3A_1071 : vector<1024x1xi1> to vector<1024x1xi32>
    %convert_element_type3A_1073 = arith.sitofp %convert_element_type3A_1072 : vector<1024x1xi32> to vector<1024x1xf32>
    %mul3A_1074 = arith.mulf %mul3A_947, %convert_element_type3A_1073 : vector<1024x1xf32>
    %swap3A_1075 = arith.constant 0 : index
    %swap3A_1076 = arith.constant 0 : index
    %swap3A_1077 = arith.constant 2 : index
    %swap3A_1078 = vector.load %arg6[%swap3A_1075, %swap3A_1076, %swap3A_1077] : memref<1x1024x4xf32, #tpu.memory_space<vmem>>, vector<1x1024x1xf32>
    %swap3A_1079 = vector.shape_cast %swap3A_1078 : vector<1x1024x1xf32> to vector<1024x1xf32>
    %swap3A_1080 = vector.shape_cast %mul3A_1074 : vector<1024x1xf32> to vector<1x1024x1xf32>
    tpu.vector_store %arg6[%swap3A_1075, %swap3A_1076, %swap3A_1077], %swap3A_1080 {strides = array<i32>} : memref<1x1024x4xf32, #tpu.memory_space<vmem>>, vector<1x1024x1xf32>,
    %jit3A_1081 = arith.constant 0 : i32
    %jit3A_1082 = arith.constant 63 : i32
    %convert_element_type3A_1083 = arith.sitofp %jit3A_1081 : i32 to f32
    %max3A_1084 = vector.broadcast %convert_element_type3A_1083 : f32 to vector<1024x1xf32>
    %max3A_1085 = arith.maximumf %max3A_1084, %floor3A : vector<1024x1xf32>
    %convert_element_type3A_1086 = arith.sitofp %jit3A_1082 : i32 to f32
    %min3A_1087 = vector.broadcast %convert_element_type3A_1086 : f32 to vector<1024x1xf32>
    %min3A_1088 = arith.minimumf %min3A_1087, %max3A_1085 : vector<1024x1xf32>
    %convert_element_type3A_1089 = arith.fptosi %min3A_1088 : vector<1024x1xf32> to vector<1024x1xi32>
    %jit3A_1090 = arith.constant 0 : i32
    %jit3A_1091 = arith.constant 63 : i32
    %convert_element_type3A_1092 = arith.sitofp %jit3A_1090 : i32 to f32
    %max3A_1093 = vector.broadcast %convert_element_type3A_1092 : f32 to vector<1024x1xf32>
    %max3A_1094 = arith.maximumf %max3A_1093, %add3A_946 : vector<1024x1xf32>
    %convert_element_type3A_1095 = arith.sitofp %jit3A_1091 : i32 to f32
    %min3A_1096 = vector.broadcast %convert_element_type3A_1095 : f32 to vector<1024x1xf32>
    %min3A_1097 = arith.minimumf %min3A_1096, %max3A_1094 : vector<1024x1xf32>
    %convert_element_type3A_1098 = arith.fptosi %min3A_1097 : vector<1024x1xf32> to vector<1024x1xi32>
    %mul3A_1099 = arith.constant 64 : i32
    %mul3A_1100 = vector.broadcast %mul3A_1099 : i32 to vector<1024x1xi32>
    %mul3A_1101 = arith.muli %convert_element_type3A_1098, %mul3A_1100 : vector<1024x1xi32>
    %add3A_1102 = arith.addi %mul3A_1101, %convert_element_type3A_1089 : vector<1024x1xi32>
    %reshape3A_1103 = vector.shape_cast %add3A_1102 : vector<1024x1xi32> to vector<1024xi32>
    %swap3A_1104 = arith.constant 0 : index
    %swap3A_1105 = arith.constant 2 : index
    %swap3A_1106 = arith.constant 0 : index
    %swap3A_1107 = vector.load %arg5[%swap3A_1104, %swap3A_1105, %swap3A_1106] : memref<1x4x1024xi32, #tpu.memory_space<vmem>>, vector<1x1x1024xi32>
    %swap3A_1108 = vector.shape_cast %swap3A_1107 : vector<1x1x1024xi32> to vector<1024xi32>
    %swap3A_1109 = vector.shape_cast %reshape3A_1103 : vector<1024xi32> to vector<1x1x1024xi32>
    tpu.vector_store %arg5[%swap3A_1104, %swap3A_1105, %swap3A_1106], %swap3A_1109 {strides = array<i32>} : memref<1x4x1024xi32, #tpu.memory_space<vmem>>, vector<1x1x1024xi32>,
    %ge3A_1110 = arith.constant 0.000000e+00 : f32
    %ge3A_1111 = vector.broadcast %ge3A_1110 : f32 to vector<1024x1xf32>
    %ge3A_1112 = arith.cmpf oge, %add3A_950, %ge3A_1111 : vector<1024x1xf32>
    %lt3A_1113 = arith.constant 6.400000e+01 : f32
    %lt3A_1114 = vector.broadcast %lt3A_1113 : f32 to vector<1024x1xf32>
    %lt3A_1115 = arith.cmpf olt, %add3A_950, %lt3A_1114 : vector<1024x1xf32>
    %and3A_1116 = arith.andi %ge3A_1112, %lt3A_1115 : vector<1024x1xi1>
    %ge3A_1117 = arith.constant 0.000000e+00 : f32
    %ge3A_1118 = vector.broadcast %ge3A_1117 : f32 to vector<1024x1xf32>
    %ge3A_1119 = arith.cmpf oge, %add3A_953, %ge3A_1118 : vector<1024x1xf32>
    %and3A_1120 = arith.andi %and3A_1116, %ge3A_1119 : vector<1024x1xi1>
    %lt3A_1121 = arith.constant 6.400000e+01 : f32
    %lt3A_1122 = vector.broadcast %lt3A_1121 : f32 to vector<1024x1xf32>
    %lt3A_1123 = arith.cmpf olt, %add3A_953, %lt3A_1122 : vector<1024x1xf32>
    %and3A_1124 = arith.andi %and3A_1120, %lt3A_1123 : vector<1024x1xi1>
    %convert_element_type3A_1125 = arith.extui %and3A_1124 : vector<1024x1xi1> to vector<1024x1xi32>
    %convert_element_type3A_1126 = arith.sitofp %convert_element_type3A_1125 : vector<1024x1xi32> to vector<1024x1xf32>
    %mul3A_1127 = arith.mulf %mul3A_954, %convert_element_type3A_1126 : vector<1024x1xf32>
    %swap3A_1128 = arith.constant 0 : index
    %swap3A_1129 = arith.constant 0 : index
    %swap3A_1130 = arith.constant 3 : index
    %swap3A_1131 = vector.load %arg6[%swap3A_1128, %swap3A_1129, %swap3A_1130] : memref<1x1024x4xf32, #tpu.memory_space<vmem>>, vector<1x1024x1xf32>
    %swap3A_1132 = vector.shape_cast %swap3A_1131 : vector<1x1024x1xf32> to vector<1024x1xf32>
    %swap3A_1133 = vector.shape_cast %mul3A_1127 : vector<1024x1xf32> to vector<1x1024x1xf32>
    tpu.vector_store %arg6[%swap3A_1128, %swap3A_1129, %swap3A_1130], %swap3A_1133 {strides = array<i32>} : memref<1x1024x4xf32, #tpu.memory_space<vmem>>, vector<1x1024x1xf32>,
    %jit3A_1134 = arith.constant 0 : i32
    %jit3A_1135 = arith.constant 63 : i32
    %convert_element_type3A_1136 = arith.sitofp %jit3A_1134 : i32 to f32
    %max3A_1137 = vector.broadcast %convert_element_type3A_1136 : f32 to vector<1024x1xf32>
    %max3A_1138 = arith.maximumf %max3A_1137, %add3A_950 : vector<1024x1xf32>
    %convert_element_type3A_1139 = arith.sitofp %jit3A_1135 : i32 to f32
    %min3A_1140 = vector.broadcast %convert_element_type3A_1139 : f32 to vector<1024x1xf32>
    %min3A_1141 = arith.minimumf %min3A_1140, %max3A_1138 : vector<1024x1xf32>
    %convert_element_type3A_1142 = arith.fptosi %min3A_1141 : vector<1024x1xf32> to vector<1024x1xi32>
    %jit3A_1143 = arith.constant 0 : i32
    %jit3A_1144 = arith.constant 63 : i32
    %convert_element_type3A_1145 = arith.sitofp %jit3A_1143 : i32 to f32
    %max3A_1146 = vector.broadcast %convert_element_type3A_1145 : f32 to vector<1024x1xf32>
    %max3A_1147 = arith.maximumf %max3A_1146, %add3A_953 : vector<1024x1xf32>
    %convert_element_type3A_1148 = arith.sitofp %jit3A_1144 : i32 to f32
    %min3A_1149 = vector.broadcast %convert_element_type3A_1148 : f32 to vector<1024x1xf32>
    %min3A_1150 = arith.minimumf %min3A_1149, %max3A_1147 : vector<1024x1xf32>
    %convert_element_type3A_1151 = arith.fptosi %min3A_1150 : vector<1024x1xf32> to vector<1024x1xi32>
    %mul3A_1152 = arith.constant 64 : i32
    %mul3A_1153 = vector.broadcast %mul3A_1152 : i32 to vector<1024x1xi32>
    %mul3A_1154 = arith.muli %convert_element_type3A_1151, %mul3A_1153 : vector<1024x1xi32>
    %add3A_1155 = arith.addi %mul3A_1154, %convert_element_type3A_1142 : vector<1024x1xi32>
    %reshape3A_1156 = vector.shape_cast %add3A_1155 : vector<1024x1xi32> to vector<1024xi32>
    %swap3A_1157 = arith.constant 0 : index
    %swap3A_1158 = arith.constant 3 : index
    %swap3A_1159 = arith.constant 0 : index
    %swap3A_1160 = vector.load %arg5[%swap3A_1157, %swap3A_1158, %swap3A_1159] : memref<1x4x1024xi32, #tpu.memory_space<vmem>>, vector<1x1x1024xi32>
    %swap3A_1161 = vector.shape_cast %swap3A_1160 : vector<1x1x1024xi32> to vector<1024xi32>
    %swap3A_1162 = vector.shape_cast %reshape3A_1156 : vector<1024xi32> to vector<1x1x1024xi32>
    tpu.vector_store %arg5[%swap3A_1157, %swap3A_1158, %swap3A_1159], %swap3A_1162 {strides = array<i32>} : memref<1x4x1024xi32, #tpu.memory_space<vmem>>, vector<1x1x1024xi32>,
    return
  }
  func.func @transform_0(%arg0: i32) -> (i32, i32, i32) {
    %c0_i32 = arith.constant 0 : i32
    %c0_i32_0 = arith.constant 0 : i32
    %c0_i32_1 = arith.constant 0 : i32
    return %arg0, %c0_i32, %c0_i32_0 : i32, i32, i32
  }
  func.func @transform_1(%arg0: i32) -> (i32, i32, i32) {
    %c0_i32 = arith.constant 0 : i32
    %c0_i32_0 = arith.constant 0 : i32
    %c0_i32_1 = arith.constant 0 : i32
    return %arg0, %c0_i32, %c0_i32_0 : i32, i32, i32
  }
  func.func @transform_2(%arg0: i32) -> (i32, i32, i32) {
    %c0_i32 = arith.constant 0 : i32
    %c0_i32_0 = arith.constant 0 : i32
    %c0_i32_1 = arith.constant 0 : i32
    return %arg0, %c0_i32, %c0_i32_0 : i32, i32, i32
  }
  func.func @transform_3(%arg0: i32) -> (i32, i32, i32) {
    %c0_i32 = arith.constant 0 : i32
    %c0_i32_0 = arith.constant 0 : i32
    %c0_i32_1 = arith.constant 0 : i32
    return %arg0, %c0_i32, %c0_i32_0 : i32, i32, i32
  }
  func.func @transform_4(%arg0: i32) -> (i32, i32, i32) {
    %c0_i32 = arith.constant 0 : i32
    %c0_i32_0 = arith.constant 0 : i32
    %c0_i32_1 = arith.constant 0 : i32
    return %arg0, %c0_i32, %c0_i32_0 : i32, i32, i32
  }
  func.func @transform_5(%arg0: i32) -> (i32, i32, i32) {
    %c0_i32 = arith.constant 0 : i32
    %c0_i32_0 = arith.constant 0 : i32
    %c0_i32_1 = arith.constant 0 : i32
    return %arg0, %c0_i32, %c0_i32_0 : i32, i32, i32
  }
}

module attributes {stable_mosaic.version = 14 : i64} {
  func.func @_blur_body(%arg0: i32, %arg1: memref<1x4096x128xf32, #tpu.memory_space<vmem>>, %arg2: memref<1x4096x1xf32, #tpu.memory_space<vmem>>, %arg3: memref<1x4096x128xf32, #tpu.memory_space<vmem>>) attributes {dimension_semantics = [#tpu.dimension_semantics<arbitrary>], iteration_bounds = array<i64: 8>, scalar_prefetch = 0 : i64, scratch_operands = 0 : i64, tpu.core_type = #tpu.core_type<tc>, window_params = [{transform_indices = @transform_0, window_bounds = array<i64: 1, 4096, 128>}, {transform_indices = @transform_1, window_bounds = array<i64: 1, 4096, 1>}, {transform_indices = @transform_2, window_bounds = array<i64: 1, 4096, 128>}]} {
    %get3A = arith.constant 0 : index
    %get3A_0 = arith.constant 0 : index
    %get3A_1 = arith.constant 0 : index
    %get3A_2 = vector.load %arg2[%get3A, %get3A_0, %get3A_1] : memref<1x4096x1xf32, #tpu.memory_space<vmem>>, vector<1x4096x1xf32>
    %get3A_3 = vector.shape_cast %get3A_2 : vector<1x4096x1xf32> to vector<4096x1xf32>
    %gt3A = arith.constant 0.000000e+00 : f32
    %gt3A_4 = vector.broadcast %gt3A : f32 to vector<4096x1xf32>
    %gt3A_5 = arith.cmpf ogt, %get3A_3, %gt3A_4 : vector<4096x1xf32>
    %convert_element_type3A = arith.extui %gt3A_5 : vector<4096x1xi1> to vector<4096x1xi32>
    %convert_element_type3A_6 = arith.sitofp %convert_element_type3A : vector<4096x1xi32> to vector<4096x1xf32>
    %get3A_7 = arith.constant 0 : index
    %get3A_8 = arith.constant 0 : index
    %get3A_9 = arith.constant 0 : index
    %get3A_10 = vector.load %arg1[%get3A_7, %get3A_8, %get3A_9] : memref<1x4096x128xf32, #tpu.memory_space<vmem>>, vector<1x4096x128xf32>
    %get3A_11 = vector.shape_cast %get3A_10 : vector<1x4096x128xf32> to vector<4096x128xf32>
    %add3A = arith.constant 9.99999997E-7 : f32
    %add3A_12 = vector.broadcast %add3A : f32 to vector<4096x1xf32>
    %add3A_13 = arith.addf %get3A_3, %add3A_12 : vector<4096x1xf32>
    %div3A = vector.broadcast %add3A_13 : vector<4096x1xf32> to vector<4096x128xf32>
    %div3A_14 = arith.divf %get3A_11, %div3A : vector<4096x128xf32>
    %mul3A = vector.broadcast %convert_element_type3A_6 : vector<4096x1xf32> to vector<4096x128xf32>
    %mul3A_15 = arith.mulf %div3A_14, %mul3A : vector<4096x128xf32>
    %broadcast_in_dim3A = arith.constant 0.000000e+00 : bf16
    %broadcast_in_dim3A_16 = vector.broadcast %broadcast_in_dim3A : bf16 to vector<65x128xbf16>
    %broadcast_in_dim3A_17 = arith.constant 0.000000e+00 : f32
    %broadcast_in_dim3A_18 = vector.broadcast %broadcast_in_dim3A_17 : f32 to vector<65x1xf32>
    %convert_element_type3A_19 = arith.truncf %mul3A_15 : vector<4096x128xf32> to vector<4096x128xbf16>
    %concatenate3A = tpu.concatenate %broadcast_in_dim3A_16, %convert_element_type3A_19, %broadcast_in_dim3A_16 in 0 : vector<65x128xbf16>, vector<4096x128xbf16>, vector<65x128xbf16> -> vector<4226x128xbf16>
    %concatenate3A_20 = tpu.concatenate %broadcast_in_dim3A_18, %convert_element_type3A_6, %broadcast_in_dim3A_18 in 0 : vector<65x1xf32>, vector<4096x1xf32>, vector<65x1xf32> -> vector<4226x1xf32>
    %iota3A = tpu.iota {dimensions = array<i32: 0>} : vector<4096x1xi32>
    %and3A = arith.constant 63 : i32
    %and3A_21 = vector.broadcast %and3A : i32 to vector<4096x1xi32>
    %and3A_22 = arith.andi %iota3A, %and3A_21 : vector<4096x1xi32>
    %broadcast_in_dim3A_23 = arith.constant 0.000000e+00 : bf16
    %broadcast_in_dim3A_24 = vector.broadcast %broadcast_in_dim3A_23 : bf16 to vector<4096x128xbf16>
    %broadcast_in_dim3A_25 = arith.constant 0.000000e+00 : f32
    %broadcast_in_dim3A_26 = vector.broadcast %broadcast_in_dim3A_25 : f32 to vector<4096x1xf32>
    %ge3A = arith.constant 1 : i32
    %ge3A_27 = vector.broadcast %ge3A : i32 to vector<4096x1xi32>
    %ge3A_28 = arith.cmpi sge, %and3A_22, %ge3A_27 : vector<4096x1xi32>
    %slice3A = vector.extract_strided_slice %concatenate3A {offsets = [0, 0], sizes = [4096, 128], strides = [1, 1]} : vector<4226x128xbf16> to vector<4096x128xbf16>
    %slice3A_29 = vector.extract_strided_slice %concatenate3A_20 {offsets = [0, 0], sizes = [4096, 1], strides = [1, 1]} : vector<4226x1xf32> to vector<4096x1xf32>
    %convert_element_type3A_30 = arith.extui %ge3A_28 : vector<4096x1xi1> to vector<4096x1xi32>
    %convert_element_type3A_31 = arith.sitofp %convert_element_type3A_30 : vector<4096x1xi32> to vector<4096x1xf32>
    %convert_element_type3A_32 = arith.truncf %convert_element_type3A_31 : vector<4096x1xf32> to vector<4096x1xbf16>
    %mul3A_33 = vector.broadcast %convert_element_type3A_32 : vector<4096x1xbf16> to vector<4096x128xbf16>
    %mul3A_34 = arith.mulf %slice3A, %mul3A_33 : vector<4096x128xbf16>
    %convert_element_type3A_35 = arith.extui %ge3A_28 : vector<4096x1xi1> to vector<4096x1xi32>
    %convert_element_type3A_36 = arith.sitofp %convert_element_type3A_35 : vector<4096x1xi32> to vector<4096x1xf32>
    %mul3A_37 = arith.mulf %slice3A_29, %convert_element_type3A_36 : vector<4096x1xf32>
    %mul3A_38 = arith.constant 1.020510e-01 : bf16
    %mul3A_39 = vector.broadcast %mul3A_38 : bf16 to vector<4096x128xbf16>
    %mul3A_40 = arith.mulf %mul3A_39, %mul3A_34 : vector<4096x128xbf16>
    %add3A_41 = arith.addf %broadcast_in_dim3A_24, %mul3A_40 : vector<4096x128xbf16>
    %mul3A_42 = arith.constant 0.101868048 : f32
    %mul3A_43 = vector.broadcast %mul3A_42 : f32 to vector<4096x1xf32>
    %mul3A_44 = arith.mulf %mul3A_43, %mul3A_37 : vector<4096x1xf32>
    %add3A_45 = arith.addf %broadcast_in_dim3A_26, %mul3A_44 : vector<4096x1xf32>
    %slice3A_46 = vector.extract_strided_slice %concatenate3A {offsets = [1, 0], sizes = [4096, 128], strides = [1, 1]} : vector<4226x128xbf16> to vector<4096x128xbf16>
    %slice3A_47 = vector.extract_strided_slice %concatenate3A_20 {offsets = [1, 0], sizes = [4096, 1], strides = [1, 1]} : vector<4226x1xf32> to vector<4096x1xf32>
    %mul3A_48 = arith.constant 1.152340e-01 : bf16
    %mul3A_49 = vector.broadcast %mul3A_48 : bf16 to vector<4096x128xbf16>
    %mul3A_50 = arith.mulf %mul3A_49, %slice3A_46 : vector<4096x128xbf16>
    %add3A_51 = arith.addf %add3A_41, %mul3A_50 : vector<4096x128xbf16>
    %mul3A_52 = arith.constant 0.115431637 : f32
    %mul3A_53 = vector.broadcast %mul3A_52 : f32 to vector<4096x1xf32>
    %mul3A_54 = arith.mulf %mul3A_53, %slice3A_47 : vector<4096x1xf32>
    %add3A_55 = arith.addf %add3A_45, %mul3A_54 : vector<4096x1xf32>
    %le3A = arith.constant 62 : i32
    %le3A_56 = vector.broadcast %le3A : i32 to vector<4096x1xi32>
    %le3A_57 = arith.cmpi sle, %and3A_22, %le3A_56 : vector<4096x1xi32>
    %slice3A_58 = vector.extract_strided_slice %concatenate3A {offsets = [2, 0], sizes = [4096, 128], strides = [1, 1]} : vector<4226x128xbf16> to vector<4096x128xbf16>
    %slice3A_59 = vector.extract_strided_slice %concatenate3A_20 {offsets = [2, 0], sizes = [4096, 1], strides = [1, 1]} : vector<4226x1xf32> to vector<4096x1xf32>
    %convert_element_type3A_60 = arith.extui %le3A_57 : vector<4096x1xi1> to vector<4096x1xi32>
    %convert_element_type3A_61 = arith.sitofp %convert_element_type3A_60 : vector<4096x1xi32> to vector<4096x1xf32>
    %convert_element_type3A_62 = arith.truncf %convert_element_type3A_61 : vector<4096x1xf32> to vector<4096x1xbf16>
    %mul3A_63 = vector.broadcast %convert_element_type3A_62 : vector<4096x1xbf16> to vector<4096x128xbf16>
    %mul3A_64 = arith.mulf %slice3A_58, %mul3A_63 : vector<4096x128xbf16>
    %convert_element_type3A_65 = arith.extui %le3A_57 : vector<4096x1xi1> to vector<4096x1xi32>
    %convert_element_type3A_66 = arith.sitofp %convert_element_type3A_65 : vector<4096x1xi32> to vector<4096x1xf32>
    %mul3A_67 = arith.mulf %slice3A_59, %convert_element_type3A_66 : vector<4096x1xf32>
    %mul3A_68 = arith.constant 1.020510e-01 : bf16
    %mul3A_69 = vector.broadcast %mul3A_68 : bf16 to vector<4096x128xbf16>
    %mul3A_70 = arith.mulf %mul3A_69, %mul3A_64 : vector<4096x128xbf16>
    %add3A_71 = arith.addf %add3A_51, %mul3A_70 : vector<4096x128xbf16>
    %mul3A_72 = arith.constant 0.101868048 : f32
    %mul3A_73 = vector.broadcast %mul3A_72 : f32 to vector<4096x1xf32>
    %mul3A_74 = arith.mulf %mul3A_73, %mul3A_67 : vector<4096x1xf32>
    %add3A_75 = arith.addf %add3A_55, %mul3A_74 : vector<4096x1xf32>
    %ge3A_76 = arith.constant 1 : i32
    %ge3A_77 = vector.broadcast %ge3A_76 : i32 to vector<4096x1xi32>
    %ge3A_78 = arith.cmpi sge, %and3A_22, %ge3A_77 : vector<4096x1xi32>
    %slice3A_79 = vector.extract_strided_slice %concatenate3A {offsets = [64, 0], sizes = [4096, 128], strides = [1, 1]} : vector<4226x128xbf16> to vector<4096x128xbf16>
    %slice3A_80 = vector.extract_strided_slice %concatenate3A_20 {offsets = [64, 0], sizes = [4096, 1], strides = [1, 1]} : vector<4226x1xf32> to vector<4096x1xf32>
    %convert_element_type3A_81 = arith.extui %ge3A_78 : vector<4096x1xi1> to vector<4096x1xi32>
    %convert_element_type3A_82 = arith.sitofp %convert_element_type3A_81 : vector<4096x1xi32> to vector<4096x1xf32>
    %convert_element_type3A_83 = arith.truncf %convert_element_type3A_82 : vector<4096x1xf32> to vector<4096x1xbf16>
    %mul3A_84 = vector.broadcast %convert_element_type3A_83 : vector<4096x1xbf16> to vector<4096x128xbf16>
    %mul3A_85 = arith.mulf %slice3A_79, %mul3A_84 : vector<4096x128xbf16>
    %convert_element_type3A_86 = arith.extui %ge3A_78 : vector<4096x1xi1> to vector<4096x1xi32>
    %convert_element_type3A_87 = arith.sitofp %convert_element_type3A_86 : vector<4096x1xi32> to vector<4096x1xf32>
    %mul3A_88 = arith.mulf %slice3A_80, %convert_element_type3A_87 : vector<4096x1xf32>
    %mul3A_89 = arith.constant 1.152340e-01 : bf16
    %mul3A_90 = vector.broadcast %mul3A_89 : bf16 to vector<4096x128xbf16>
    %mul3A_91 = arith.mulf %mul3A_90, %mul3A_85 : vector<4096x128xbf16>
    %add3A_92 = arith.addf %add3A_71, %mul3A_91 : vector<4096x128xbf16>
    %mul3A_93 = arith.constant 0.115431637 : f32
    %mul3A_94 = vector.broadcast %mul3A_93 : f32 to vector<4096x1xf32>
    %mul3A_95 = arith.mulf %mul3A_94, %mul3A_88 : vector<4096x1xf32>
    %add3A_96 = arith.addf %add3A_75, %mul3A_95 : vector<4096x1xf32>
    %slice3A_97 = vector.extract_strided_slice %concatenate3A {offsets = [65, 0], sizes = [4096, 128], strides = [1, 1]} : vector<4226x128xbf16> to vector<4096x128xbf16>
    %slice3A_98 = vector.extract_strided_slice %concatenate3A_20 {offsets = [65, 0], sizes = [4096, 1], strides = [1, 1]} : vector<4226x1xf32> to vector<4096x1xf32>
    %mul3A_99 = arith.constant 1.308590e-01 : bf16
    %mul3A_100 = vector.broadcast %mul3A_99 : bf16 to vector<4096x128xbf16>
    %mul3A_101 = arith.mulf %mul3A_100, %slice3A_97 : vector<4096x128xbf16>
    %add3A_102 = arith.addf %add3A_92, %mul3A_101 : vector<4096x128xbf16>
    %mul3A_103 = arith.constant 0.130801171 : f32
    %mul3A_104 = vector.broadcast %mul3A_103 : f32 to vector<4096x1xf32>
    %mul3A_105 = arith.mulf %mul3A_104, %slice3A_98 : vector<4096x1xf32>
    %add3A_106 = arith.addf %add3A_96, %mul3A_105 : vector<4096x1xf32>
    %le3A_107 = arith.constant 62 : i32
    %le3A_108 = vector.broadcast %le3A_107 : i32 to vector<4096x1xi32>
    %le3A_109 = arith.cmpi sle, %and3A_22, %le3A_108 : vector<4096x1xi32>
    %slice3A_110 = vector.extract_strided_slice %concatenate3A {offsets = [66, 0], sizes = [4096, 128], strides = [1, 1]} : vector<4226x128xbf16> to vector<4096x128xbf16>
    %slice3A_111 = vector.extract_strided_slice %concatenate3A_20 {offsets = [66, 0], sizes = [4096, 1], strides = [1, 1]} : vector<4226x1xf32> to vector<4096x1xf32>
    %convert_element_type3A_112 = arith.extui %le3A_109 : vector<4096x1xi1> to vector<4096x1xi32>
    %convert_element_type3A_113 = arith.sitofp %convert_element_type3A_112 : vector<4096x1xi32> to vector<4096x1xf32>
    %convert_element_type3A_114 = arith.truncf %convert_element_type3A_113 : vector<4096x1xf32> to vector<4096x1xbf16>
    %mul3A_115 = vector.broadcast %convert_element_type3A_114 : vector<4096x1xbf16> to vector<4096x128xbf16>
    %mul3A_116 = arith.mulf %slice3A_110, %mul3A_115 : vector<4096x128xbf16>
    %convert_element_type3A_117 = arith.extui %le3A_109 : vector<4096x1xi1> to vector<4096x1xi32>
    %convert_element_type3A_118 = arith.sitofp %convert_element_type3A_117 : vector<4096x1xi32> to vector<4096x1xf32>
    %mul3A_119 = arith.mulf %slice3A_111, %convert_element_type3A_118 : vector<4096x1xf32>
    %mul3A_120 = arith.constant 1.152340e-01 : bf16
    %mul3A_121 = vector.broadcast %mul3A_120 : bf16 to vector<4096x128xbf16>
    %mul3A_122 = arith.mulf %mul3A_121, %mul3A_116 : vector<4096x128xbf16>
    %add3A_123 = arith.addf %add3A_102, %mul3A_122 : vector<4096x128xbf16>
    %mul3A_124 = arith.constant 0.115431637 : f32
    %mul3A_125 = vector.broadcast %mul3A_124 : f32 to vector<4096x1xf32>
    %mul3A_126 = arith.mulf %mul3A_125, %mul3A_119 : vector<4096x1xf32>
    %add3A_127 = arith.addf %add3A_106, %mul3A_126 : vector<4096x1xf32>
    %ge3A_128 = arith.constant 1 : i32
    %ge3A_129 = vector.broadcast %ge3A_128 : i32 to vector<4096x1xi32>
    %ge3A_130 = arith.cmpi sge, %and3A_22, %ge3A_129 : vector<4096x1xi32>
    %slice3A_131 = vector.extract_strided_slice %concatenate3A {offsets = [128, 0], sizes = [4096, 128], strides = [1, 1]} : vector<4226x128xbf16> to vector<4096x128xbf16>
    %slice3A_132 = vector.extract_strided_slice %concatenate3A_20 {offsets = [128, 0], sizes = [4096, 1], strides = [1, 1]} : vector<4226x1xf32> to vector<4096x1xf32>
    %convert_element_type3A_133 = arith.extui %ge3A_130 : vector<4096x1xi1> to vector<4096x1xi32>
    %convert_element_type3A_134 = arith.sitofp %convert_element_type3A_133 : vector<4096x1xi32> to vector<4096x1xf32>
    %convert_element_type3A_135 = arith.truncf %convert_element_type3A_134 : vector<4096x1xf32> to vector<4096x1xbf16>
    %mul3A_136 = vector.broadcast %convert_element_type3A_135 : vector<4096x1xbf16> to vector<4096x128xbf16>
    %mul3A_137 = arith.mulf %slice3A_131, %mul3A_136 : vector<4096x128xbf16>
    %convert_element_type3A_138 = arith.extui %ge3A_130 : vector<4096x1xi1> to vector<4096x1xi32>
    %convert_element_type3A_139 = arith.sitofp %convert_element_type3A_138 : vector<4096x1xi32> to vector<4096x1xf32>
    %mul3A_140 = arith.mulf %slice3A_132, %convert_element_type3A_139 : vector<4096x1xf32>
    %mul3A_141 = arith.constant 1.020510e-01 : bf16
    %mul3A_142 = vector.broadcast %mul3A_141 : bf16 to vector<4096x128xbf16>
    %mul3A_143 = arith.mulf %mul3A_142, %mul3A_137 : vector<4096x128xbf16>
    %add3A_144 = arith.addf %add3A_123, %mul3A_143 : vector<4096x128xbf16>
    %mul3A_145 = arith.constant 0.101868048 : f32
    %mul3A_146 = vector.broadcast %mul3A_145 : f32 to vector<4096x1xf32>
    %mul3A_147 = arith.mulf %mul3A_146, %mul3A_140 : vector<4096x1xf32>
    %add3A_148 = arith.addf %add3A_127, %mul3A_147 : vector<4096x1xf32>
    %slice3A_149 = vector.extract_strided_slice %concatenate3A {offsets = [129, 0], sizes = [4096, 128], strides = [1, 1]} : vector<4226x128xbf16> to vector<4096x128xbf16>
    %slice3A_150 = vector.extract_strided_slice %concatenate3A_20 {offsets = [129, 0], sizes = [4096, 1], strides = [1, 1]} : vector<4226x1xf32> to vector<4096x1xf32>
    %mul3A_151 = arith.constant 1.152340e-01 : bf16
    %mul3A_152 = vector.broadcast %mul3A_151 : bf16 to vector<4096x128xbf16>
    %mul3A_153 = arith.mulf %mul3A_152, %slice3A_149 : vector<4096x128xbf16>
    %add3A_154 = arith.addf %add3A_144, %mul3A_153 : vector<4096x128xbf16>
    %mul3A_155 = arith.constant 0.115431637 : f32
    %mul3A_156 = vector.broadcast %mul3A_155 : f32 to vector<4096x1xf32>
    %mul3A_157 = arith.mulf %mul3A_156, %slice3A_150 : vector<4096x1xf32>
    %add3A_158 = arith.addf %add3A_148, %mul3A_157 : vector<4096x1xf32>
    %le3A_159 = arith.constant 62 : i32
    %le3A_160 = vector.broadcast %le3A_159 : i32 to vector<4096x1xi32>
    %le3A_161 = arith.cmpi sle, %and3A_22, %le3A_160 : vector<4096x1xi32>
    %slice3A_162 = vector.extract_strided_slice %concatenate3A {offsets = [130, 0], sizes = [4096, 128], strides = [1, 1]} : vector<4226x128xbf16> to vector<4096x128xbf16>
    %slice3A_163 = vector.extract_strided_slice %concatenate3A_20 {offsets = [130, 0], sizes = [4096, 1], strides = [1, 1]} : vector<4226x1xf32> to vector<4096x1xf32>
    %convert_element_type3A_164 = arith.extui %le3A_161 : vector<4096x1xi1> to vector<4096x1xi32>
    %convert_element_type3A_165 = arith.sitofp %convert_element_type3A_164 : vector<4096x1xi32> to vector<4096x1xf32>
    %convert_element_type3A_166 = arith.truncf %convert_element_type3A_165 : vector<4096x1xf32> to vector<4096x1xbf16>
    %mul3A_167 = vector.broadcast %convert_element_type3A_166 : vector<4096x1xbf16> to vector<4096x128xbf16>
    %mul3A_168 = arith.mulf %slice3A_162, %mul3A_167 : vector<4096x128xbf16>
    %convert_element_type3A_169 = arith.extui %le3A_161 : vector<4096x1xi1> to vector<4096x1xi32>
    %convert_element_type3A_170 = arith.sitofp %convert_element_type3A_169 : vector<4096x1xi32> to vector<4096x1xf32>
    %mul3A_171 = arith.mulf %slice3A_163, %convert_element_type3A_170 : vector<4096x1xf32>
    %mul3A_172 = arith.constant 1.020510e-01 : bf16
    %mul3A_173 = vector.broadcast %mul3A_172 : bf16 to vector<4096x128xbf16>
    %mul3A_174 = arith.mulf %mul3A_173, %mul3A_168 : vector<4096x128xbf16>
    %add3A_175 = arith.addf %add3A_154, %mul3A_174 : vector<4096x128xbf16>
    %mul3A_176 = arith.constant 0.101868048 : f32
    %mul3A_177 = vector.broadcast %mul3A_176 : f32 to vector<4096x1xf32>
    %mul3A_178 = arith.mulf %mul3A_177, %mul3A_171 : vector<4096x1xf32>
    %add3A_179 = arith.addf %add3A_158, %mul3A_178 : vector<4096x1xf32>
    %convert_element_type3A_180 = arith.extf %add3A_175 : vector<4096x128xbf16> to vector<4096x128xf32>
    %add3A_181 = arith.constant 9.99999997E-7 : f32
    %add3A_182 = vector.broadcast %add3A_181 : f32 to vector<4096x1xf32>
    %add3A_183 = arith.addf %add3A_179, %add3A_182 : vector<4096x1xf32>
    %div3A_184 = vector.broadcast %add3A_183 : vector<4096x1xf32> to vector<4096x128xf32>
    %div3A_185 = arith.divf %convert_element_type3A_180, %div3A_184 : vector<4096x128xf32>
    %gt3A_186 = arith.constant 0.000000e+00 : f32
    %gt3A_187 = vector.broadcast %gt3A_186 : f32 to vector<4096x1xf32>
    %gt3A_188 = arith.cmpf ogt, %add3A_179, %gt3A_187 : vector<4096x1xf32>
    %convert_element_type3A_189 = arith.extui %gt3A_188 : vector<4096x1xi1> to vector<4096x1xi32>
    %convert_element_type3A_190 = arith.sitofp %convert_element_type3A_189 : vector<4096x1xi32> to vector<4096x1xf32>
    %mul3A_191 = vector.broadcast %convert_element_type3A_190 : vector<4096x1xf32> to vector<4096x128xf32>
    %mul3A_192 = arith.mulf %div3A_185, %mul3A_191 : vector<4096x128xf32>
    %sub3A = arith.constant 1.000000e+00 : f32
    %sub3A_193 = vector.broadcast %sub3A : f32 to vector<4096x1xf32>
    %sub3A_194 = arith.subf %sub3A_193, %convert_element_type3A_6 : vector<4096x1xf32>
    %mul3A_195 = vector.broadcast %sub3A_194 : vector<4096x1xf32> to vector<4096x128xf32>
    %mul3A_196 = arith.mulf %mul3A_195, %mul3A_192 : vector<4096x128xf32>
    %add3A_197 = arith.addf %mul3A_15, %mul3A_196 : vector<4096x128xf32>
    %swap3A = arith.constant 0 : index
    %swap3A_198 = arith.constant 0 : index
    %swap3A_199 = arith.constant 0 : index
    %swap3A_200 = vector.load %arg3[%swap3A, %swap3A_198, %swap3A_199] : memref<1x4096x128xf32, #tpu.memory_space<vmem>>, vector<1x4096x128xf32>
    %swap3A_201 = vector.shape_cast %swap3A_200 : vector<1x4096x128xf32> to vector<4096x128xf32>
    %swap3A_202 = vector.shape_cast %add3A_197 : vector<4096x128xf32> to vector<1x4096x128xf32>
    tpu.vector_store %arg3[%swap3A, %swap3A_198, %swap3A_199], %swap3A_202 {strides = array<i32>} : memref<1x4096x128xf32, #tpu.memory_space<vmem>>, vector<1x4096x128xf32>,
    return
  }
  func.func @transform_0(%arg0: i32) -> (i32, i32, i32) {
    %c0_i32 = arith.constant 0 : i32
    %c0_i32_0 = arith.constant 0 : i32
    %c0_i32_1 = arith.constant 0 : i32
    return %arg0, %c0_i32, %c0_i32_0 : i32, i32, i32
  }
  func.func @transform_1(%arg0: i32) -> (i32, i32, i32) {
    %c0_i32 = arith.constant 0 : i32
    %c0_i32_0 = arith.constant 0 : i32
    %c0_i32_1 = arith.constant 0 : i32
    return %arg0, %c0_i32, %c0_i32_0 : i32, i32, i32
  }
  func.func @transform_2(%arg0: i32) -> (i32, i32, i32) {
    %c0_i32 = arith.constant 0 : i32
    %c0_i32_0 = arith.constant 0 : i32
    %c0_i32_1 = arith.constant 0 : i32
    return %arg0, %c0_i32, %c0_i32_0 : i32, i32, i32
  }
}

module attributes {stable_mosaic.version = 14 : i64} {
  func.func @_combine_body(%arg0: i32, %arg1: memref<1x4x1024x128xf32, #tpu.memory_space<vmem>>, %arg2: memref<1x1024x4xf32, #tpu.memory_space<vmem>>, %arg3: memref<1x1024x2xf32, #tpu.memory_space<vmem>>, %arg4: memref<1x1024x128xf32, #tpu.memory_space<vmem>>, %arg5: memref<1x1024x2xf32, #tpu.memory_space<vmem>>, %arg6: memref<2x128xf32, #tpu.memory_space<vmem>>, %arg7: memref<1x128xf32, #tpu.memory_space<vmem>>, %arg8: memref<1x2048x128xf32, #tpu.memory_space<vmem>>) attributes {dimension_semantics = [#tpu.dimension_semantics<arbitrary>], iteration_bounds = array<i64: 8>, scalar_prefetch = 0 : i64, scratch_operands = 0 : i64, tpu.core_type = #tpu.core_type<tc>, window_params = [{transform_indices = @transform_0, window_bounds = array<i64: 1, 4, 1024, 128>}, {transform_indices = @transform_1, window_bounds = array<i64: 1, 1024, 4>}, {transform_indices = @transform_2, window_bounds = array<i64: 1, 1024, 2>}, {transform_indices = @transform_3, window_bounds = array<i64: 1, 1024, 128>}, {transform_indices = @transform_4, window_bounds = array<i64: 1, 1024, 2>}, {pipeline_mode = #tpu.pipeline_mode<synchronous>, transform_indices = @transform_5, window_bounds = array<i64: 2, 128>}, {pipeline_mode = #tpu.pipeline_mode<synchronous>, transform_indices = @transform_6, window_bounds = array<i64: 1, 128>}, {transform_indices = @transform_7, window_bounds = array<i64: 1, 2048, 128>}]} {
    %get3A = arith.constant 0 : index
    %get3A_0 = arith.constant 0 : index
    %get3A_1 = vector.load %arg6[%get3A, %get3A_0] : memref<2x128xf32, #tpu.memory_space<vmem>>, vector<1x128xf32>
    %get3A_2 = arith.constant 1 : index
    %get3A_3 = arith.constant 0 : index
    %get3A_4 = vector.load %arg6[%get3A_2, %get3A_3] : memref<2x128xf32, #tpu.memory_space<vmem>>, vector<1x128xf32>
    %get3A_5 = arith.constant 0 : index
    %get3A_6 = arith.constant 0 : index
    %get3A_7 = vector.load %arg7[%get3A_5, %get3A_6] : memref<1x128xf32, #tpu.memory_space<vmem>>, vector<1x128xf32>
    %get3A_8 = arith.constant 0 : index
    %get3A_9 = arith.constant 0 : index
    %get3A_10 = arith.constant 0 : index
    %get3A_11 = vector.load %arg5[%get3A_8, %get3A_9, %get3A_10] : memref<1x1024x2xf32, #tpu.memory_space<vmem>>, vector<1x1024x1xf32>
    %get3A_12 = vector.shape_cast %get3A_11 : vector<1x1024x1xf32> to vector<1024x1xf32>
    %get3A_13 = arith.constant 0 : index
    %get3A_14 = arith.constant 0 : index
    %get3A_15 = arith.constant 1 : index
    %get3A_16 = vector.load %arg5[%get3A_13, %get3A_14, %get3A_15] : memref<1x1024x2xf32, #tpu.memory_space<vmem>>, vector<1x1024x1xf32>
    %get3A_17 = vector.shape_cast %get3A_16 : vector<1x1024x1xf32> to vector<1024x1xf32>
    %get3A_18 = arith.constant 0 : index
    %get3A_19 = arith.constant 0 : index
    %get3A_20 = arith.constant 0 : index
    %get3A_21 = vector.load %arg4[%get3A_18, %get3A_19, %get3A_20] : memref<1x1024x128xf32, #tpu.memory_space<vmem>>, vector<1x1024x128xf32>
    %get3A_22 = vector.shape_cast %get3A_21 : vector<1x1024x128xf32> to vector<1024x128xf32>
    %mul3A = vector.broadcast %get3A_12 : vector<1024x1xf32> to vector<1024x128xf32>
    %mul3A_23 = vector.broadcast %get3A_1 : vector<1x128xf32> to vector<1024x128xf32>
    %mul3A_24 = arith.mulf %mul3A, %mul3A_23 : vector<1024x128xf32>
    %mul3A_25 = vector.broadcast %get3A_17 : vector<1024x1xf32> to vector<1024x128xf32>
    %mul3A_26 = vector.broadcast %get3A_4 : vector<1x128xf32> to vector<1024x128xf32>
    %mul3A_27 = arith.mulf %mul3A_25, %mul3A_26 : vector<1024x128xf32>
    %add3A = arith.addf %mul3A_24, %mul3A_27 : vector<1024x128xf32>
    %add3A_28 = vector.broadcast %get3A_7 : vector<1x128xf32> to vector<1024x128xf32>
    %add3A_29 = arith.addf %add3A, %add3A_28 : vector<1024x128xf32>
    %add3A_30 = arith.addf %get3A_22, %add3A_29 : vector<1024x128xf32>
    %swap3A = arith.constant 0 : index
    %swap3A_31 = arith.constant 0 : index
    %swap3A_32 = arith.constant 0 : index
    %swap3A_33 = vector.load %arg8[%swap3A, %swap3A_31, %swap3A_32] : memref<1x2048x128xf32, #tpu.memory_space<vmem>>, vector<1x1024x128xf32>
    %swap3A_34 = vector.shape_cast %swap3A_33 : vector<1x1024x128xf32> to vector<1024x128xf32>
    %swap3A_35 = vector.shape_cast %add3A_30 : vector<1024x128xf32> to vector<1x1024x128xf32>
    tpu.vector_store %arg8[%swap3A, %swap3A_31, %swap3A_32], %swap3A_35 {strides = array<i32>} : memref<1x2048x128xf32, #tpu.memory_space<vmem>>, vector<1x1024x128xf32>,
    %broadcast_in_dim3A = arith.constant 0.000000e+00 : f32
    %broadcast_in_dim3A_36 = vector.broadcast %broadcast_in_dim3A : f32 to vector<1024x128xf32>
    %get3A_37 = arith.constant 0 : index
    %get3A_38 = arith.constant 0 : index
    %get3A_39 = arith.constant 0 : index
    %get3A_40 = vector.load %arg2[%get3A_37, %get3A_38, %get3A_39] : memref<1x1024x4xf32, #tpu.memory_space<vmem>>, vector<1x1024x1xf32>
    %get3A_41 = vector.shape_cast %get3A_40 : vector<1x1024x1xf32> to vector<1024x1xf32>
    %get3A_42 = arith.constant 0 : index
    %get3A_43 = arith.constant 0 : index
    %get3A_44 = arith.constant 0 : index
    %get3A_45 = arith.constant 0 : index
    %get3A_46 = vector.load %arg1[%get3A_42, %get3A_43, %get3A_44, %get3A_45] : memref<1x4x1024x128xf32, #tpu.memory_space<vmem>>, vector<1x1x1024x128xf32>
    %get3A_47 = vector.shape_cast %get3A_46 : vector<1x1x1024x128xf32> to vector<1024x128xf32>
    %mul3A_48 = vector.broadcast %get3A_41 : vector<1024x1xf32> to vector<1024x128xf32>
    %mul3A_49 = arith.mulf %mul3A_48, %get3A_47 : vector<1024x128xf32>
    %add3A_50 = arith.addf %broadcast_in_dim3A_36, %mul3A_49 : vector<1024x128xf32>
    %get3A_51 = arith.constant 0 : index
    %get3A_52 = arith.constant 0 : index
    %get3A_53 = arith.constant 1 : index
    %get3A_54 = vector.load %arg2[%get3A_51, %get3A_52, %get3A_53] : memref<1x1024x4xf32, #tpu.memory_space<vmem>>, vector<1x1024x1xf32>
    %get3A_55 = vector.shape_cast %get3A_54 : vector<1x1024x1xf32> to vector<1024x1xf32>
    %get3A_56 = arith.constant 0 : index
    %get3A_57 = arith.constant 1 : index
    %get3A_58 = arith.constant 0 : index
    %get3A_59 = arith.constant 0 : index
    %get3A_60 = vector.load %arg1[%get3A_56, %get3A_57, %get3A_58, %get3A_59] : memref<1x4x1024x128xf32, #tpu.memory_space<vmem>>, vector<1x1x1024x128xf32>
    %get3A_61 = vector.shape_cast %get3A_60 : vector<1x1x1024x128xf32> to vector<1024x128xf32>
    %mul3A_62 = vector.broadcast %get3A_55 : vector<1024x1xf32> to vector<1024x128xf32>
    %mul3A_63 = arith.mulf %mul3A_62, %get3A_61 : vector<1024x128xf32>
    %add3A_64 = arith.addf %add3A_50, %mul3A_63 : vector<1024x128xf32>
    %get3A_65 = arith.constant 0 : index
    %get3A_66 = arith.constant 0 : index
    %get3A_67 = arith.constant 2 : index
    %get3A_68 = vector.load %arg2[%get3A_65, %get3A_66, %get3A_67] : memref<1x1024x4xf32, #tpu.memory_space<vmem>>, vector<1x1024x1xf32>
    %get3A_69 = vector.shape_cast %get3A_68 : vector<1x1024x1xf32> to vector<1024x1xf32>
    %get3A_70 = arith.constant 0 : index
    %get3A_71 = arith.constant 2 : index
    %get3A_72 = arith.constant 0 : index
    %get3A_73 = arith.constant 0 : index
    %get3A_74 = vector.load %arg1[%get3A_70, %get3A_71, %get3A_72, %get3A_73] : memref<1x4x1024x128xf32, #tpu.memory_space<vmem>>, vector<1x1x1024x128xf32>
    %get3A_75 = vector.shape_cast %get3A_74 : vector<1x1x1024x128xf32> to vector<1024x128xf32>
    %mul3A_76 = vector.broadcast %get3A_69 : vector<1024x1xf32> to vector<1024x128xf32>
    %mul3A_77 = arith.mulf %mul3A_76, %get3A_75 : vector<1024x128xf32>
    %add3A_78 = arith.addf %add3A_64, %mul3A_77 : vector<1024x128xf32>
    %get3A_79 = arith.constant 0 : index
    %get3A_80 = arith.constant 0 : index
    %get3A_81 = arith.constant 3 : index
    %get3A_82 = vector.load %arg2[%get3A_79, %get3A_80, %get3A_81] : memref<1x1024x4xf32, #tpu.memory_space<vmem>>, vector<1x1024x1xf32>
    %get3A_83 = vector.shape_cast %get3A_82 : vector<1x1024x1xf32> to vector<1024x1xf32>
    %get3A_84 = arith.constant 0 : index
    %get3A_85 = arith.constant 3 : index
    %get3A_86 = arith.constant 0 : index
    %get3A_87 = arith.constant 0 : index
    %get3A_88 = vector.load %arg1[%get3A_84, %get3A_85, %get3A_86, %get3A_87] : memref<1x4x1024x128xf32, #tpu.memory_space<vmem>>, vector<1x1x1024x128xf32>
    %get3A_89 = vector.shape_cast %get3A_88 : vector<1x1x1024x128xf32> to vector<1024x128xf32>
    %mul3A_90 = vector.broadcast %get3A_83 : vector<1024x1xf32> to vector<1024x128xf32>
    %mul3A_91 = arith.mulf %mul3A_90, %get3A_89 : vector<1024x128xf32>
    %add3A_92 = arith.addf %add3A_78, %mul3A_91 : vector<1024x128xf32>
    %get3A_93 = arith.constant 0 : index
    %get3A_94 = arith.constant 0 : index
    %get3A_95 = arith.constant 0 : index
    %get3A_96 = vector.load %arg3[%get3A_93, %get3A_94, %get3A_95] : memref<1x1024x2xf32, #tpu.memory_space<vmem>>, vector<1x1024x1xf32>
    %get3A_97 = vector.shape_cast %get3A_96 : vector<1x1024x1xf32> to vector<1024x1xf32>
    %get3A_98 = arith.constant 0 : index
    %get3A_99 = arith.constant 0 : index
    %get3A_100 = arith.constant 1 : index
    %get3A_101 = vector.load %arg3[%get3A_98, %get3A_99, %get3A_100] : memref<1x1024x2xf32, #tpu.memory_space<vmem>>, vector<1x1024x1xf32>
    %get3A_102 = vector.shape_cast %get3A_101 : vector<1x1024x1xf32> to vector<1024x1xf32>
    %mul3A_103 = vector.broadcast %get3A_97 : vector<1024x1xf32> to vector<1024x128xf32>
    %mul3A_104 = vector.broadcast %get3A_1 : vector<1x128xf32> to vector<1024x128xf32>
    %mul3A_105 = arith.mulf %mul3A_103, %mul3A_104 : vector<1024x128xf32>
    %mul3A_106 = vector.broadcast %get3A_102 : vector<1024x1xf32> to vector<1024x128xf32>
    %mul3A_107 = vector.broadcast %get3A_4 : vector<1x128xf32> to vector<1024x128xf32>
    %mul3A_108 = arith.mulf %mul3A_106, %mul3A_107 : vector<1024x128xf32>
    %add3A_109 = arith.addf %mul3A_105, %mul3A_108 : vector<1024x128xf32>
    %add3A_110 = vector.broadcast %get3A_7 : vector<1x128xf32> to vector<1024x128xf32>
    %add3A_111 = arith.addf %add3A_109, %add3A_110 : vector<1024x128xf32>
    %add3A_112 = arith.addf %add3A_92, %add3A_111 : vector<1024x128xf32>
    %swap3A_113 = arith.constant 0 : index
    %swap3A_114 = arith.constant 1024 : index
    %swap3A_115 = arith.constant 0 : index
    %swap3A_116 = vector.load %arg8[%swap3A_113, %swap3A_114, %swap3A_115] : memref<1x2048x128xf32, #tpu.memory_space<vmem>>, vector<1x1024x128xf32>
    %swap3A_117 = vector.shape_cast %swap3A_116 : vector<1x1024x128xf32> to vector<1024x128xf32>
    %swap3A_118 = vector.shape_cast %add3A_112 : vector<1024x128xf32> to vector<1x1024x128xf32>
    tpu.vector_store %arg8[%swap3A_113, %swap3A_114, %swap3A_115], %swap3A_118 {strides = array<i32>} : memref<1x2048x128xf32, #tpu.memory_space<vmem>>, vector<1x1024x128xf32>,
    return
  }
  func.func @transform_0(%arg0: i32) -> (i32, i32, i32, i32) {
    %c0_i32 = arith.constant 0 : i32
    %c0_i32_0 = arith.constant 0 : i32
    %c0_i32_1 = arith.constant 0 : i32
    %c0_i32_2 = arith.constant 0 : i32
    return %arg0, %c0_i32, %c0_i32_0, %c0_i32_1 : i32, i32, i32, i32
  }
  func.func @transform_1(%arg0: i32) -> (i32, i32, i32) {
    %c0_i32 = arith.constant 0 : i32
    %c0_i32_0 = arith.constant 0 : i32
    %c0_i32_1 = arith.constant 0 : i32
    return %arg0, %c0_i32, %c0_i32_0 : i32, i32, i32
  }
  func.func @transform_2(%arg0: i32) -> (i32, i32, i32) {
    %c0_i32 = arith.constant 0 : i32
    %c0_i32_0 = arith.constant 0 : i32
    %c0_i32_1 = arith.constant 0 : i32
    return %arg0, %c0_i32, %c0_i32_0 : i32, i32, i32
  }
  func.func @transform_3(%arg0: i32) -> (i32, i32, i32) {
    %c0_i32 = arith.constant 0 : i32
    %c0_i32_0 = arith.constant 0 : i32
    %c0_i32_1 = arith.constant 0 : i32
    return %arg0, %c0_i32, %c0_i32_0 : i32, i32, i32
  }
  func.func @transform_4(%arg0: i32) -> (i32, i32, i32) {
    %c0_i32 = arith.constant 0 : i32
    %c0_i32_0 = arith.constant 0 : i32
    %c0_i32_1 = arith.constant 0 : i32
    return %arg0, %c0_i32, %c0_i32_0 : i32, i32, i32
  }
  func.func @transform_5(%arg0: i32) -> (i32, i32) {
    %c0_i32 = arith.constant 0 : i32
    %c0_i32_0 = arith.constant 0 : i32
    %c0_i32_1 = arith.constant 0 : i32
    return %c0_i32, %c0_i32_0 : i32, i32
  }
  func.func @transform_6(%arg0: i32) -> (i32, i32) {
    %c0_i32 = arith.constant 0 : i32
    %c0_i32_0 = arith.constant 0 : i32
    %c0_i32_1 = arith.constant 0 : i32
    return %c0_i32, %c0_i32_0 : i32, i32
  }
  func.func @transform_7(%arg0: i32) -> (i32, i32, i32) {
    %c0_i32 = arith.constant 0 : i32
    %c0_i32_0 = arith.constant 0 : i32
    %c0_i32_1 = arith.constant 0 : i32
    return %arg0, %c0_i32, %c0_i32_0 : i32, i32, i32
  }
}

</mosaic_0001>

<sc_bundles>
// kernel: kernel.12.cloned.1.call-start
scs
__scs_entry_jumppad:
0x0: {  	(pc) =	sbr.rel $0x88, $3  }
0x1: {  	(tag) =	ssettag $0x0;
	lr =	simm.s32 $0x1  }
0x2: {  	[smem:$0x3F99] =	sst lr;
	_ =	strace $0xD0000000  }
0x3: {  	_ = 	snop  }
0x4: {  	_ = 	snop  }
0x5: {  	_ = 	snop  }
0x6: {  	_ = 	snop  }
0x7: {  	_ = 	snop  }
__scs_overlays_trampoline_lowered:
0x8: {  	[smem:$0x3FA8] =	sst s0  }
0x9: {  	[smem:$0x3FA9] =	sst s1  }
0xa: {  	[smem:$0x3FAA] =	sst s2  }
0xb: {  	[smem:$0x3FAB] =	sst s3  }
0xc: {  	[smem:$0x3FAC] =	sst s4  }
0xd: {  	[smem:$0x3FAD] =	sst s5  }
0xe: {  	[smem:$0x3FAE] =	sst s6  }
0xf: {  	[smem:$0x3FAF] =	sst s7  }
0x10: {  	[smem:$0x3FB0] =	sst s8  }
0x11: {  	[smem:$0x3FB1] =	sst s9;
	s0 =	simm.s32 @!p0 $0x0  }
0x12: {  	s1 =	sld [smem:$0x3F97];
	s0 =	simm.s32 @p0 $0x1  }
0x13: {  	[smem:$0x3FB2] =	sst s0;
	s0 =	simm.s32 @!p1 $0x0  }
0x14: {  	s2 =	sld [smem:$0x3F96];
	s0 =	simm.s32 @p1 $0x1  }
0x15: {  	[smem:$0x3FB3] =	sst s0;
	s0 =	simm.s32 @!p2 $0x0  }
0x16: {  	s3 =	sld [smem:$0x3FDB];
	s0 =	simm.s32 @p2 $0x1  }
0x17: {  	s4 =	simm.s32 $0x1BF5;
	[smem:$0x3FB5] =	sst s0  }
0x18: {  	s0 =	sld [smem:$0x3F98];
	_ =	swait.ge [sflag:s4], $0x0  }
0x19: {  	s7 =	sld [smem:$0x3F99]  }
0x1a: {  	s8 =	sadd.s32 $0xFFFFE003, lr  }
0x1b: {  	s9 =	sadd.s32 $0xFFFFFEF7, lr;
	s5 =	simm.s32 $0xFFFFFFFF;
	p2 =	slt.u32 s8, $0xFFFFF086  }
0x1c: {  	p1 =	slt.u32 s9, $0xF7A;
	s5 =	simm.s32 @!p2 $0x0  }
0x1d: {  	s5 =	simm.s32 @p1 $0x1;
	p0 =	seq.s32 s7, s2  }
0x1e: {  	s7 =	smul.u32 @!p0 $0xF7A, s2;
	p2 =	seq.s32 @!p0 s5, $0x0  }
0x1f: {  	s9 =	smul.u32 $0xF7A, s1;
	s8 =	simm.s32 @!p0 $0x1BF5;
	p2 =	por !p2, p0  }
0x20: {  	[sflag:s8] =	ssyncset.s32 @!p0 $0xFFFFF086;
	s6 =	sadd.s32 @!p0 s3, s7;
	s7 =	simm.s32 @!p0 $0x108  }
0x21: {  	s3 =	sadd.s32 s3, s9;
	s6 =	sadd.s32 @!p0 $0x88, s6;
	s7 =	simm.s32 @p2 $0x1082  }
0x22: {  	[simem:s7], [sflag:s8] =	dma.local @!p0 [hbm:s6], $0xF7A  }
0x23: {  	s9 =	sor.u32 $0xD0000000, s2;
	s6 =	simm.s32 $0x108;
	_ =	swait.ge @!p0 [sflag:s8], $0x0  }
0x24: {  	s3 =	sadd.s32 $0x88, s3;
	s6 =	simm.s32 @!p1 $0x1082;
	[sflag:s4] =	ssyncset.s32 $0xFFFFF086  }
0x25: {  	[simem:s6], [sflag:s4] =	dma.local [hbm:s3], $0xF7A  }
0x26: {  	[smem:$0x3F99] =	sst s1;
	(tag) =	ssettag s2;
	_ =	strace s9  }
0x27: {  	s1 =	sld [smem:$0x3FA9]  }
0x28: {  	s2 =	sld [smem:$0x3FAA]  }
0x29: {  	s4 =	sld [smem:$0x3FAC]  }
0x2a: {  	p0 =	seq.s32 s5, $0x0;
	s5 =	sld [smem:$0x3FAD]  }
0x2b: {  	s6 =	sld [smem:$0x3FAE]  }
0x2c: {  	s7 =	sld [smem:$0x3FAF]  }
0x2d: {  	s3 =	simm.s32 $0x108;
	s8 =	sld [smem:$0x3FB0]  }
0x2e: {  	s3 =	simm.s32 @!p0 $0x1082;
	s9 =	sld [smem:$0x3FB1]  }
0x2f: {  	lr =	sadd.s32 s0, s3;
	s0 =	sld [smem:$0x3FA8]  }
0x30: {  	s3 =	sld [smem:$0x3FAB]  }
0x31: {  	[smem:$0x3FB4] =	sst s10  }
0x32: {  	s10 =	sld [smem:$0x3FB2];
	_ =	sdelay $0x3  }
0x33: {  	p0 =	seq.s32 s10, $0x1;
	s10 =	sld [smem:$0x3FB4];
	_ =	sdelay $0x3  }
0x34: {  	[smem:$0x3FB4] =	sst s10  }
0x35: {  	s10 =	sld [smem:$0x3FB3];
	_ =	sdelay $0x3  }
0x36: {  	p1 =	seq.s32 s10, $0x1;
	s10 =	sld [smem:$0x3FB4];
	_ =	sdelay $0x3  }
0x37: {  	[smem:$0x3FB4] =	sst s10  }
0x38: {  	s10 =	sld [smem:$0x3FB5]  }
0x39: {  	_ = 	snop;
	(pc) =	sbr.ind lr, $3  }
0x3a: {  	_ = 	snop  }
0x3b: {  	_ = 	snop  }
0x3c: {  	p2 =	seq.s32 s10, $0x1;
	s10 =	sld [smem:$0x3FB4]  }
0x3d: {  	_ =	shalt  }
0x3e: {  	_ =	shalt  }
0x3f: {  	_ =	shalt  }
0x40: {  	_ =	shalt  }
0x41: {  	_ =	shalt  }
0x42: {  	_ =	shalt  }
0x43: {  	_ =	shalt  }
0x44: {  	_ =	shalt  }
0x45: {  	_ =	shalt  }
0x46: {  	_ =	shalt  }
0x47: {  	_ =	shalt  }
0x48: {  	_ =	shalt  }
0x49: {  	_ =	shalt  }
0x4a: {  	_ =	shalt  }
0x4b: {  	_ =	shalt  }
0x4c: {  	_ =	shalt  }
0x4d: {  	_ =	shalt  }
0x4e: {  	_ =	shalt  }
0x4f: {  	_ =	shalt  }
0x50: {  	_ =	shalt  }
0x51: {  	_ =	shalt  }
0x52: {  	_ =	shalt  }
0x53: {  	_ =	shalt  }
0x54: {  	_ =	shalt  }
0x55: {  	_ =	shalt  }
0x56: {  	_ =	shalt  }
0x57: {  	_ =	shalt  }
0x58: {  	_ =	shalt  }
0x59: {  	_ =	shalt  }
0x5a: {  	_ =	shalt  }
0x5b: {  	_ =	shalt  }
0x5c: {  	_ =	shalt  }
0x5d: {  	_ =	shalt  }
0x5e: {  	_ =	shalt  }
0x5f: {  	_ =	shalt  }
0x60: {  	_ =	shalt  }
0x61: {  	_ =	shalt  }
0x62: {  	_ =	shalt  }
0x63: {  	_ =	shalt  }
0x64: {  	_ =	shalt  }
0x65: {  	_ =	shalt  }
0x66: {  	_ =	shalt  }
0x67: {  	_ =	shalt  }
0x68: {  	_ =	shalt  }
0x69: {  	_ =	shalt  }
0x6a: {  	_ =	shalt  }
0x6b: {  	_ =	shalt  }
0x6c: {  	_ =	shalt  }
0x6d: {  	_ =	shalt  }
0x6e: {  	_ =	shalt  }
0x6f: {  	_ =	shalt  }
0x70: {  	_ =	shalt  }
0x71: {  	_ =	shalt  }
0x72: {  	_ =	shalt  }
0x73: {  	_ =	shalt  }
0x74: {  	_ =	shalt  }
0x75: {  	_ =	shalt  }
0x76: {  	_ =	shalt  }
0x77: {  	_ =	shalt  }
0x78: {  	_ =	shalt  }
0x79: {  	_ =	shalt  }
0x7a: {  	_ =	shalt  }
0x7b: {  	_ =	shalt  }
0x7c: {  	_ =	shalt  }
0x7d: {  	_ =	shalt  }
0x7e: {  	_ =	shalt  }
0x7f: {  	_ =	shalt  }
0x80: {  	_ =	shalt  }
0x81: {  	_ =	shalt  }
0x82: {  	_ =	shalt  }
0x83: {  	_ =	shalt  }
0x84: {  	_ =	shalt  }
0x85: {  	_ =	shalt  }
0x86: {  	_ =	shalt  }
0x87: {  	_ =	shalt  }
.Lfunc_end0:
.L_simem_size_0:
called_computation.1_lowered:
.L_overlay_start_0:
0x88: {  	s2 =	sld [smem:$0x3FD9]  }
0x89: {  	s3 =	sld [smem:$0x3FFE];
	_ =	sdelay $0x1  }
0x8a: {  	s1 =	srdreg.scid  }
0x8b: {  	s0 =	sand.u32 $0x1, s1  }
0x8c: {  	s16 =	sshll.u32 s0, $0xA;
	s2 =	sadd.s32 s3, s2  }
0x8d: {  	s2 =	sadd.s32 s2, s16  }
0x8e: {  	[smem:$0x3FC0] =	sst s2  }
0x8f: {  	_ = 	snop  }
0x90: {  	(tm) =	ssettm $0x1  }
0x91: {  	s17 =	sld [smem:$0x3FFB];
	_ =	sdelay $0x3  }
0x92: {  	_ =	strace s17  }
0x93: {  	s2 =	sld [smem:$0x3FFC];
	_ =	sdelay $0x3  }
0x94: {  	_ =	strace s2  }
0x95: {  	s2 =	sld [smem:$0x3FFD];
	_ =	sdelay $0x3  }
0x96: {  	_ =	strace s2  }
0x97: {  	_ =	strace $0x8FFFFFFF  }
0x98: {  	s18 =	sld [smem:$0x3FDB];
	_ =	sdelay $0x1  }
0x99: {  	s19 =	simm.s32 $_scs_section_size  }
0x9a: {  	s4 =	simm.s32 $_size__tile_overlayer_lowered;
	s5 =	simm.s32 $_tile_overlayer_lowered  }
0x9b: {  	s22 =	simm.s32 $0x1BFF;
	s21 =	sshll.u32 s5, $0x1;
	s2 =	sadd.s32 s19, s18  }
0x9c: {  	s6 =	simm.s32 $0x0;
	s20 =	sshll.u32 s4, $0x1;
	s4 =	sadd.s32 s21, s2  }
0x9d: {  	[timem:s6], [sflag:s22] =	dma.local [hbm:s4], s20  }
0x9e: {  	_ =	swait.ge [sflag:s22], s20  }
0x9f: {  	s3 =	ssub.s32 $0x0, s20;
	[sflag:s22] =	ssyncset.done $0x0  }
0xa0: {  	[sflag:s22] =	ssyncadd.s32 s3;
	_ =	sdelay $0x1  }
0xa1: {  	s23 =	simm.s32 $0x1B8B  }
0xa2: {  	_ =	swait.ge [sflag:s23], $0x1  }
0xa3: {  	[sflag:s23] =	ssyncset.done $0x0  }
0xa4: {  	s25 =	simm.s32 $0x1B8E;
	s24 =	sld [smem:$0x3FFE];
	[sflag:s23] =	ssyncadd.s32 $0xFFFFFFFF  }
0xa5: {  	s26 =	simm.s32 $execute0_lowered;
	[smem:$0x3FD2] =	sst s25  }
0xa6: {  	s4 =	sshll.u32 s26, $0x1;
	_ =	strace $0x80000049;
	[dreg:$0x1] =	wrdreg $0xFFFFFFFF  }
0xa7: {  	s28 =	simm.s32 $_size_execute0_lowered;
	s2 =	sadd.s32 s2, s4;
	[dreg:$0x0] =	wrdreg $0x0  }
0xa8: {  	s4 =	sshll.u32 s28, $0x1;
	[dreg:$0x2] =	wrdreg s2  }
0xa9: {  	[dreg:$0x3] =	wrdreg s4  }
0xaa: {  	[dreg:$0x4] =	wrdreg $0xC0  }
0xab: {  	_ =	task [dreg:s6], $0x5FFFF  }
0xac: {  	[dreg:$0x1] =	wrdreg $0xFFFFFFFF  }
0xad: {  	[dreg:$0x0] =	wrdreg $0x60  }
0xae: {  	[dreg:$0x2] =	wrdreg s24  }
0xaf: {  	[dreg:$0x3] =	wrdreg $0x9  }
0xb0: {  	_ =	task.clear_ibuf [dreg:s6], $0x4FFFF;
	_ =	strace $0x90000049  }
0xb1: {  	s29 =	simm.s32 $0x9;
	_ =	strace $0x8000004B  }
0xb2: {  	_ =	swait.ge [sflag:s29], $0x1  }
0xb3: {  	[sflag:s29] =	ssyncadd.s32 $0xFFFFFFFF  }
0xb4: {  	_ =	strace $0x9000004B  }
0xb5: {  	_ =	sfence  }
0xb6: {  	s30 =	sld [smem:$0x0];
	_ =	sdelay $0x2  }
0xb7: {  	s31 =	sshll.u32 s1, $0xD;
	s1 =	sshrl.u32 s1, $0x2  }
0xb8: {  	s3 =	sand.u32 $0x4000, s31;
	s1 =	sadd.s32 s1, s30  }
0xb9: {  	s0 =	sor.u32 s3, s0;
	s1 =	sshll.u32 s1, $0x11  }
0xba: {  	s0 =	sor.u32 s1, s0  }
0xbb: {  	s0 =	sadd.s32 $0x8F2B, s0  }
0xbc: {  	[sflag:s0] =	ssyncadd.remote.s32 $0x1  }
0xbd: {  	_ =	sfence.sel $0xFFFF  }
0xbe: {  	[dreg:$0x0] =	wrdreg $0xFFFFFFFF;
	(pc) =	sbr.abs _section_cstart, $3  }
0xbf: {  	[dreg:$0x1] =	wrdreg $0xFFFFFFFF  }
0xc0: {  	_ =	task.clear_ibuf [dreg:s6], $0x2FFFF;
	_ =	strace $0x9FFFFFFF  }
0xc1: {  	(tm) =	ssettm $0x7FFFFFFF  }
tec
execute0_lowered:
.L_overlay_start_1:
0x0: {  	(tag) =	ssettag $0x1  }
0x1: {  	s1 =	srdreg.scid  }
0x2: {  	s0 =	stileid.u32;
	s19 =	sand.u32 $0x1, s1  }
0x3: {  	s9 =	rddreg [dreg:$0x0];
	s17 =	sshll.u32 s0, $0x8;
	s3 =	sshll.u32 s19, $0xE  }
0x4: {  	s2 =	simm.s32 $0x0;
	s1 =	rddreg [dreg:$0x1];
	s3 =	sor.u32 s17, s3  }
0x5: {  	[smem:$0x7FF] =	sst s2;
	s21 =	sadd.s32 $0x104000, s9;
	s3 =	sshrl.u32 s3, $0x3  }
0x6: {  	_ =	strace $0x8000004A;
	s4 =	sadd.s32 s21, s3;
	s3 =	simm.s32 $0x2  }
0x7: {  	[tilespmem:s2], [sflag:$0x2] =	stream.linear.gather [hbm4b:s4+s2], $0x100, $0x38;
	[tilespmem:$0x8100] =	vst v63  }
0x8: {  	s6 =	simm.s32 $0x80;
	s7 =	simm.s32 $0x100;
	_ =	swait.ge [sflag:s3], $0x100  }
0x9: {  	s18 =	sadd.s32 $0x3000, s9;
	s5 =	sshll.u32 s19, $0x12;
	[sflag:s3] =	ssyncset.done $0x0  }
0xa: {  	s8 =	simm.s32 $0x1;
	s5 =	sadd.s32 s18, s5;
	[sflag:s3] =	ssyncadd.s32 $0xFFFFFF00  }
0xb: {  	[tilespmem:s7], [sflag:$0x1] =	stream.indirect.gather [hbm4b:s5+s6], $0x80, s2, s6, $0xb8;
	[tilespmem:$0x8100] =	vst v63  }
0xc: {  	_ =	swait.ge [sflag:s8], $0x4000  }
0xd: {  	s20 =	sadd.s32 $0x83000, s9;
	s22 =	sshll.u32 s0, $0xF;
	[sflag:s8] =	ssyncset.done $0x0  }
0xe: {  	s9 =	simm.s32 $0x4100;
	s10 =	sshll.u32 s19, $0x15;
	[sflag:s8] =	ssyncadd.s32 $0xFFFFC000  }
0xf: {  	[tilespmem:s9], [sflag:$0x1] =	stream.indirect.gather [hbm4b:s5+s6], $0x80, s6, s6, $0xb8;
	[tilespmem:$0x8100] =	vst v63  }
0x10: {  	s13 =	sshll.u32 s19, $0x2;
	s10 =	sor.u32 s22, s10;
	_ =	swait.ge [sflag:s8], $0x4000  }
0x11: {  	s14 =	sor.u32 $0x1, s13;
	s10 =	sshrl.u32 s10, $0x3;
	[sflag:s8] =	ssyncset.done $0x0  }
0x12: {  	s11 =	sshll.u32 s14, $0xC;
	s10 =	sadd.s32 s20, s10;
	[sflag:s8] =	ssyncadd.s32 $0xFFFFC000  }
0x13: {  	[hbm4b:s10+s2] =	stream.linear.scatter [tilespmem:s7], [sflag:$0x2], $0x8000, $0x38;
	[tilespmem:$0x8100] =	vst v63  }
0x14: {  	s11 =	sor.u32 s17, s11;
	_ =	swait.ge [sflag:s3], $0x8000  }
0x15: {  	s11 =	sshrl.u32 s11, $0x3;
	[sflag:s3] =	ssyncset.done $0x0  }
0x16: {  	s11 =	sadd.s32 s21, s11;
	[sflag:s3] =	ssyncadd.s32 $0xFFFF8000  }
0x17: {  	[tilespmem:s2], [sflag:$0x2] =	stream.linear.gather [hbm4b:s11+s2], $0x100, $0x38;
	[tilespmem:$0x8100] =	vst v63  }
0x18: {  	_ =	swait.ge [sflag:s3], $0x100  }
0x19: {  	s12 =	sshll.u32 s14, $0x10;
	[sflag:s3] =	ssyncset.done $0x0  }
0x1a: {  	s12 =	sadd.s32 s18, s12;
	[sflag:s3] =	ssyncadd.s32 $0xFFFFFF00  }
0x1b: {  	[tilespmem:s7], [sflag:$0x1] =	stream.indirect.gather [hbm4b:s12+s6], $0x80, s2, s6, $0xb8;
	[tilespmem:$0x8100] =	vst v63  }
0x1c: {  	_ =	swait.ge [sflag:s8], $0x4000  }
0x1d: {  	[sflag:s8] =	ssyncset.done $0x0  }
0x1e: {  	s14 =	sshll.u32 s14, $0x13;
	[sflag:s8] =	ssyncadd.s32 $0xFFFFC000  }
0x1f: {  	[tilespmem:s9], [sflag:$0x1] =	stream.indirect.gather [hbm4b:s12+s6], $0x80, s6, s6, $0xb8;
	[tilespmem:$0x8100] =	vst v63  }
0x20: {  	s14 =	sor.u32 s22, s14;
	_ =	swait.ge [sflag:s8], $0x4000  }
0x21: {  	s16 =	sor.u32 $0x2, s13;
	s14 =	sshrl.u32 s14, $0x3;
	[sflag:s8] =	ssyncset.done $0x0  }
0x22: {  	s25 =	sshll.u32 s16, $0xC;
	s13 =	sadd.s32 s20, s14;
	[sflag:s8] =	ssyncadd.s32 $0xFFFFC000  }
0x23: {  	[hbm4b:s13+s2] =	stream.linear.scatter [tilespmem:s7], [sflag:$0x2], $0x8000, $0x38;
	[tilespmem:$0x8100] =	vst v63  }
0x24: {  	s14 =	sor.u32 s17, s25;
	_ =	swait.ge [sflag:s3], $0x8000  }
0x25: {  	s14 =	sshrl.u32 s14, $0x3;
	[sflag:s3] =	ssyncset.done $0x0  }
0x26: {  	s14 =	sadd.s32 s21, s14;
	[sflag:s3] =	ssyncadd.s32 $0xFFFF8000  }
0x27: {  	[tilespmem:s2], [sflag:$0x2] =	stream.linear.gather [hbm4b:s14+s2], $0x100, $0x38;
	[tilespmem:$0x8100] =	vst v63  }
0x28: {  	_ =	swait.ge [sflag:s3], $0x100  }
0x29: {  	s15 =	sshll.u32 s16, $0x10;
	[sflag:s3] =	ssyncset.done $0x0  }
0x2a: {  	s15 =	sadd.s32 s18, s15;
	[sflag:s3] =	ssyncadd.s32 $0xFFFFFF00  }
0x2b: {  	[tilespmem:s7], [sflag:$0x1] =	stream.indirect.gather [hbm4b:s15+s6], $0x80, s2, s6, $0xb8;
	[tilespmem:$0x8100] =	vst v63  }
0x2c: {  	_ =	swait.ge [sflag:s8], $0x4000  }
0x2d: {  	[sflag:s8] =	ssyncset.done $0x0  }
0x2e: {  	s16 =	sshll.u32 s16, $0x13;
	[sflag:s8] =	ssyncadd.s32 $0xFFFFC000  }
0x2f: {  	[tilespmem:s9], [sflag:$0x1] =	stream.indirect.gather [hbm4b:s15+s6], $0x80, s6, s6, $0xb8;
	[tilespmem:$0x8100] =	vst v63  }
0x30: {  	s16 =	sor.u32 s22, s16;
	_ =	swait.ge [sflag:s8], $0x4000  }
0x31: {  	s23 =	sshllo.u32 s19, $0x2;
	s16 =	sshrl.u32 s16, $0x3;
	[sflag:s8] =	ssyncset.done $0x0  }
0x32: {  	s24 =	sshll.u32 s23, $0xC;
	s16 =	sadd.s32 s20, s16;
	[sflag:s8] =	ssyncadd.s32 $0xFFFFC000  }
0x33: {  	[hbm4b:s16+s2] =	stream.linear.scatter [tilespmem:s7], [sflag:$0x2], $0x8000, $0x38;
	[tilespmem:$0x8100] =	vst v63  }
0x34: {  	s17 =	sor.u32 s17, s24;
	_ =	swait.ge [sflag:s3], $0x8000  }
0x35: {  	s17 =	sshrl.u32 s17, $0x3;
	[sflag:s3] =	ssyncset.done $0x0  }
0x36: {  	s17 =	sadd.s32 s21, s17;
	[sflag:s3] =	ssyncadd.s32 $0xFFFF8000  }
0x37: {  	[tilespmem:s2], [sflag:$0x2] =	stream.linear.gather [hbm4b:s17+s2], $0x100, $0x38;
	[tilespmem:$0x8100] =	vst v63  }
0x38: {  	_ =	swait.ge [sflag:s3], $0x100  }
0x39: {  	s26 =	sshll.u32 s23, $0x10;
	[sflag:s3] =	ssyncset.done $0x0  }
0x3a: {  	s19 =	ssub.s32 $0x2, s19;
	s18 =	sadd.s32 s18, s26;
	[sflag:s3] =	ssyncadd.s32 $0xFFFFFF00  }
0x3b: {  	[tilespmem:s7], [sflag:$0x1] =	stream.indirect.gather [hbm4b:s18+s6], $0x80, s2, s6, $0xb8;
	[tilespmem:$0x8100] =	vst v63  }
0x3c: {  	s28 =	sshll.u32 s23, $0x13;
	s29 =	sshrl.u32 s19, $0x1;
	_ =	swait.ge [sflag:s8], $0x4000  }
0x3d: {  	s21 =	sor.u32 s22, s28;
	s22 =	ssub.s32 s19, s29;
	[sflag:s8] =	ssyncset.done $0x0  }
0x3e: {  	s31 =	smax.u32 s22, $0x1;
	[sflag:s8] =	ssyncadd.s32 $0xFFFFC000  }
0x3f: {  	[tilespmem:s9], [sflag:$0x1] =	stream.indirect.gather [hbm4b:s18+s6], $0x80, s6, s6, $0xb8;
	[tilespmem:$0x8100] =	vst v63  }
0x40: {  	p0 =	sne.s32 s31, $0x1;
	_ =	swait.ge [sflag:s8], $0x4000  }
.Ltmp0:
0x41: {  	s30 =	sshrl.u32 s21, $0x3;
	[sflag:s8] =	ssyncset.done $0x0;
	(pc) =	sbr.rel @!p0 .LBB2_2-.Ltmp0, $4  }
0x42: {  	s19 =	sadd.s32 s20, s30;
	[sflag:s8] =	ssyncadd.s32 $0xFFFFC000  }
0x43: {  	[hbm4b:s19+s2] =	stream.linear.scatter [tilespmem:s7], [sflag:$0x2], $0x8000, $0x38;
	[tilespmem:$0x8100] =	vst v63  }
0x44: {  	_ =	swait.ge [sflag:s3], $0x8000  }
0x45: {  	s20 =	sadd.s32 $0xFFFFFFFF, s31;
	[sflag:s3] =	ssyncset.done $0x0  }
.LBB2_1:
0x46: {  	p0 =	sne.s32 s20, $0x1;
	s20 =	sadd.s32 $0xFFFFFFFF, s20;
	[sflag:s3] =	ssyncadd.s32 $0xFFFF8000  }
0x47: {  	[tilespmem:s2], [sflag:$0x2] =	stream.linear.gather [hbm4b:s4+s2], $0x100, $0x38;
	[tilespmem:$0x8100] =	vst v63  }
0x48: {  	_ =	swait.ge [sflag:s3], $0x100  }
0x49: {  	[sflag:s3] =	ssyncset.done $0x0  }
0x4a: {  	[sflag:s3] =	ssyncadd.s32 $0xFFFFFF00  }
0x4b: {  	[tilespmem:s7], [sflag:$0x1] =	stream.indirect.gather [hbm4b:s5+s6], $0x80, s2, s6, $0xb8;
	[tilespmem:$0x8100] =	vst v63  }
0x4c: {  	_ =	swait.ge [sflag:s8], $0x4000  }
0x4d: {  	[sflag:s8] =	ssyncset.done $0x0  }
0x4e: {  	[sflag:s8] =	ssyncadd.s32 $0xFFFFC000  }
0x4f: {  	[tilespmem:s9], [sflag:$0x1] =	stream.indirect.gather [hbm4b:s5+s6], $0x80, s6, s6, $0xb8;
	[tilespmem:$0x8100] =	vst v63  }
0x50: {  	_ =	swait.ge [sflag:s8], $0x4000  }
0x51: {  	[sflag:s8] =	ssyncset.done $0x0  }
0x52: {  	[sflag:s8] =	ssyncadd.s32 $0xFFFFC000  }
0x53: {  	[hbm4b:s10+s2] =	stream.linear.scatter [tilespmem:s7], [sflag:$0x2], $0x8000, $0x38;
	[tilespmem:$0x8100] =	vst v63  }
0x54: {  	_ =	swait.ge [sflag:s3], $0x8000  }
0x55: {  	[sflag:s3] =	ssyncset.done $0x0  }
0x56: {  	[sflag:s3] =	ssyncadd.s32 $0xFFFF8000  }
0x57: {  	[tilespmem:s2], [sflag:$0x2] =	stream.linear.gather [hbm4b:s11+s2], $0x100, $0x38;
	[tilespmem:$0x8100] =	vst v63  }
0x58: {  	_ =	swait.ge [sflag:s3], $0x100  }
0x59: {  	[sflag:s3] =	ssyncset.done $0x0  }
0x5a: {  	[sflag:s3] =	ssyncadd.s32 $0xFFFFFF00  }
0x5b: {  	[tilespmem:s7], [sflag:$0x1] =	stream.indirect.gather [hbm4b:s12+s6], $0x80, s2, s6, $0xb8;
	[tilespmem:$0x8100] =	vst v63  }
0x5c: {  	_ =	swait.ge [sflag:s8], $0x4000  }
0x5d: {  	[sflag:s8] =	ssyncset.done $0x0  }
0x5e: {  	[sflag:s8] =	ssyncadd.s32 $0xFFFFC000  }
0x5f: {  	[tilespmem:s9], [sflag:$0x1] =	stream.indirect.gather [hbm4b:s12+s6], $0x80, s6, s6, $0xb8;
	[tilespmem:$0x8100] =	vst v63  }
0x60: {  	_ =	swait.ge [sflag:s8], $0x4000  }
0x61: {  	[sflag:s8] =	ssyncset.done $0x0  }
0x62: {  	[sflag:s8] =	ssyncadd.s32 $0xFFFFC000  }
0x63: {  	[hbm4b:s13+s2] =	stream.linear.scatter [tilespmem:s7], [sflag:$0x2], $0x8000, $0x38;
	[tilespmem:$0x8100] =	vst v63  }
0x64: {  	_ =	swait.ge [sflag:s3], $0x8000  }
0x65: {  	[sflag:s3] =	ssyncset.done $0x0  }
0x66: {  	[sflag:s3] =	ssyncadd.s32 $0xFFFF8000  }
0x67: {  	[tilespmem:s2], [sflag:$0x2] =	stream.linear.gather [hbm4b:s14+s2], $0x100, $0x38;
	[tilespmem:$0x8100] =	vst v63  }
0x68: {  	_ =	swait.ge [sflag:s3], $0x100  }
0x69: {  	[sflag:s3] =	ssyncset.done $0x0  }
0x6a: {  	[sflag:s3] =	ssyncadd.s32 $0xFFFFFF00  }
0x6b: {  	[tilespmem:s7], [sflag:$0x1] =	stream.indirect.gather [hbm4b:s15+s6], $0x80, s2, s6, $0xb8;
	[tilespmem:$0x8100] =	vst v63  }
0x6c: {  	_ =	swait.ge [sflag:s8], $0x4000  }
0x6d: {  	[sflag:s8] =	ssyncset.done $0x0  }
0x6e: {  	[sflag:s8] =	ssyncadd.s32 $0xFFFFC000  }
0x6f: {  	[tilespmem:s9], [sflag:$0x1] =	stream.indirect.gather [hbm4b:s15+s6], $0x80, s6, s6, $0xb8;
	[tilespmem:$0x8100] =	vst v63  }
0x70: {  	_ =	swait.ge [sflag:s8], $0x4000  }
0x71: {  	[sflag:s8] =	ssyncset.done $0x0  }
0x72: {  	[sflag:s8] =	ssyncadd.s32 $0xFFFFC000  }
0x73: {  	[hbm4b:s16+s2] =	stream.linear.scatter [tilespmem:s7], [sflag:$0x2], $0x8000, $0x38;
	[tilespmem:$0x8100] =	vst v63  }
0x74: {  	_ =	swait.ge [sflag:s3], $0x8000  }
0x75: {  	[sflag:s3] =	ssyncset.done $0x0  }
0x76: {  	[sflag:s3] =	ssyncadd.s32 $0xFFFF8000  }
0x77: {  	[tilespmem:s2], [sflag:$0x2] =	stream.linear.gather [hbm4b:s17+s2], $0x100, $0x38;
	[tilespmem:$0x8100] =	vst v63  }
0x78: {  	_ =	swait.ge [sflag:s3], $0x100  }
0x79: {  	[sflag:s3] =	ssyncset.done $0x0  }
0x7a: {  	[sflag:s3] =	ssyncadd.s32 $0xFFFFFF00  }
0x7b: {  	[tilespmem:s7], [sflag:$0x1] =	stream.indirect.gather [hbm4b:s18+s6], $0x80, s2, s6, $0xb8;
	[tilespmem:$0x8100] =	vst v63  }
0x7c: {  	_ =	swait.ge [sflag:s8], $0x4000  }
0x7d: {  	[sflag:s8] =	ssyncset.done $0x0  }
0x7e: {  	[sflag:s8] =	ssyncadd.s32 $0xFFFFC000  }
0x7f: {  	[tilespmem:s9], [sflag:$0x1] =	stream.indirect.gather [hbm4b:s18+s6], $0x80, s6, s6, $0xb8;
	[tilespmem:$0x8100] =	vst v63  }
0x80: {  	_ =	swait.ge [sflag:s8], $0x4000  }
.Ltmp1:
0x81: {  	[sflag:s8] =	ssyncset.done $0x0;
	(pc) =	sbr.rel @p0 .LBB2_1-.Ltmp1, $4  }
0x82: {  	[sflag:s8] =	ssyncadd.s32 $0xFFFFC000  }
0x83: {  	[hbm4b:s19+s2] =	stream.linear.scatter [tilespmem:s7], [sflag:$0x2], $0x8000, $0x38;
	[tilespmem:$0x8100] =	vst v63  }
0x84: {  	_ =	swait.ge [sflag:s3], $0x8000  }
0x85: {  	[sflag:s3] =	ssyncset.done $0x0  }
.LBB2_2:
0x86: {  	[sflag:s3] =	ssyncadd.s32 $0xFFFF8000  }
0x87: {  	_ =	sfence.sel $0x180000  }
0x88: {  	[bflag:$0x0] =	sbarrier.arrive $0xFFFF  }
0x89: {  	p0 =	sne.s32 s0, $0x0;
	_ =	strace $0x9000004A  }
0x8a: {  	s0 =	sadd.s32 @!p0 $0x100000, s1;
	[bflag:$0x2] =	sbarrier.arrive $0xFFFF  }
0x8b: {  	[sflag:s0] =	ssyncadd.tile.s32 @!p0 $0x1;
	_ =	shalt  }
.Lfunc_end2:
_tile_overlayer_lowered:
.L_overlay_start_2:
0x8c: {  	(tag) =	ssettag $0x2  }
0x8d: {  	s0 =	rddreg [dreg:$0x0];
	s2 =	stileid.u32  }
0x8e: {  	s1 =	rddreg [dreg:$0x1];
	p0 =	sne.s32 s2, $0x0  }
0x8f: {  	s3 =	rddreg [dreg:$0x2];
	[bflag:$0x3] =	sbarrier.arrive $0xFFFF;
	s2 =	simm.s32 @!p0 $0x1C02  }
0x90: {  	[timem:s3], [sflag:s2] =	dma.local @!p0 [hbm:s0], s1  }
0x91: {  	s0 =	simm.s32 @!p0 $0x2  }
0x92: {  	_ =	swait.ge @!p0 [sflag:s0], s1  }
0x93: {  	s1 =	ssub.s32 @!p0 $0x0, s1;
	[sflag:s0] =	ssyncset.done @!p0 $0x0  }
0x94: {  	[sflag:s0] =	ssyncadd.s32 @!p0 s1  }
0x95: {  	[bflag:$0x3] =	sbarrier.arrive $0xFFFF  }
0x96: {  	_ =	shalt  }

// kernel: kernel.9.cloned.1.call-start
scs
__scs_entry_jumppad:
0x0: {  	(pc) =	sbr.rel $0x88, $3  }
0x1: {  	(tag) =	ssettag $0x0;
	lr =	simm.s32 $0x1  }
0x2: {  	[smem:$0x3F99] =	sst lr;
	_ =	strace $0xD0000000  }
0x3: {  	_ = 	snop  }
0x4: {  	_ = 	snop  }
0x5: {  	_ = 	snop  }
0x6: {  	_ = 	snop  }
0x7: {  	_ = 	snop  }
__scs_overlays_trampoline_lowered:
0x8: {  	[smem:$0x3FA8] =	sst s0  }
0x9: {  	[smem:$0x3FA9] =	sst s1  }
0xa: {  	[smem:$0x3FAA] =	sst s2  }
0xb: {  	[smem:$0x3FAB] =	sst s3  }
0xc: {  	[smem:$0x3FAC] =	sst s4  }
0xd: {  	[smem:$0x3FAD] =	sst s5  }
0xe: {  	[smem:$0x3FAE] =	sst s6  }
0xf: {  	[smem:$0x3FAF] =	sst s7  }
0x10: {  	[smem:$0x3FB0] =	sst s8  }
0x11: {  	[smem:$0x3FB1] =	sst s9;
	s0 =	simm.s32 @!p0 $0x0  }
0x12: {  	s1 =	sld [smem:$0x3F97];
	s0 =	simm.s32 @p0 $0x1  }
0x13: {  	[smem:$0x3FB2] =	sst s0;
	s0 =	simm.s32 @!p1 $0x0  }
0x14: {  	s2 =	sld [smem:$0x3F96];
	s0 =	simm.s32 @p1 $0x1  }
0x15: {  	[smem:$0x3FB3] =	sst s0;
	s0 =	simm.s32 @!p2 $0x0  }
0x16: {  	s3 =	sld [smem:$0x3FDB];
	s0 =	simm.s32 @p2 $0x1  }
0x17: {  	s4 =	simm.s32 $0x1BF5;
	[smem:$0x3FB5] =	sst s0  }
0x18: {  	s0 =	sld [smem:$0x3F98];
	_ =	swait.ge [sflag:s4], $0x0  }
0x19: {  	s7 =	sld [smem:$0x3F99]  }
0x1a: {  	s8 =	sadd.s32 $0xFFFFE003, lr  }
0x1b: {  	s9 =	sadd.s32 $0xFFFFFEF7, lr;
	s5 =	simm.s32 $0xFFFFFFFF;
	p2 =	slt.u32 s8, $0xFFFFF086  }
0x1c: {  	p1 =	slt.u32 s9, $0xF7A;
	s5 =	simm.s32 @!p2 $0x0  }
0x1d: {  	s5 =	simm.s32 @p1 $0x1;
	p0 =	seq.s32 s7, s2  }
0x1e: {  	s7 =	smul.u32 @!p0 $0xF7A, s2;
	p2 =	seq.s32 @!p0 s5, $0x0  }
0x1f: {  	s9 =	smul.u32 $0xF7A, s1;
	s8 =	simm.s32 @!p0 $0x1BF5;
	p2 =	por !p2, p0  }
0x20: {  	[sflag:s8] =	ssyncset.s32 @!p0 $0xFFFFF086;
	s6 =	sadd.s32 @!p0 s3, s7;
	s7 =	simm.s32 @!p0 $0x108  }
0x21: {  	s3 =	sadd.s32 s3, s9;
	s6 =	sadd.s32 @!p0 $0x88, s6;
	s7 =	simm.s32 @p2 $0x1082  }
0x22: {  	[simem:s7], [sflag:s8] =	dma.local @!p0 [hbm:s6], $0xF7A  }
0x23: {  	s9 =	sor.u32 $0xD0000000, s2;
	s6 =	simm.s32 $0x108;
	_ =	swait.ge @!p0 [sflag:s8], $0x0  }
0x24: {  	s3 =	sadd.s32 $0x88, s3;
	s6 =	simm.s32 @!p1 $0x1082;
	[sflag:s4] =	ssyncset.s32 $0xFFFFF086  }
0x25: {  	[simem:s6], [sflag:s4] =	dma.local [hbm:s3], $0xF7A  }
0x26: {  	[smem:$0x3F99] =	sst s1;
	(tag) =	ssettag s2;
	_ =	strace s9  }
0x27: {  	s1 =	sld [smem:$0x3FA9]  }
0x28: {  	s2 =	sld [smem:$0x3FAA]  }
0x29: {  	s4 =	sld [smem:$0x3FAC]  }
0x2a: {  	p0 =	seq.s32 s5, $0x0;
	s5 =	sld [smem:$0x3FAD]  }
0x2b: {  	s6 =	sld [smem:$0x3FAE]  }
0x2c: {  	s7 =	sld [smem:$0x3FAF]  }
0x2d: {  	s3 =	simm.s32 $0x108;
	s8 =	sld [smem:$0x3FB0]  }
0x2e: {  	s3 =	simm.s32 @!p0 $0x1082;
	s9 =	sld [smem:$0x3FB1]  }
0x2f: {  	lr =	sadd.s32 s0, s3;
	s0 =	sld [smem:$0x3FA8]  }
0x30: {  	s3 =	sld [smem:$0x3FAB]  }
0x31: {  	[smem:$0x3FB4] =	sst s10  }
0x32: {  	s10 =	sld [smem:$0x3FB2];
	_ =	sdelay $0x3  }
0x33: {  	p0 =	seq.s32 s10, $0x1;
	s10 =	sld [smem:$0x3FB4];
	_ =	sdelay $0x3  }
0x34: {  	[smem:$0x3FB4] =	sst s10  }
0x35: {  	s10 =	sld [smem:$0x3FB3];
	_ =	sdelay $0x3  }
0x36: {  	p1 =	seq.s32 s10, $0x1;
	s10 =	sld [smem:$0x3FB4];
	_ =	sdelay $0x3  }
0x37: {  	[smem:$0x3FB4] =	sst s10  }
0x38: {  	s10 =	sld [smem:$0x3FB5]  }
0x39: {  	_ = 	snop;
	(pc) =	sbr.ind lr, $3  }
0x3a: {  	_ = 	snop  }
0x3b: {  	_ = 	snop  }
0x3c: {  	p2 =	seq.s32 s10, $0x1;
	s10 =	sld [smem:$0x3FB4]  }
0x3d: {  	_ =	shalt  }
0x3e: {  	_ =	shalt  }
0x3f: {  	_ =	shalt  }
0x40: {  	_ =	shalt  }
0x41: {  	_ =	shalt  }
0x42: {  	_ =	shalt  }
0x43: {  	_ =	shalt  }
0x44: {  	_ =	shalt  }
0x45: {  	_ =	shalt  }
0x46: {  	_ =	shalt  }
0x47: {  	_ =	shalt  }
0x48: {  	_ =	shalt  }
0x49: {  	_ =	shalt  }
0x4a: {  	_ =	shalt  }
0x4b: {  	_ =	shalt  }
0x4c: {  	_ =	shalt  }
0x4d: {  	_ =	shalt  }
0x4e: {  	_ =	shalt  }
0x4f: {  	_ =	shalt  }
0x50: {  	_ =	shalt  }
0x51: {  	_ =	shalt  }
0x52: {  	_ =	shalt  }
0x53: {  	_ =	shalt  }
0x54: {  	_ =	shalt  }
0x55: {  	_ =	shalt  }
0x56: {  	_ =	shalt  }
0x57: {  	_ =	shalt  }
0x58: {  	_ =	shalt  }
0x59: {  	_ =	shalt  }
0x5a: {  	_ =	shalt  }
0x5b: {  	_ =	shalt  }
0x5c: {  	_ =	shalt  }
0x5d: {  	_ =	shalt  }
0x5e: {  	_ =	shalt  }
0x5f: {  	_ =	shalt  }
0x60: {  	_ =	shalt  }
0x61: {  	_ =	shalt  }
0x62: {  	_ =	shalt  }
0x63: {  	_ =	shalt  }
0x64: {  	_ =	shalt  }
0x65: {  	_ =	shalt  }
0x66: {  	_ =	shalt  }
0x67: {  	_ =	shalt  }
0x68: {  	_ =	shalt  }
0x69: {  	_ =	shalt  }
0x6a: {  	_ =	shalt  }
0x6b: {  	_ =	shalt  }
0x6c: {  	_ =	shalt  }
0x6d: {  	_ =	shalt  }
0x6e: {  	_ =	shalt  }
0x6f: {  	_ =	shalt  }
0x70: {  	_ =	shalt  }
0x71: {  	_ =	shalt  }
0x72: {  	_ =	shalt  }
0x73: {  	_ =	shalt  }
0x74: {  	_ =	shalt  }
0x75: {  	_ =	shalt  }
0x76: {  	_ =	shalt  }
0x77: {  	_ =	shalt  }
0x78: {  	_ =	shalt  }
0x79: {  	_ =	shalt  }
0x7a: {  	_ =	shalt  }
0x7b: {  	_ =	shalt  }
0x7c: {  	_ =	shalt  }
0x7d: {  	_ =	shalt  }
0x7e: {  	_ =	shalt  }
0x7f: {  	_ =	shalt  }
0x80: {  	_ =	shalt  }
0x81: {  	_ =	shalt  }
0x82: {  	_ =	shalt  }
0x83: {  	_ =	shalt  }
0x84: {  	_ =	shalt  }
0x85: {  	_ =	shalt  }
0x86: {  	_ =	shalt  }
0x87: {  	_ =	shalt  }
.Lfunc_end0:
.L_simem_size_0:
called_computation_lowered:
.L_overlay_start_0:
0x88: {  	s2 =	sld [smem:$0x3FD9]  }
0x89: {  	s3 =	sld [smem:$0x3FFE];
	_ =	sdelay $0x1  }
0x8a: {  	s1 =	srdreg.scid  }
0x8b: {  	s0 =	sand.u32 $0x1, s1  }
0x8c: {  	s17 =	sshll.u32 s0, $0xA;
	s2 =	sadd.s32 s3, s2  }
0x8d: {  	s2 =	sadd.s32 s2, s17  }
0x8e: {  	[smem:$0x3FC0] =	sst s2  }
0x8f: {  	_ = 	snop  }
0x90: {  	s2 =	sld [smem:$0x3FC9]  }
0x91: {  	s18 =	sld [smem:$0x3FD0];
	(tm) =	ssettm $0x1  }
0x92: {  	s4 =	sld [smem:$0x3FFB];
	_ =	sdelay $0x3  }
0x93: {  	_ =	strace s4  }
0x94: {  	s4 =	sld [smem:$0x3FFC];
	_ =	sdelay $0x3  }
0x95: {  	_ =	strace s4  }
0x96: {  	s4 =	sld [smem:$0x3FFD];
	_ =	sdelay $0x3  }
0x97: {  	_ =	strace s4  }
0x98: {  	_ =	strace $0x8FFFFFFF  }
0x99: {  	s19 =	sld [smem:$0x3FDB];
	_ =	sdelay $0x1  }
0x9a: {  	s5 =	simm.s32 $_scs_section_size  }
0x9b: {  	s6 =	simm.s32 $_size__tile_overlayer_lowered;
	s7 =	simm.s32 $_tile_overlayer_lowered  }
0x9c: {  	s22 =	simm.s32 $0x1BFF;
	s21 =	sshll.u32 s7, $0x1;
	s4 =	sadd.s32 s5, s19  }
0x9d: {  	s8 =	simm.s32 $0x0;
	s20 =	sshll.u32 s6, $0x1;
	s6 =	sadd.s32 s21, s4  }
0x9e: {  	[timem:s8], [sflag:s22] =	dma.local [hbm:s6], s20  }
0x9f: {  	_ =	swait.ge [sflag:s22], s20  }
0xa0: {  	s5 =	ssub.s32 $0x0, s20;
	[sflag:s22] =	ssyncset.done $0x0  }
0xa1: {  	[sflag:s22] =	ssyncadd.s32 s5;
	_ =	sdelay $0x1  }
0xa2: {  	s23 =	simm.s32 $0x1B8B  }
0xa3: {  	_ =	swait.ge [sflag:s23], $0x1  }
0xa4: {  	[sflag:s23] =	ssyncset.done $0x0  }
0xa5: {  	s25 =	simm.s32 $0x1B8E;
	s24 =	sld [smem:$0x3FFE];
	[sflag:s23] =	ssyncadd.s32 $0xFFFFFFFF  }
0xa6: {  	s26 =	simm.s32 $execute0_lowered;
	[smem:$0x3FD2] =	sst s25  }
0xa7: {  	s6 =	sshll.u32 s26, $0x1;
	_ =	strace $0x80000046;
	[dreg:$0x1] =	wrdreg $0xFFFFFFFF  }
0xa8: {  	s28 =	simm.s32 $_size_execute0_lowered;
	s4 =	sadd.s32 s4, s6;
	[dreg:$0x0] =	wrdreg $0x0  }
0xa9: {  	s6 =	sshll.u32 s28, $0x1;
	[dreg:$0x2] =	wrdreg s4  }
0xaa: {  	[dreg:$0x3] =	wrdreg s6  }
0xab: {  	[dreg:$0x4] =	wrdreg $0xC0  }
0xac: {  	_ =	task [dreg:s8], $0x5FFFF  }
0xad: {  	[dreg:$0x1] =	wrdreg $0xFFFFFFFF  }
0xae: {  	[dreg:$0x0] =	wrdreg $0x60  }
0xaf: {  	[dreg:$0x2] =	wrdreg s2  }
0xb0: {  	[dreg:$0x3] =	wrdreg s24  }
0xb1: {  	[dreg:$0x4] =	wrdreg s18  }
0xb2: {  	[dreg:$0x5] =	wrdreg $0x81000  }
0xb3: {  	[dreg:$0x6] =	wrdreg $0x9  }
0xb4: {  	_ =	task.clear_ibuf [dreg:s8], $0x7FFFF;
	_ =	strace $0x90000046  }
0xb5: {  	s29 =	simm.s32 $0x9;
	_ =	strace $0x80000048  }
0xb6: {  	_ =	swait.ge [sflag:s29], $0x1  }
0xb7: {  	[sflag:s29] =	ssyncadd.s32 $0xFFFFFFFF  }
0xb8: {  	_ =	strace $0x90000048  }
0xb9: {  	_ =	sfence  }
0xba: {  	s30 =	sld [smem:$0x0];
	_ =	sdelay $0x2  }
0xbb: {  	s31 =	sshll.u32 s1, $0xD;
	s1 =	sshrl.u32 s1, $0x2  }
0xbc: {  	s3 =	sand.u32 $0x4000, s31;
	s1 =	sadd.s32 s1, s30  }
0xbd: {  	s0 =	sor.u32 s3, s0;
	s1 =	sshll.u32 s1, $0x11  }
0xbe: {  	s0 =	sor.u32 s1, s0  }
0xbf: {  	s0 =	sadd.s32 $0x8F2B, s0  }
0xc0: {  	[sflag:s0] =	ssyncadd.remote.s32 $0x1  }
0xc1: {  	_ =	sfence.sel $0xFFFF  }
0xc2: {  	[dreg:$0x0] =	wrdreg $0xFFFFFFFF;
	(pc) =	sbr.abs _section_cstart, $3  }
0xc3: {  	[dreg:$0x1] =	wrdreg $0xFFFFFFFF  }
0xc4: {  	_ =	task.clear_ibuf [dreg:s8], $0x2FFFF;
	_ =	strace $0x9FFFFFFF  }
0xc5: {  	(tm) =	ssettm $0x7FFFFFFF  }
tec
execute0_lowered:
.L_overlay_start_1:
0x0: {  	(tag) =	ssettag $0x1  }
0x1: {  	s20 =	rddreg [dreg:$0x0]  }
0x2: {  	s13 =	rddreg [dreg:$0x1]  }
0x3: {  	s4 =	rddreg [dreg:$0x2]  }
0x4: {  	s2 =	rddreg [dreg:$0x3]  }
0x5: {  	s0 =	rddreg [dreg:$0x4]  }
0x6: {  	s3 =	simm.s32 $0x0;
	s5 =	srdreg.scid;
	s1 =	stileid.u32  }
0x7: {  	[smem:$0x7FF] =	sst s3;
	s22 =	sand.u32 $0x1, s5;
	s21 =	sshll.u32 s1, $0xF  }
0x8: {  	s26 =	sshll.u32 s1, $0xC;
	s7 =	sshll.u32 s1, $0x6;
	_ =	strace $0x80000047  }
0x9: {  	s6 =	sadd.s32 s21, s2;
	s4 =	sadd.s32 s4, s26;
	s5 =	sor.u32 $0x1C01, s7  }
0xa: {  	s28 =	sshll.u32 s22, $0x15;
	s7 =	simm.s32 $0x1;
	s6 =	sshrl.u32 s6, $0x3  }
0xb: {  	[spmem:s6], [sflag:s5] =	dma.local [hbm:s4], $0x1000  }
0xc: {  	s9 =	simm.s32 $0x100;
	s8 =	sor.u32 s21, s28;
	_ =	swait.ge [sflag:s7], $0x1000  }
0xd: {  	s23 =	sshll.u32 s1, $0x8;
	s14 =	sshrl.u32 s8, $0x3;
	[sflag:s7] =	ssyncset.done $0x0  }
0xe: {  	s10 =	sshll.u32 s22, $0xE;
	s8 =	sadd.s32 s20, s14;
	[sflag:s7] =	ssyncadd.s32 $0xFFFFF000  }
0xf: {  	[tilespmem:s9], [sflag:$0x1] =	stream.linear.gather [hbm4b:s8+s3], $0x8000, $0x38;
	[tilespmem:$0x10100] =	vst v63  }
0x10: {  	s10 =	sor.u32 s23, s10;
	_ =	swait.ge [sflag:s7], $0x8000  }
0x11: {  	s24 =	sadd.s32 $0x3000, s13;
	s10 =	sshrl.u32 s10, $0x3;
	[sflag:s7] =	ssyncset.done $0x0  }
0x12: {  	s10 =	sadd.s32 s24, s10;
	[sflag:s7] =	ssyncadd.s32 $0xFFFF8000  }
0x13: {  	[tilespmem:s3], [sflag:$0x1] =	stream.linear.gather [hbm4b:s10+s3], $0x100, $0x38;
	[tilespmem:$0x10100] =	vst v63  }
0x14: {  	_ =	swait.ge [sflag:s7], $0x100  }
0x15: {  	[sflag:s7] =	ssyncset.done $0x0  }
0x16: {  	[sflag:s7] =	ssyncadd.s32 $0xFFFFFF00  }
0x17: {  	s11 =	simm.s32 $0x80;
	[bflag:$0x0] =	sbarrier.arrive $0xFFFF  }
0x18: {  	[spmem:s2] =	stream.indirect.scatter.add.f32 [tilespmem:s9], [sflag:$0x1], $0x80, s3, s11, $0xb8;
	[tilespmem:$0x10100] =	vst v63  }
0x19: {  	_ =	swait.ge [sflag:s7], $0x4000  }
0x1a: {  	[sflag:s7] =	ssyncset.done $0x0  }
0x1b: {  	s12 =	simm.s32 $0x4100;
	[sflag:s7] =	ssyncadd.s32 $0xFFFFC000  }
0x1c: {  	[spmem:s2] =	stream.indirect.scatter.add.f32 [tilespmem:s12], [sflag:$0x1], $0x80, s11, s11, $0xb8;
	[tilespmem:$0x10100] =	vst v63  }
0x1d: {  	_ =	swait.ge [sflag:s7], $0x4000  }
0x1e: {  	[sflag:s7] =	ssyncset.done $0x0  }
0x1f: {  	s25 =	sadd.s32 $0x4000, s13;
	[sflag:s7] =	ssyncadd.s32 $0xFFFFC000  }
0x20: {  	s13 =	sadd.s32 s25, s14;
	[bflag:$0x0] =	sbarrier.arrive $0xFFFF  }
0x21: {  	[hbm:s13], [sflag:s5] =	dma.local [spmem:s6], $0x1000  }
0x22: {  	_ =	swait.ge [sflag:s7], $0x1000  }
0x23: {  	s17 =	sshll.u32 s22, $0x2;
	[sflag:s7] =	ssyncset.done $0x0  }
0x24: {  	s15 =	sor.u32 $0x1, s17;
	[sflag:s7] =	ssyncadd.s32 $0xFFFFF000  }
0x25: {  	s29 =	sshll.u32 s15, $0x13;
	[bflag:$0x0] =	sbarrier.arrive $0xFFFF  }
0x26: {  	[spmem:s6], [sflag:s5] =	dma.local [hbm:s4], $0x1000  }
0x27: {  	s14 =	sor.u32 s21, s29;
	_ =	swait.ge [sflag:s7], $0x1000  }
0x28: {  	s16 =	sshrl.u32 s14, $0x3;
	[sflag:s7] =	ssyncset.done $0x0  }
0x29: {  	s15 =	sshll.u32 s15, $0xC;
	s14 =	sadd.s32 s20, s16;
	[sflag:s7] =	ssyncadd.s32 $0xFFFFF000  }
0x2a: {  	[tilespmem:s9], [sflag:$0x1] =	stream.linear.gather [hbm4b:s14+s3], $0x8000, $0x38;
	[tilespmem:$0x10100] =	vst v63  }
0x2b: {  	s15 =	sor.u32 s23, s15;
	_ =	swait.ge [sflag:s7], $0x8000  }
0x2c: {  	s15 =	sshrl.u32 s15, $0x3;
	[sflag:s7] =	ssyncset.done $0x0  }
0x2d: {  	s15 =	sadd.s32 s24, s15;
	[sflag:s7] =	ssyncadd.s32 $0xFFFF8000  }
0x2e: {  	[tilespmem:s3], [sflag:$0x1] =	stream.linear.gather [hbm4b:s15+s3], $0x100, $0x38;
	[tilespmem:$0x10100] =	vst v63  }
0x2f: {  	_ =	swait.ge [sflag:s7], $0x100  }
0x30: {  	[sflag:s7] =	ssyncset.done $0x0  }
0x31: {  	[sflag:s7] =	ssyncadd.s32 $0xFFFFFF00  }
0x32: {  	[bflag:$0x0] =	sbarrier.arrive $0xFFFF  }
0x33: {  	[spmem:s2] =	stream.indirect.scatter.add.f32 [tilespmem:s9], [sflag:$0x1], $0x80, s3, s11, $0xb8;
	[tilespmem:$0x10100] =	vst v63  }
0x34: {  	_ =	swait.ge [sflag:s7], $0x4000  }
0x35: {  	[sflag:s7] =	ssyncset.done $0x0  }
0x36: {  	[sflag:s7] =	ssyncadd.s32 $0xFFFFC000  }
0x37: {  	[spmem:s2] =	stream.indirect.scatter.add.f32 [tilespmem:s12], [sflag:$0x1], $0x80, s11, s11, $0xb8;
	[tilespmem:$0x10100] =	vst v63  }
0x38: {  	_ =	swait.ge [sflag:s7], $0x4000  }
0x39: {  	[sflag:s7] =	ssyncset.done $0x0  }
0x3a: {  	[sflag:s7] =	ssyncadd.s32 $0xFFFFC000  }
0x3b: {  	s16 =	sadd.s32 s25, s16;
	[bflag:$0x0] =	sbarrier.arrive $0xFFFF  }
0x3c: {  	[hbm:s16], [sflag:s5] =	dma.local [spmem:s6], $0x1000  }
0x3d: {  	_ =	swait.ge [sflag:s7], $0x1000  }
0x3e: {  	[sflag:s7] =	ssyncset.done $0x0  }
0x3f: {  	s18 =	sor.u32 $0x2, s17;
	[sflag:s7] =	ssyncadd.s32 $0xFFFFF000  }
0x40: {  	s17 =	sshll.u32 s18, $0x13;
	[bflag:$0x0] =	sbarrier.arrive $0xFFFF  }
0x41: {  	[spmem:s6], [sflag:s5] =	dma.local [hbm:s4], $0x1000  }
0x42: {  	s17 =	sor.u32 s21, s17;
	_ =	swait.ge [sflag:s7], $0x1000  }
0x43: {  	s19 =	sshrl.u32 s17, $0x3;
	[sflag:s7] =	ssyncset.done $0x0  }
0x44: {  	s18 =	sshll.u32 s18, $0xC;
	s17 =	sadd.s32 s20, s19;
	[sflag:s7] =	ssyncadd.s32 $0xFFFFF000  }
0x45: {  	[tilespmem:s9], [sflag:$0x1] =	stream.linear.gather [hbm4b:s17+s3], $0x8000, $0x38;
	[tilespmem:$0x10100] =	vst v63  }
0x46: {  	s18 =	sor.u32 s23, s18;
	_ =	swait.ge [sflag:s7], $0x8000  }
0x47: {  	s18 =	sshrl.u32 s18, $0x3;
	[sflag:s7] =	ssyncset.done $0x0  }
0x48: {  	s18 =	sadd.s32 s24, s18;
	[sflag:s7] =	ssyncadd.s32 $0xFFFF8000  }
0x49: {  	[tilespmem:s3], [sflag:$0x1] =	stream.linear.gather [hbm4b:s18+s3], $0x100, $0x38;
	[tilespmem:$0x10100] =	vst v63  }
0x4a: {  	_ =	swait.ge [sflag:s7], $0x100  }
0x4b: {  	[sflag:s7] =	ssyncset.done $0x0  }
0x4c: {  	[sflag:s7] =	ssyncadd.s32 $0xFFFFFF00  }
0x4d: {  	[bflag:$0x0] =	sbarrier.arrive $0xFFFF  }
0x4e: {  	[spmem:s2] =	stream.indirect.scatter.add.f32 [tilespmem:s9], [sflag:$0x1], $0x80, s3, s11, $0xb8;
	[tilespmem:$0x10100] =	vst v63  }
0x4f: {  	_ =	swait.ge [sflag:s7], $0x4000  }
0x50: {  	[sflag:s7] =	ssyncset.done $0x0  }
0x51: {  	[sflag:s7] =	ssyncadd.s32 $0xFFFFC000  }
0x52: {  	[spmem:s2] =	stream.indirect.scatter.add.f32 [tilespmem:s12], [sflag:$0x1], $0x80, s11, s11, $0xb8;
	[tilespmem:$0x10100] =	vst v63  }
0x53: {  	_ =	swait.ge [sflag:s7], $0x4000  }
0x54: {  	[sflag:s7] =	ssyncset.done $0x0  }
0x55: {  	[sflag:s7] =	ssyncadd.s32 $0xFFFFC000  }
0x56: {  	s19 =	sadd.s32 s25, s19;
	[bflag:$0x0] =	sbarrier.arrive $0xFFFF  }
0x57: {  	[hbm:s19], [sflag:s5] =	dma.local [spmem:s6], $0x1000  }
0x58: {  	_ =	swait.ge [sflag:s7], $0x1000  }
0x59: {  	[sflag:s7] =	ssyncset.done $0x0  }
0x5a: {  	s26 =	sshllo.u32 s22, $0x2;
	[sflag:s7] =	ssyncadd.s32 $0xFFFFF000  }
0x5b: {  	s28 =	sshll.u32 s26, $0x13;
	[bflag:$0x0] =	sbarrier.arrive $0xFFFF  }
0x5c: {  	[spmem:s6], [sflag:s5] =	dma.local [hbm:s4], $0x1000  }
0x5d: {  	s21 =	sor.u32 s21, s28;
	_ =	swait.ge [sflag:s7], $0x1000  }
0x5e: {  	s28 =	sshrl.u32 s21, $0x3;
	[sflag:s7] =	ssyncset.done $0x0  }
0x5f: {  	s30 =	sshll.u32 s26, $0xC;
	s20 =	sadd.s32 s20, s28;
	[sflag:s7] =	ssyncadd.s32 $0xFFFFF000  }
0x60: {  	[tilespmem:s9], [sflag:$0x1] =	stream.linear.gather [hbm4b:s20+s3], $0x8000, $0x38;
	[tilespmem:$0x10100] =	vst v63  }
0x61: {  	s21 =	sor.u32 s23, s30;
	_ =	swait.ge [sflag:s7], $0x8000  }
0x62: {  	s21 =	sshrl.u32 s21, $0x3;
	[sflag:s7] =	ssyncset.done $0x0  }
0x63: {  	s21 =	sadd.s32 s24, s21;
	[sflag:s7] =	ssyncadd.s32 $0xFFFF8000  }
0x64: {  	[tilespmem:s3], [sflag:$0x1] =	stream.linear.gather [hbm4b:s21+s3], $0x100, $0x38;
	[tilespmem:$0x10100] =	vst v63  }
0x65: {  	_ =	swait.ge [sflag:s7], $0x100  }
0x66: {  	[sflag:s7] =	ssyncset.done $0x0  }
0x67: {  	[sflag:s7] =	ssyncadd.s32 $0xFFFFFF00  }
0x68: {  	[bflag:$0x0] =	sbarrier.arrive $0xFFFF  }
0x69: {  	[spmem:s2] =	stream.indirect.scatter.add.f32 [tilespmem:s9], [sflag:$0x1], $0x80, s3, s11, $0xb8;
	[tilespmem:$0x10100] =	vst v63  }
0x6a: {  	_ =	swait.ge [sflag:s7], $0x4000  }
0x6b: {  	s22 =	ssub.s32 $0x2, s22;
	[sflag:s7] =	ssyncset.done $0x0  }
0x6c: {  	s31 =	sshrl.u32 s22, $0x1;
	[sflag:s7] =	ssyncadd.s32 $0xFFFFC000  }
0x6d: {  	[spmem:s2] =	stream.indirect.scatter.add.f32 [tilespmem:s12], [sflag:$0x1], $0x80, s11, s11, $0xb8;
	[tilespmem:$0x10100] =	vst v63  }
0x6e: {  	s23 =	ssub.s32 s22, s31;
	_ =	swait.ge [sflag:s7], $0x4000  }
0x6f: {  	s23 =	smax.u32 s23, $0x1;
	[sflag:s7] =	ssyncset.done $0x0  }
0x70: {  	p0 =	sne.s32 s23, $0x1;
	[sflag:s7] =	ssyncadd.s32 $0xFFFFC000  }
.Ltmp0:
0x71: {  	s22 =	sadd.s32 s25, s28;
	[bflag:$0x0] =	sbarrier.arrive $0xFFFF;
	(pc) =	sbr.rel @!p0 .LBB2_2-.Ltmp0, $4  }
0x72: {  	[hbm:s22], [sflag:s5] =	dma.local [spmem:s6], $0x1000  }
0x73: {  	_ =	swait.ge [sflag:s7], $0x1000  }
0x74: {  	[sflag:s7] =	ssyncset.done $0x0  }
0x75: {  	s23 =	sadd.s32 $0xFFFFFFFF, s23;
	[sflag:s7] =	ssyncadd.s32 $0xFFFFF000  }
.LBB2_1:
0x76: {  	p0 =	sne.s32 s23, $0x1;
	s23 =	sadd.s32 $0xFFFFFFFF, s23;
	[bflag:$0x0] =	sbarrier.arrive $0xFFFF  }
0x77: {  	[spmem:s6], [sflag:s5] =	dma.local [hbm:s4], $0x1000  }
0x78: {  	_ =	swait.ge [sflag:s7], $0x1000  }
0x79: {  	[sflag:s7] =	ssyncset.done $0x0  }
0x7a: {  	[sflag:s7] =	ssyncadd.s32 $0xFFFFF000  }
0x7b: {  	[tilespmem:s9], [sflag:$0x1] =	stream.linear.gather [hbm4b:s8+s3], $0x8000, $0x38;
	[tilespmem:$0x10100] =	vst v63  }
0x7c: {  	_ =	swait.ge [sflag:s7], $0x8000  }
0x7d: {  	[sflag:s7] =	ssyncset.done $0x0  }
0x7e: {  	[sflag:s7] =	ssyncadd.s32 $0xFFFF8000  }
0x7f: {  	[tilespmem:s3], [sflag:$0x1] =	stream.linear.gather [hbm4b:s10+s3], $0x100, $0x38;
	[tilespmem:$0x10100] =	vst v63  }
0x80: {  	_ =	swait.ge [sflag:s7], $0x100  }
0x81: {  	[sflag:s7] =	ssyncset.done $0x0  }
0x82: {  	[sflag:s7] =	ssyncadd.s32 $0xFFFFFF00  }
0x83: {  	[bflag:$0x0] =	sbarrier.arrive $0xFFFF  }
0x84: {  	[spmem:s2] =	stream.indirect.scatter.add.f32 [tilespmem:s9], [sflag:$0x1], $0x80, s3, s11, $0xb8;
	[tilespmem:$0x10100] =	vst v63  }
0x85: {  	_ =	swait.ge [sflag:s7], $0x4000  }
0x86: {  	[sflag:s7] =	ssyncset.done $0x0  }
0x87: {  	[sflag:s7] =	ssyncadd.s32 $0xFFFFC000  }
0x88: {  	[spmem:s2] =	stream.indirect.scatter.add.f32 [tilespmem:s12], [sflag:$0x1], $0x80, s11, s11, $0xb8;
	[tilespmem:$0x10100] =	vst v63  }
0x89: {  	_ =	swait.ge [sflag:s7], $0x4000  }
0x8a: {  	[sflag:s7] =	ssyncset.done $0x0  }
0x8b: {  	[sflag:s7] =	ssyncadd.s32 $0xFFFFC000  }
0x8c: {  	[bflag:$0x0] =	sbarrier.arrive $0xFFFF  }
0x8d: {  	[hbm:s13], [sflag:s5] =	dma.local [spmem:s6], $0x1000  }
0x8e: {  	_ =	swait.ge [sflag:s7], $0x1000  }
0x8f: {  	[sflag:s7] =	ssyncset.done $0x0  }
0x90: {  	[sflag:s7] =	ssyncadd.s32 $0xFFFFF000  }
0x91: {  	[bflag:$0x0] =	sbarrier.arrive $0xFFFF  }
0x92: {  	[spmem:s6], [sflag:s5] =	dma.local [hbm:s4], $0x1000  }
0x93: {  	_ =	swait.ge [sflag:s7], $0x1000  }
0x94: {  	[sflag:s7] =	ssyncset.done $0x0  }
0x95: {  	[sflag:s7] =	ssyncadd.s32 $0xFFFFF000  }
0x96: {  	[tilespmem:s9], [sflag:$0x1] =	stream.linear.gather [hbm4b:s14+s3], $0x8000, $0x38;
	[tilespmem:$0x10100] =	vst v63  }
0x97: {  	_ =	swait.ge [sflag:s7], $0x8000  }
0x98: {  	[sflag:s7] =	ssyncset.done $0x0  }
0x99: {  	[sflag:s7] =	ssyncadd.s32 $0xFFFF8000  }
0x9a: {  	[tilespmem:s3], [sflag:$0x1] =	stream.linear.gather [hbm4b:s15+s3], $0x100, $0x38;
	[tilespmem:$0x10100] =	vst v63  }
0x9b: {  	_ =	swait.ge [sflag:s7], $0x100  }
0x9c: {  	[sflag:s7] =	ssyncset.done $0x0  }
0x9d: {  	[sflag:s7] =	ssyncadd.s32 $0xFFFFFF00  }
0x9e: {  	[bflag:$0x0] =	sbarrier.arrive $0xFFFF  }
0x9f: {  	[spmem:s2] =	stream.indirect.scatter.add.f32 [tilespmem:s9], [sflag:$0x1], $0x80, s3, s11, $0xb8;
	[tilespmem:$0x10100] =	vst v63  }
0xa0: {  	_ =	swait.ge [sflag:s7], $0x4000  }
0xa1: {  	[sflag:s7] =	ssyncset.done $0x0  }
0xa2: {  	[sflag:s7] =	ssyncadd.s32 $0xFFFFC000  }
0xa3: {  	[spmem:s2] =	stream.indirect.scatter.add.f32 [tilespmem:s12], [sflag:$0x1], $0x80, s11, s11, $0xb8;
	[tilespmem:$0x10100] =	vst v63  }
0xa4: {  	_ =	swait.ge [sflag:s7], $0x4000  }
0xa5: {  	[sflag:s7] =	ssyncset.done $0x0  }
0xa6: {  	[sflag:s7] =	ssyncadd.s32 $0xFFFFC000  }
0xa7: {  	[bflag:$0x0] =	sbarrier.arrive $0xFFFF  }
0xa8: {  	[hbm:s16], [sflag:s5] =	dma.local [spmem:s6], $0x1000  }
0xa9: {  	_ =	swait.ge [sflag:s7], $0x1000  }
0xaa: {  	[sflag:s7] =	ssyncset.done $0x0  }
0xab: {  	[sflag:s7] =	ssyncadd.s32 $0xFFFFF000  }
0xac: {  	[bflag:$0x0] =	sbarrier.arrive $0xFFFF  }
0xad: {  	[spmem:s6], [sflag:s5] =	dma.local [hbm:s4], $0x1000  }
0xae: {  	_ =	swait.ge [sflag:s7], $0x1000  }
0xaf: {  	[sflag:s7] =	ssyncset.done $0x0  }
0xb0: {  	[sflag:s7] =	ssyncadd.s32 $0xFFFFF000  }
0xb1: {  	[tilespmem:s9], [sflag:$0x1] =	stream.linear.gather [hbm4b:s17+s3], $0x8000, $0x38;
	[tilespmem:$0x10100] =	vst v63  }
0xb2: {  	_ =	swait.ge [sflag:s7], $0x8000  }
0xb3: {  	[sflag:s7] =	ssyncset.done $0x0  }
0xb4: {  	[sflag:s7] =	ssyncadd.s32 $0xFFFF8000  }
0xb5: {  	[tilespmem:s3], [sflag:$0x1] =	stream.linear.gather [hbm4b:s18+s3], $0x100, $0x38;
	[tilespmem:$0x10100] =	vst v63  }
0xb6: {  	_ =	swait.ge [sflag:s7], $0x100  }
0xb7: {  	[sflag:s7] =	ssyncset.done $0x0  }
0xb8: {  	[sflag:s7] =	ssyncadd.s32 $0xFFFFFF00  }
0xb9: {  	[bflag:$0x0] =	sbarrier.arrive $0xFFFF  }
0xba: {  	[spmem:s2] =	stream.indirect.scatter.add.f32 [tilespmem:s9], [sflag:$0x1], $0x80, s3, s11, $0xb8;
	[tilespmem:$0x10100] =	vst v63  }
0xbb: {  	_ =	swait.ge [sflag:s7], $0x4000  }
0xbc: {  	[sflag:s7] =	ssyncset.done $0x0  }
0xbd: {  	[sflag:s7] =	ssyncadd.s32 $0xFFFFC000  }
0xbe: {  	[spmem:s2] =	stream.indirect.scatter.add.f32 [tilespmem:s12], [sflag:$0x1], $0x80, s11, s11, $0xb8;
	[tilespmem:$0x10100] =	vst v63  }
0xbf: {  	_ =	swait.ge [sflag:s7], $0x4000  }
0xc0: {  	[sflag:s7] =	ssyncset.done $0x0  }
0xc1: {  	[sflag:s7] =	ssyncadd.s32 $0xFFFFC000  }
0xc2: {  	[bflag:$0x0] =	sbarrier.arrive $0xFFFF  }
0xc3: {  	[hbm:s19], [sflag:s5] =	dma.local [spmem:s6], $0x1000  }
0xc4: {  	_ =	swait.ge [sflag:s7], $0x1000  }
0xc5: {  	[sflag:s7] =	ssyncset.done $0x0  }
0xc6: {  	[sflag:s7] =	ssyncadd.s32 $0xFFFFF000  }
0xc7: {  	[bflag:$0x0] =	sbarrier.arrive $0xFFFF  }
0xc8: {  	[spmem:s6], [sflag:s5] =	dma.local [hbm:s4], $0x1000  }
0xc9: {  	_ =	swait.ge [sflag:s7], $0x1000  }
0xca: {  	[sflag:s7] =	ssyncset.done $0x0  }
0xcb: {  	[sflag:s7] =	ssyncadd.s32 $0xFFFFF000  }
0xcc: {  	[tilespmem:s9], [sflag:$0x1] =	stream.linear.gather [hbm4b:s20+s3], $0x8000, $0x38;
	[tilespmem:$0x10100] =	vst v63  }
0xcd: {  	_ =	swait.ge [sflag:s7], $0x8000  }
0xce: {  	[sflag:s7] =	ssyncset.done $0x0  }
0xcf: {  	[sflag:s7] =	ssyncadd.s32 $0xFFFF8000  }
0xd0: {  	[tilespmem:s3], [sflag:$0x1] =	stream.linear.gather [hbm4b:s21+s3], $0x100, $0x38;
	[tilespmem:$0x10100] =	vst v63  }
0xd1: {  	_ =	swait.ge [sflag:s7], $0x100  }
0xd2: {  	[sflag:s7] =	ssyncset.done $0x0  }
0xd3: {  	[sflag:s7] =	ssyncadd.s32 $0xFFFFFF00  }
0xd4: {  	[bflag:$0x0] =	sbarrier.arrive $0xFFFF  }
0xd5: {  	[spmem:s2] =	stream.indirect.scatter.add.f32 [tilespmem:s9], [sflag:$0x1], $0x80, s3, s11, $0xb8;
	[tilespmem:$0x10100] =	vst v63  }
0xd6: {  	_ =	swait.ge [sflag:s7], $0x4000  }
0xd7: {  	[sflag:s7] =	ssyncset.done $0x0  }
0xd8: {  	[sflag:s7] =	ssyncadd.s32 $0xFFFFC000  }
0xd9: {  	[spmem:s2] =	stream.indirect.scatter.add.f32 [tilespmem:s12], [sflag:$0x1], $0x80, s11, s11, $0xb8;
	[tilespmem:$0x10100] =	vst v63  }
0xda: {  	_ =	swait.ge [sflag:s7], $0x4000  }
0xdb: {  	[sflag:s7] =	ssyncset.done $0x0  }
0xdc: {  	[sflag:s7] =	ssyncadd.s32 $0xFFFFC000  }
.Ltmp1:
0xdd: {  	[bflag:$0x0] =	sbarrier.arrive $0xFFFF;
	(pc) =	sbr.rel @p0 .LBB2_1-.Ltmp1, $4  }
0xde: {  	[hbm:s22], [sflag:s5] =	dma.local [spmem:s6], $0x1000  }
0xdf: {  	_ =	swait.ge [sflag:s7], $0x1000  }
0xe0: {  	[sflag:s7] =	ssyncset.done $0x0  }
0xe1: {  	[sflag:s7] =	ssyncadd.s32 $0xFFFFF000  }
.LBB2_2:
0xe2: {  	[bflag:$0x0] =	sbarrier.arrive $0xFFFF  }
0xe3: {  	_ =	sfence.sel $0x180000  }
0xe4: {  	[bflag:$0x0] =	sbarrier.arrive $0xFFFF  }
0xe5: {  	p0 =	sne.s32 s1, $0x0;
	_ =	strace $0x90000047  }
0xe6: {  	s0 =	sadd.s32 @!p0 $0x100000, s0;
	[bflag:$0x2] =	sbarrier.arrive $0xFFFF  }
0xe7: {  	[sflag:s0] =	ssyncadd.tile.s32 @!p0 $0x1;
	_ =	shalt  }
.Lfunc_end2:
_tile_overlayer_lowered:
.L_overlay_start_2:
0xe8: {  	(tag) =	ssettag $0x2  }
0xe9: {  	s0 =	rddreg [dreg:$0x0];
	s2 =	stileid.u32  }
0xea: {  	s1 =	rddreg [dreg:$0x1];
	p0 =	sne.s32 s2, $0x0  }
0xeb: {  	s3 =	rddreg [dreg:$0x2];
	[bflag:$0x3] =	sbarrier.arrive $0xFFFF;
	s2 =	simm.s32 @!p0 $0x1C01  }
0xec: {  	[timem:s3], [sflag:s2] =	dma.local @!p0 [hbm:s0], s1  }
0xed: {  	s0 =	simm.s32 @!p0 $0x1  }
0xee: {  	_ =	swait.ge @!p0 [sflag:s0], s1  }
0xef: {  	s1 =	ssub.s32 @!p0 $0x0, s1;
	[sflag:s0] =	ssyncset.done @!p0 $0x0  }
0xf0: {  	[sflag:s0] =	ssyncadd.s32 @!p0 s1  }
0xf1: {  	[bflag:$0x3] =	sbarrier.arrive $0xFFFF  }
0xf2: {  	_ =	shalt  }

</sc_bundles>
